<compile_context>
chip_gen: v7x
topology: tpu7x:2x2x1
jax: 0.10.2.dev20260603
libtpu: 0.0.44.dev20260713+nightly
codegen_flags: <defaults>
</compile_context>

<pallas_src>
import jax
import jax.numpy as jnp
from jax.experimental import pallas as pl

_N_BOXES = 20000
_PRE_TOPK = 6000
_POST_TOPK = 1000
_THRESH = 0.7
_NPAD = 6144
_ROWS = 48
_PIV_BLOCKS = 375


def _nms_body(x1r, y1r, x2r, y2r, x1c, y1c, x2c, y2c, keep_ref):
    keep_ref[...] = jnp.ones((_ROWS, 128), jnp.float32)
    lane = jax.lax.broadcasted_iota(jnp.int32, (1, 128), 1)
    gidx = (
        jax.lax.broadcasted_iota(jnp.int32, (_ROWS, 128), 0) * 128
        + jax.lax.broadcasted_iota(jnp.int32, (_ROWS, 128), 1)
    )
    areas = (x2r[...] - x1r[...]) * (y2r[...] - y1r[...])

    def row_body(q, cnt):
        def do_row(c):
            x1q = x1r[pl.ds(q, 1), :]
            y1q = y1r[pl.ds(q, 1), :]
            x2q = x2r[pl.ds(q, 1), :]
            y2q = y2r[pl.ds(q, 1), :]
            areas_q = (x2q - x1q) * (y2q - y1q)
            krow0 = keep_ref[pl.ds(q, 1), :]
            supacc0 = jnp.zeros((_ROWS, 128), jnp.float32)
            n_s = jnp.where(q == 46, 7, 8)

            def sub_body(s, carry):
                krow, supacc = carry
                i = q * 8 + s
                px1 = jnp.reshape(x1c[pl.ds(i, 1)], (16, 1))
                py1 = jnp.reshape(y1c[pl.ds(i, 1)], (16, 1))
                px2 = jnp.reshape(x2c[pl.ds(i, 1)], (16, 1))
                py2 = jnp.reshape(y2c[pl.ds(i, 1)], (16, 1))
                for r in range(16):
                    p = i * 16 + r
                    lp = s * 16 + r
                    oh = (lane == lp).astype(jnp.float32)
                    kp = jnp.sum(krow * oh, axis=1, keepdims=True)
                    bx1 = px1[r : r + 1, :]
                    by1 = py1[r : r + 1, :]
                    bx2 = px2[r : r + 1, :]
                    by2 = py2[r : r + 1, :]
                    parea = (bx2 - bx1) * (by2 - by1)
                    wq = jnp.clip(jnp.minimum(bx2, x2q) - jnp.maximum(bx1, x1q), 0.0)
                    hq = jnp.clip(jnp.minimum(by2, y2q) - jnp.maximum(by1, y1q), 0.0)
                    interq = wq * hq
                    iouq = interq / (parea + areas_q - interq + 1e-9)
                    supq = ((iouq > _THRESH) & (lane > lp)).astype(jnp.float32)
                    krow = krow * (1.0 - supq * kp)
                    w = jnp.clip(
                        jnp.minimum(bx2, x2r[...]) - jnp.maximum(bx1, x1r[...]), 0.0
                    )
                    h = jnp.clip(
                        jnp.minimum(by2, y2r[...]) - jnp.maximum(by1, y1r[...]), 0.0
                    )
                    inter = w * h
                    iou = inter / (parea + areas - inter + 1e-9)
                    sup = ((iou > _THRESH) & (gidx > p)).astype(jnp.float32)
                    supacc = jnp.maximum(supacc, sup * kp)
                return krow, supacc

            krow, supacc = jax.lax.fori_loop(0, n_s, sub_body, (krow0, supacc0))
            keep_ref[...] = keep_ref[...] * (1.0 - supacc)
            real = ((q * 128 + lane) < _PRE_TOPK).astype(jnp.float32)
            return c + jnp.sum(krow * real)

        return jax.lax.cond(cnt < float(_POST_TOPK), do_row, lambda c: c, cnt)

    jax.lax.fori_loop(0, 47, row_body, 0.0)


@jax.jit
def kernel(boxes, scores):
    top_scores, top_idx = jax.lax.top_k(scores, _PRE_TOPK)
    top_boxes = jnp.take(boxes, top_idx, axis=0)

    pad = _NPAD - _PRE_TOPK
    pb = jnp.pad(top_boxes, ((0, pad), (0, 0)))
    x1 = pb[:, 0]
    y1 = pb[:, 1]
    x2 = pb[:, 2]
    y2 = pb[:, 3]
    row = lambda v: v.reshape(_ROWS, 128)
    col = lambda v: v[:_PRE_TOPK].reshape(_PIV_BLOCKS, 16, 1)

    keep = pl.pallas_call(
        _nms_body,
        out_shape=jax.ShapeDtypeStruct((_ROWS, 128), jnp.float32),
    )(row(x1), row(y1), row(x2), row(y2), col(x1), col(y1), col(x2), col(y2))

    keepf = keep.reshape(-1)[:_PRE_TOPK] > 0.5
    masked = jnp.where(keepf, top_scores, -jnp.inf)
    _, sel = jax.lax.top_k(masked, _POST_TOPK)
    final_boxes = jnp.take(top_boxes, sel, axis=0)
    final_scores = jnp.take(top_scores, sel, axis=0)
    return jnp.concatenate([final_boxes, final_scores[:, None]], axis=1)

# --- scband reference (transcript-rebuilt; emitter-appended) ---
"""Pipeline reference for scband-faster-rcnnproposal-generator-55946243998036 (READ-ONLY COPY).

The authoritative reference and input builder live on the scoring server;
editing this copy changes nothing except your own understanding.
"""

import jax, jax.numpy as jnp
import numpy as np

N_BOXES = 20000
PRE_NMS_TOPK = 6000
POST_NMS_TOPK = 1000
NMS_THRESH = 0.7


def setup_inputs(seed: int = 0) -> dict:
    key = jax.random.key(seed)
    k1, k2 = jax.random.split(key)
    raw = jax.random.uniform(k1, (N_BOXES, 4), dtype=jnp.float32)
    # build valid xyxy boxes inside a ~1024x1024 image from uniform raw values
    cx = raw[:, 0] * 1024.0
    cy = raw[:, 1] * 1024.0
    w = raw[:, 2] * 200.0 + 8.0
    h = raw[:, 3] * 200.0 + 8.0
    boxes = jnp.stack([cx - w * 0.5, cy - h * 0.5, cx + w * 0.5, cy + h * 0.5], axis=1)
    scores = jax.random.uniform(k2, (N_BOXES,), dtype=jnp.float32)
    return {"boxes": boxes, "scores": scores}


def _pairwise_iou(a, b):
    area_a = (a[:, 2] - a[:, 0]) * (a[:, 3] - a[:, 1])
    area_b = (b[:, 2] - b[:, 0]) * (b[:, 3] - b[:, 1])
    lt = jnp.maximum(a[:, None, :2], b[None, :, :2])
    rb = jnp.minimum(a[:, None, 2:], b[None, :, 2:])
    wh = jnp.clip(rb - lt, 0.0)
    inter = wh[..., 0] * wh[..., 1]
    return inter / (area_a[:, None] + area_b[None, :] - inter + 1e-9)


def _nms_keep(boxes, n, thresh):
    # greedy NMS over score-sorted boxes (boxes already sorted desc by score)
    iou = _pairwise_iou(boxes, boxes)
    idx = jnp.arange(n)

    def body(i, keep):
        suppress = (iou[i] > thresh) & (idx > i) & keep[i]
        return keep & (~suppress)

    return jax.lax.fori_loop(0, n, body, jnp.ones((n,), dtype=bool))


def reference(boxes, scores):
    # RPN-style proposal generation: pre-NMS top-k -> greedy NMS -> post-NMS top-k
    top_scores, top_idx = jax.lax.top_k(scores, PRE_NMS_TOPK)
    top_boxes = jnp.take(boxes, top_idx, axis=0)
    keep = jax.lax.stop_gradient(
        _nms_keep(jax.lax.stop_gradient(top_boxes), PRE_NMS_TOPK, NMS_THRESH)
    )
    masked = jnp.where(keep, top_scores, -jnp.inf)
    _, sel = jax.lax.top_k(masked, POST_NMS_TOPK)
    final_boxes = jnp.take(top_boxes, sel, axis=0)
    final_scores = jnp.take(top_scores, sel, axis=0)
    # proposals: (post_nms_topk, 5) = [x1, y1, x2, y2, objectness]
    return jnp.concatenate([final_boxes, final_scores[:, None]], axis=1)

if __name__ == "__main__":
    import jax
    _d = setup_inputs()
    print(jax.jit(kernel)(*tuple(_d.values())))

</pallas_src>

<mosaic_0001>
module attributes {stable_mosaic.version = 14 : i64} {
  func.func @_nms_body(%arg0: memref<48x128xf32, #tpu.memory_space<vmem>>, %arg1: memref<48x128xf32, #tpu.memory_space<vmem>>, %arg2: memref<48x128xf32, #tpu.memory_space<vmem>>, %arg3: memref<48x128xf32, #tpu.memory_space<vmem>>, %arg4: memref<375x16x1xf32, #tpu.memory_space<vmem>>, %arg5: memref<375x16x1xf32, #tpu.memory_space<vmem>>, %arg6: memref<375x16x1xf32, #tpu.memory_space<vmem>>, %arg7: memref<375x16x1xf32, #tpu.memory_space<vmem>>, %arg8: memref<48x128xf32, #tpu.memory_space<vmem>>) attributes {dimension_semantics = [], scalar_prefetch = 0 : i64, scratch_operands = 0 : i64, tpu.core_type = #tpu.core_type<tc>} {
    %broadcast_in_dim3A = arith.constant 1.000000e+00 : f32
    %broadcast_in_dim3A_0 = vector.broadcast %broadcast_in_dim3A : f32 to vector<48x128xf32>
    %swap3A = arith.constant 0 : index
    %swap3A_1 = arith.constant 0 : index
    %swap3A_2 = vector.load %arg8[%swap3A, %swap3A_1] : memref<48x128xf32, #tpu.memory_space<vmem>>, vector<48x128xf32>
    tpu.vector_store %arg8[%swap3A, %swap3A_1], %broadcast_in_dim3A_0 {strides = array<i32>} : memref<48x128xf32, #tpu.memory_space<vmem>>, vector<48x128xf32>,
    %iota3A = tpu.iota {dimensions = array<i32: 1>} : vector<1x128xi32>
    %iota3A_3 = tpu.iota {dimensions = array<i32: 0>} : vector<48x128xi32>
    %mul3A = arith.constant 128 : i32
    %mul3A_4 = vector.broadcast %mul3A : i32 to vector<48x128xi32>
    %mul3A_5 = arith.muli %iota3A_3, %mul3A_4 : vector<48x128xi32>
    %iota3A_6 = tpu.iota {dimensions = array<i32: 1>} : vector<48x128xi32>
    %add3A = arith.addi %mul3A_5, %iota3A_6 : vector<48x128xi32>
    %get3A = arith.constant 0 : index
    %get3A_7 = arith.constant 0 : index
    %get3A_8 = vector.load %arg2[%get3A, %get3A_7] : memref<48x128xf32, #tpu.memory_space<vmem>>, vector<48x128xf32>
    %get3A_9 = arith.constant 0 : index
    %get3A_10 = arith.constant 0 : index
    %get3A_11 = vector.load %arg0[%get3A_9, %get3A_10] : memref<48x128xf32, #tpu.memory_space<vmem>>, vector<48x128xf32>
    %sub3A = arith.subf %get3A_8, %get3A_11 : vector<48x128xf32>
    %get3A_12 = arith.constant 0 : index
    %get3A_13 = arith.constant 0 : index
    %get3A_14 = vector.load %arg3[%get3A_12, %get3A_13] : memref<48x128xf32, #tpu.memory_space<vmem>>, vector<48x128xf32>
    %get3A_15 = arith.constant 0 : index
    %get3A_16 = arith.constant 0 : index
    %get3A_17 = vector.load %arg1[%get3A_15, %get3A_16] : memref<48x128xf32, #tpu.memory_space<vmem>>, vector<48x128xf32>
    %sub3A_18 = arith.subf %get3A_14, %get3A_17 : vector<48x128xf32>
    %mul3A_19 = arith.mulf %sub3A, %sub3A_18 : vector<48x128xf32>
    %scan3A = arith.constant 0.000000e+00 : f32
    %scan3A_20 = arith.constant 0 : i32
    %scan3A_21 = arith.constant 47 : i32
    %scan3A_22 = arith.addi %scan3A_20, %scan3A_21 : i32
    %scan3A_23 = arith.constant 1 : i32
    %scan3A_24 = scf.for %scan3A_26 = %scan3A_20 to %scan3A_22 step %scan3A_23 iter_args(%scan3A_27 = %scan3A) -> (f32)  : i32 {
      %lt3A = arith.constant 1.000000e+03 : f32
      %lt3A_28 = arith.cmpf olt, %scan3A_27, %lt3A : f32
      %convert_element_type3A = arith.extui %lt3A_28 : i1 to i32
      %cond3A = arith.constant 0 : i32
      %cond3A_29 = arith.cmpi ne, %convert_element_type3A, %cond3A : i32
      %cond3A_30 = scf.if %cond3A_29 -> (f32) {
        %get3A_31 = arith.index_cast %scan3A_26 : i32 to index
        %get3A_32 = arith.constant 0 : index
        %get3A_33 = vector.load %arg0[%get3A_31, %get3A_32] : memref<48x128xf32, #tpu.memory_space<vmem>>, vector<1x128xf32>
        %get3A_34 = arith.index_cast %scan3A_26 : i32 to index
        %get3A_35 = arith.constant 0 : index
        %get3A_36 = vector.load %arg1[%get3A_34, %get3A_35] : memref<48x128xf32, #tpu.memory_space<vmem>>, vector<1x128xf32>
        %get3A_37 = arith.index_cast %scan3A_26 : i32 to index
        %get3A_38 = arith.constant 0 : index
        %get3A_39 = vector.load %arg2[%get3A_37, %get3A_38] : memref<48x128xf32, #tpu.memory_space<vmem>>, vector<1x128xf32>
        %get3A_40 = arith.index_cast %scan3A_26 : i32 to index
        %get3A_41 = arith.constant 0 : index
        %get3A_42 = vector.load %arg3[%get3A_40, %get3A_41] : memref<48x128xf32, #tpu.memory_space<vmem>>, vector<1x128xf32>
        %sub3A_43 = arith.subf %get3A_39, %get3A_33 : vector<1x128xf32>
        %sub3A_44 = arith.subf %get3A_42, %get3A_36 : vector<1x128xf32>
        %mul3A_45 = arith.mulf %sub3A_43, %sub3A_44 : vector<1x128xf32>
        %get3A_46 = arith.index_cast %scan3A_26 : i32 to index
        %get3A_47 = arith.constant 0 : index
        %get3A_48 = vector.load %arg8[%get3A_46, %get3A_47] : memref<48x128xf32, #tpu.memory_space<vmem>>, vector<1x128xf32>
        %broadcast_in_dim3A_49 = arith.constant 0.000000e+00 : f32
        %broadcast_in_dim3A_50 = vector.broadcast %broadcast_in_dim3A_49 : f32 to vector<48x128xf32>
        %eq3A = arith.constant 46 : i32
        %eq3A_51 = arith.cmpi eq, %scan3A_26, %eq3A : i32
        %jit3A = arith.constant 7 : i32
        %jit3A_52 = arith.constant 8 : i32
        %select_n3A = arith.select %eq3A_51, %jit3A, %jit3A_52 : i32
        %while3A = arith.constant 0 : i32
        %while3A_53 = arith.subi %select_n3A, %while3A : i32
        %while3A_54 = arith.addi %while3A, %while3A_53 : i32
        %while3A_55 = arith.constant 1 : i32
        %while3A_56 = arith.divsi %while3A_53, %while3A_55 : i32
        %while3A_57 = arith.muli %while3A_56, %while3A_55 : i32
        %while3A_58 = arith.addi %while3A, %while3A_57 : i32
        %while3A_59 = arith.constant 1 : i32
        %while3A_60:2 = scf.for %while3A_88 = %while3A to %while3A_58 step %while3A_59 iter_args(%while3A_89 = %get3A_48, %while3A_90 = %broadcast_in_dim3A_50) -> (vector<1x128xf32>, vector<48x128xf32>)  : i32 {
          %mul3A_91 = arith.constant 8 : i32
          %mul3A_92 = arith.muli %scan3A_26, %mul3A_91 : i32
          %add3A_93 = arith.addi %mul3A_92, %while3A_88 : i32
          %get3A_94 = arith.index_cast %add3A_93 : i32 to index
          %get3A_95 = arith.constant 0 : index
          %get3A_96 = arith.constant 0 : index
          %get3A_97 = vector.load %arg4[%get3A_94, %get3A_95, %get3A_96] : memref<375x16x1xf32, #tpu.memory_space<vmem>>, vector<1x16x1xf32>
          %reshape3A = vector.shape_cast %get3A_97 : vector<1x16x1xf32> to vector<16x1xf32>
          %get3A_98 = arith.index_cast %add3A_93 : i32 to index
          %get3A_99 = arith.constant 0 : index
          %get3A_100 = arith.constant 0 : index
          %get3A_101 = vector.load %arg5[%get3A_98, %get3A_99, %get3A_100] : memref<375x16x1xf32, #tpu.memory_space<vmem>>, vector<1x16x1xf32>
          %reshape3A_102 = vector.shape_cast %get3A_101 : vector<1x16x1xf32> to vector<16x1xf32>
          %get3A_103 = arith.index_cast %add3A_93 : i32 to index
          %get3A_104 = arith.constant 0 : index
          %get3A_105 = arith.constant 0 : index
          %get3A_106 = vector.load %arg6[%get3A_103, %get3A_104, %get3A_105] : memref<375x16x1xf32, #tpu.memory_space<vmem>>, vector<1x16x1xf32>
          %reshape3A_107 = vector.shape_cast %get3A_106 : vector<1x16x1xf32> to vector<16x1xf32>
          %get3A_108 = arith.index_cast %add3A_93 : i32 to index
          %get3A_109 = arith.constant 0 : index
          %get3A_110 = arith.constant 0 : index
          %get3A_111 = vector.load %arg7[%get3A_108, %get3A_109, %get3A_110] : memref<375x16x1xf32, #tpu.memory_space<vmem>>, vector<1x16x1xf32>
          %reshape3A_112 = vector.shape_cast %get3A_111 : vector<1x16x1xf32> to vector<16x1xf32>
          %mul3A_113 = arith.constant 16 : i32
          %mul3A_114 = arith.muli %add3A_93, %mul3A_113 : i32
          %add3A_115 = arith.constant 0 : i32
          %add3A_116 = arith.addi %mul3A_114, %add3A_115 : i32
          %mul3A_117 = arith.constant 16 : i32
          %mul3A_118 = arith.muli %while3A_88, %mul3A_117 : i32
          %add3A_119 = arith.constant 0 : i32
          %add3A_120 = arith.addi %mul3A_118, %add3A_119 : i32
          %eq3A_121 = vector.broadcast %add3A_120 : i32 to vector<1x128xi32>
          %eq3A_122 = arith.cmpi eq, %iota3A, %eq3A_121 : vector<1x128xi32>
          %convert_element_type3A_123 = arith.extui %eq3A_122 : vector<1x128xi1> to vector<1x128xi32>
          %convert_element_type3A_124 = arith.sitofp %convert_element_type3A_123 : vector<1x128xi32> to vector<1x128xf32>
          %mul3A_125 = arith.mulf %while3A_89, %convert_element_type3A_124 : vector<1x128xf32>
          %reduce_sum3A_126 = arith.constant dense<0.000000e+00> : vector<1xf32>
          %reduce_sum3A_127 = vector.multi_reduction <add>, %mul3A_125, %reduce_sum3A_126 [1] : vector<1x128xf32> to vector<1xf32>
          %broadcast_in_dim3A_128 = vector.shape_cast %reduce_sum3A_127 : vector<1xf32> to vector<1x1xf32>
          %slice3A = vector.extract_strided_slice %reshape3A {offsets = [0, 0], sizes = [1, 1], strides = [1, 1]} : vector<16x1xf32> to vector<1x1xf32>
          %slice3A_129 = vector.extract_strided_slice %reshape3A_102 {offsets = [0, 0], sizes = [1, 1], strides = [1, 1]} : vector<16x1xf32> to vector<1x1xf32>
          %slice3A_130 = vector.extract_strided_slice %reshape3A_107 {offsets = [0, 0], sizes = [1, 1], strides = [1, 1]} : vector<16x1xf32> to vector<1x1xf32>
          %slice3A_131 = vector.extract_strided_slice %reshape3A_112 {offsets = [0, 0], sizes = [1, 1], strides = [1, 1]} : vector<16x1xf32> to vector<1x1xf32>
          %sub3A_132 = arith.subf %slice3A_130, %slice3A : vector<1x1xf32>
          %sub3A_133 = arith.subf %slice3A_131, %slice3A_129 : vector<1x1xf32>
          %mul3A_134 = arith.mulf %sub3A_132, %sub3A_133 : vector<1x1xf32>
          %min3A = vector.broadcast %slice3A_130 : vector<1x1xf32> to vector<1x128xf32>
          %min3A_135 = arith.minimumf %min3A, %get3A_39 : vector<1x128xf32>
          %max3A = vector.broadcast %slice3A : vector<1x1xf32> to vector<1x128xf32>
          %max3A_136 = arith.maximumf %max3A, %get3A_33 : vector<1x128xf32>
          %sub3A_137 = arith.subf %min3A_135, %max3A_136 : vector<1x128xf32>
          %jit3A_138 = arith.constant 0.000000e+00 : f32
          %max3A_139 = vector.broadcast %jit3A_138 : f32 to vector<1x128xf32>
          %max3A_140 = arith.maximumf %max3A_139, %sub3A_137 : vector<1x128xf32>
          %min3A_141 = vector.broadcast %slice3A_131 : vector<1x1xf32> to vector<1x128xf32>
          %min3A_142 = arith.minimumf %min3A_141, %get3A_42 : vector<1x128xf32>
          %max3A_143 = vector.broadcast %slice3A_129 : vector<1x1xf32> to vector<1x128xf32>
          %max3A_144 = arith.maximumf %max3A_143, %get3A_36 : vector<1x128xf32>
          %sub3A_145 = arith.subf %min3A_142, %max3A_144 : vector<1x128xf32>
          %jit3A_146 = arith.constant 0.000000e+00 : f32
          %max3A_147 = vector.broadcast %jit3A_146 : f32 to vector<1x128xf32>
          %max3A_148 = arith.maximumf %max3A_147, %sub3A_145 : vector<1x128xf32>
          %mul3A_149 = arith.mulf %max3A_140, %max3A_148 : vector<1x128xf32>
          %add3A_150 = vector.broadcast %mul3A_134 : vector<1x1xf32> to vector<1x128xf32>
          %add3A_151 = arith.addf %add3A_150, %mul3A_45 : vector<1x128xf32>
          %sub3A_152 = arith.subf %add3A_151, %mul3A_149 : vector<1x128xf32>
          %add3A_153 = arith.constant 9.99999971E-10 : f32
          %add3A_154 = vector.broadcast %add3A_153 : f32 to vector<1x128xf32>
          %add3A_155 = arith.addf %sub3A_152, %add3A_154 : vector<1x128xf32>
          %div3A = arith.divf %mul3A_149, %add3A_155 : vector<1x128xf32>
          %gt3A = arith.constant 0.699999988 : f32
          %gt3A_156 = vector.broadcast %gt3A : f32 to vector<1x128xf32>
          %gt3A_157 = arith.cmpf ogt, %div3A, %gt3A_156 : vector<1x128xf32>
          %gt3A_158 = vector.broadcast %add3A_120 : i32 to vector<1x128xi32>
          %gt3A_159 = arith.cmpi sgt, %iota3A, %gt3A_158 : vector<1x128xi32>
          %and3A = arith.andi %gt3A_157, %gt3A_159 : vector<1x128xi1>
          %convert_element_type3A_160 = arith.extui %and3A : vector<1x128xi1> to vector<1x128xi32>
          %convert_element_type3A_161 = arith.sitofp %convert_element_type3A_160 : vector<1x128xi32> to vector<1x128xf32>
          %mul3A_162 = vector.broadcast %broadcast_in_dim3A_128 : vector<1x1xf32> to vector<1x128xf32>
          %mul3A_163 = arith.mulf %convert_element_type3A_161, %mul3A_162 : vector<1x128xf32>
          %sub3A_164 = arith.constant 1.000000e+00 : f32
          %sub3A_165 = vector.broadcast %sub3A_164 : f32 to vector<1x128xf32>
          %sub3A_166 = arith.subf %sub3A_165, %mul3A_163 : vector<1x128xf32>
          %mul3A_167 = arith.mulf %while3A_89, %sub3A_166 : vector<1x128xf32>
          %get3A_168 = arith.constant 0 : index
          %get3A_169 = arith.constant 0 : index
          %get3A_170 = vector.load %arg2[%get3A_168, %get3A_169] : memref<48x128xf32, #tpu.memory_space<vmem>>, vector<48x128xf32>
          %min3A_171 = vector.broadcast %slice3A_130 : vector<1x1xf32> to vector<48x128xf32>
          %min3A_172 = arith.minimumf %min3A_171, %get3A_170 : vector<48x128xf32>
          %get3A_173 = arith.constant 0 : index
          %get3A_174 = arith.constant 0 : index
          %get3A_175 = vector.load %arg0[%get3A_173, %get3A_174] : memref<48x128xf32, #tpu.memory_space<vmem>>, vector<48x128xf32>
          %max3A_176 = vector.broadcast %slice3A : vector<1x1xf32> to vector<48x128xf32>
          %max3A_177 = arith.maximumf %max3A_176, %get3A_175 : vector<48x128xf32>
          %sub3A_178 = arith.subf %min3A_172, %max3A_177 : vector<48x128xf32>
          %jit3A_179 = arith.constant 0.000000e+00 : f32
          %max3A_180 = vector.broadcast %jit3A_179 : f32 to vector<48x128xf32>
          %max3A_181 = arith.maximumf %max3A_180, %sub3A_178 : vector<48x128xf32>
          %get3A_182 = arith.constant 0 : index
          %get3A_183 = arith.constant 0 : index
          %get3A_184 = vector.load %arg3[%get3A_182, %get3A_183] : memref<48x128xf32, #tpu.memory_space<vmem>>, vector<48x128xf32>
          %min3A_185 = vector.broadcast %slice3A_131 : vector<1x1xf32> to vector<48x128xf32>
          %min3A_186 = arith.minimumf %min3A_185, %get3A_184 : vector<48x128xf32>
          %get3A_187 = arith.constant 0 : index
          %get3A_188 = arith.constant 0 : index
          %get3A_189 = vector.load %arg1[%get3A_187, %get3A_188] : memref<48x128xf32, #tpu.memory_space<vmem>>, vector<48x128xf32>
          %max3A_190 = vector.broadcast %slice3A_129 : vector<1x1xf32> to vector<48x128xf32>
          %max3A_191 = arith.maximumf %max3A_190, %get3A_189 : vector<48x128xf32>
          %sub3A_192 = arith.subf %min3A_186, %max3A_191 : vector<48x128xf32>
          %jit3A_193 = arith.constant 0.000000e+00 : f32
          %max3A_194 = vector.broadcast %jit3A_193 : f32 to vector<48x128xf32>
          %max3A_195 = arith.maximumf %max3A_194, %sub3A_192 : vector<48x128xf32>
          %mul3A_196 = arith.mulf %max3A_181, %max3A_195 : vector<48x128xf32>
          %add3A_197 = vector.broadcast %mul3A_134 : vector<1x1xf32> to vector<48x128xf32>
          %add3A_198 = arith.addf %add3A_197, %mul3A_19 : vector<48x128xf32>
          %sub3A_199 = arith.subf %add3A_198, %mul3A_196 : vector<48x128xf32>
          %add3A_200 = arith.constant 9.99999971E-10 : f32
          %add3A_201 = vector.broadcast %add3A_200 : f32 to vector<48x128xf32>
          %add3A_202 = arith.addf %sub3A_199, %add3A_201 : vector<48x128xf32>
          %div3A_203 = arith.divf %mul3A_196, %add3A_202 : vector<48x128xf32>
          %gt3A_204 = arith.constant 0.699999988 : f32
          %gt3A_205 = vector.broadcast %gt3A_204 : f32 to vector<48x128xf32>
          %gt3A_206 = arith.cmpf ogt, %div3A_203, %gt3A_205 : vector<48x128xf32>
          %gt3A_207 = vector.broadcast %add3A_116 : i32 to vector<48x128xi32>
          %gt3A_208 = arith.cmpi sgt, %add3A, %gt3A_207 : vector<48x128xi32>
          %and3A_209 = arith.andi %gt3A_206, %gt3A_208 : vector<48x128xi1>
          %convert_element_type3A_210 = arith.extui %and3A_209 : vector<48x128xi1> to vector<48x128xi32>
          %convert_element_type3A_211 = arith.sitofp %convert_element_type3A_210 : vector<48x128xi32> to vector<48x128xf32>
          %mul3A_212 = vector.broadcast %broadcast_in_dim3A_128 : vector<1x1xf32> to vector<48x128xf32>
          %mul3A_213 = arith.mulf %convert_element_type3A_211, %mul3A_212 : vector<48x128xf32>
          %max3A_214 = arith.maximumf %while3A_90, %mul3A_213 : vector<48x128xf32>
          %mul3A_215 = arith.constant 16 : i32
          %mul3A_216 = arith.muli %add3A_93, %mul3A_215 : i32
          %add3A_217 = arith.constant 1 : i32
          %add3A_218 = arith.addi %mul3A_216, %add3A_217 : i32
          %mul3A_219 = arith.constant 16 : i32
          %mul3A_220 = arith.muli %while3A_88, %mul3A_219 : i32
          %add3A_221 = arith.constant 1 : i32
          %add3A_222 = arith.addi %mul3A_220, %add3A_221 : i32
          %eq3A_223 = vector.broadcast %add3A_222 : i32 to vector<1x128xi32>
          %eq3A_224 = arith.cmpi eq, %iota3A, %eq3A_223 : vector<1x128xi32>
          %convert_element_type3A_225 = arith.extui %eq3A_224 : vector<1x128xi1> to vector<1x128xi32>
          %convert_element_type3A_226 = arith.sitofp %convert_element_type3A_225 : vector<1x128xi32> to vector<1x128xf32>
          %mul3A_227 = arith.mulf %mul3A_167, %convert_element_type3A_226 : vector<1x128xf32>
          %reduce_sum3A_228 = arith.constant dense<0.000000e+00> : vector<1xf32>
          %reduce_sum3A_229 = vector.multi_reduction <add>, %mul3A_227, %reduce_sum3A_228 [1] : vector<1x128xf32> to vector<1xf32>
          %broadcast_in_dim3A_230 = vector.shape_cast %reduce_sum3A_229 : vector<1xf32> to vector<1x1xf32>
          %slice3A_231 = vector.extract_strided_slice %reshape3A {offsets = [1, 0], sizes = [1, 1], strides = [1, 1]} : vector<16x1xf32> to vector<1x1xf32>
          %slice3A_232 = vector.extract_strided_slice %reshape3A_102 {offsets = [1, 0], sizes = [1, 1], strides = [1, 1]} : vector<16x1xf32> to vector<1x1xf32>
          %slice3A_233 = vector.extract_strided_slice %reshape3A_107 {offsets = [1, 0], sizes = [1, 1], strides = [1, 1]} : vector<16x1xf32> to vector<1x1xf32>
          %slice3A_234 = vector.extract_strided_slice %reshape3A_112 {offsets = [1, 0], sizes = [1, 1], strides = [1, 1]} : vector<16x1xf32> to vector<1x1xf32>
          %sub3A_235 = arith.subf %slice3A_233, %slice3A_231 : vector<1x1xf32>
          %sub3A_236 = arith.subf %slice3A_234, %slice3A_232 : vector<1x1xf32>
          %mul3A_237 = arith.mulf %sub3A_235, %sub3A_236 : vector<1x1xf32>
          %min3A_238 = vector.broadcast %slice3A_233 : vector<1x1xf32> to vector<1x128xf32>
          %min3A_239 = arith.minimumf %min3A_238, %get3A_39 : vector<1x128xf32>
          %max3A_240 = vector.broadcast %slice3A_231 : vector<1x1xf32> to vector<1x128xf32>
          %max3A_241 = arith.maximumf %max3A_240, %get3A_33 : vector<1x128xf32>
          %sub3A_242 = arith.subf %min3A_239, %max3A_241 : vector<1x128xf32>
          %jit3A_243 = arith.constant 0.000000e+00 : f32
          %max3A_244 = vector.broadcast %jit3A_243 : f32 to vector<1x128xf32>
          %max3A_245 = arith.maximumf %max3A_244, %sub3A_242 : vector<1x128xf32>
          %min3A_246 = vector.broadcast %slice3A_234 : vector<1x1xf32> to vector<1x128xf32>
          %min3A_247 = arith.minimumf %min3A_246, %get3A_42 : vector<1x128xf32>
          %max3A_248 = vector.broadcast %slice3A_232 : vector<1x1xf32> to vector<1x128xf32>
          %max3A_249 = arith.maximumf %max3A_248, %get3A_36 : vector<1x128xf32>
          %sub3A_250 = arith.subf %min3A_247, %max3A_249 : vector<1x128xf32>
          %jit3A_251 = arith.constant 0.000000e+00 : f32
          %max3A_252 = vector.broadcast %jit3A_251 : f32 to vector<1x128xf32>
          %max3A_253 = arith.maximumf %max3A_252, %sub3A_250 : vector<1x128xf32>
          %mul3A_254 = arith.mulf %max3A_245, %max3A_253 : vector<1x128xf32>
          %add3A_255 = vector.broadcast %mul3A_237 : vector<1x1xf32> to vector<1x128xf32>
          %add3A_256 = arith.addf %add3A_255, %mul3A_45 : vector<1x128xf32>
          %sub3A_257 = arith.subf %add3A_256, %mul3A_254 : vector<1x128xf32>
          %add3A_258 = arith.constant 9.99999971E-10 : f32
          %add3A_259 = vector.broadcast %add3A_258 : f32 to vector<1x128xf32>
          %add3A_260 = arith.addf %sub3A_257, %add3A_259 : vector<1x128xf32>
          %div3A_261 = arith.divf %mul3A_254, %add3A_260 : vector<1x128xf32>
          %gt3A_262 = arith.constant 0.699999988 : f32
          %gt3A_263 = vector.broadcast %gt3A_262 : f32 to vector<1x128xf32>
          %gt3A_264 = arith.cmpf ogt, %div3A_261, %gt3A_263 : vector<1x128xf32>
          %gt3A_265 = vector.broadcast %add3A_222 : i32 to vector<1x128xi32>
          %gt3A_266 = arith.cmpi sgt, %iota3A, %gt3A_265 : vector<1x128xi32>
          %and3A_267 = arith.andi %gt3A_264, %gt3A_266 : vector<1x128xi1>
          %convert_element_type3A_268 = arith.extui %and3A_267 : vector<1x128xi1> to vector<1x128xi32>
          %convert_element_type3A_269 = arith.sitofp %convert_element_type3A_268 : vector<1x128xi32> to vector<1x128xf32>
          %mul3A_270 = vector.broadcast %broadcast_in_dim3A_230 : vector<1x1xf32> to vector<1x128xf32>
          %mul3A_271 = arith.mulf %convert_element_type3A_269, %mul3A_270 : vector<1x128xf32>
          %sub3A_272 = arith.constant 1.000000e+00 : f32
          %sub3A_273 = vector.broadcast %sub3A_272 : f32 to vector<1x128xf32>
          %sub3A_274 = arith.subf %sub3A_273, %mul3A_271 : vector<1x128xf32>
          %mul3A_275 = arith.mulf %mul3A_167, %sub3A_274 : vector<1x128xf32>
          %get3A_276 = arith.constant 0 : index
          %get3A_277 = arith.constant 0 : index
          %get3A_278 = vector.load %arg2[%get3A_276, %get3A_277] : memref<48x128xf32, #tpu.memory_space<vmem>>, vector<48x128xf32>
          %min3A_279 = vector.broadcast %slice3A_233 : vector<1x1xf32> to vector<48x128xf32>
          %min3A_280 = arith.minimumf %min3A_279, %get3A_278 : vector<48x128xf32>
          %get3A_281 = arith.constant 0 : index
          %get3A_282 = arith.constant 0 : index
          %get3A_283 = vector.load %arg0[%get3A_281, %get3A_282] : memref<48x128xf32, #tpu.memory_space<vmem>>, vector<48x128xf32>
          %max3A_284 = vector.broadcast %slice3A_231 : vector<1x1xf32> to vector<48x128xf32>
          %max3A_285 = arith.maximumf %max3A_284, %get3A_283 : vector<48x128xf32>
          %sub3A_286 = arith.subf %min3A_280, %max3A_285 : vector<48x128xf32>
          %jit3A_287 = arith.constant 0.000000e+00 : f32
          %max3A_288 = vector.broadcast %jit3A_287 : f32 to vector<48x128xf32>
          %max3A_289 = arith.maximumf %max3A_288, %sub3A_286 : vector<48x128xf32>
          %get3A_290 = arith.constant 0 : index
          %get3A_291 = arith.constant 0 : index
          %get3A_292 = vector.load %arg3[%get3A_290, %get3A_291] : memref<48x128xf32, #tpu.memory_space<vmem>>, vector<48x128xf32>
          %min3A_293 = vector.broadcast %slice3A_234 : vector<1x1xf32> to vector<48x128xf32>
          %min3A_294 = arith.minimumf %min3A_293, %get3A_292 : vector<48x128xf32>
          %get3A_295 = arith.constant 0 : index
          %get3A_296 = arith.constant 0 : index
          %get3A_297 = vector.load %arg1[%get3A_295, %get3A_296] : memref<48x128xf32, #tpu.memory_space<vmem>>, vector<48x128xf32>
          %max3A_298 = vector.broadcast %slice3A_232 : vector<1x1xf32> to vector<48x128xf32>
          %max3A_299 = arith.maximumf %max3A_298, %get3A_297 : vector<48x128xf32>
          %sub3A_300 = arith.subf %min3A_294, %max3A_299 : vector<48x128xf32>
          %jit3A_301 = arith.constant 0.000000e+00 : f32
          %max3A_302 = vector.broadcast %jit3A_301 : f32 to vector<48x128xf32>
          %max3A_303 = arith.maximumf %max3A_302, %sub3A_300 : vector<48x128xf32>
          %mul3A_304 = arith.mulf %max3A_289, %max3A_303 : vector<48x128xf32>
          %add3A_305 = vector.broadcast %mul3A_237 : vector<1x1xf32> to vector<48x128xf32>
          %add3A_306 = arith.addf %add3A_305, %mul3A_19 : vector<48x128xf32>
          %sub3A_307 = arith.subf %add3A_306, %mul3A_304 : vector<48x128xf32>
          %add3A_308 = arith.constant 9.99999971E-10 : f32
          %add3A_309 = vector.broadcast %add3A_308 : f32 to vector<48x128xf32>
          %add3A_310 = arith.addf %sub3A_307, %add3A_309 : vector<48x128xf32>
          %div3A_311 = arith.divf %mul3A_304, %add3A_310 : vector<48x128xf32>
          %gt3A_312 = arith.constant 0.699999988 : f32
          %gt3A_313 = vector.broadcast %gt3A_312 : f32 to vector<48x128xf32>
          %gt3A_314 = arith.cmpf ogt, %div3A_311, %gt3A_313 : vector<48x128xf32>
          %gt3A_315 = vector.broadcast %add3A_218 : i32 to vector<48x128xi32>
          %gt3A_316 = arith.cmpi sgt, %add3A, %gt3A_315 : vector<48x128xi32>
          %and3A_317 = arith.andi %gt3A_314, %gt3A_316 : vector<48x128xi1>
          %convert_element_type3A_318 = arith.extui %and3A_317 : vector<48x128xi1> to vector<48x128xi32>
          %convert_element_type3A_319 = arith.sitofp %convert_element_type3A_318 : vector<48x128xi32> to vector<48x128xf32>
          %mul3A_320 = vector.broadcast %broadcast_in_dim3A_230 : vector<1x1xf32> to vector<48x128xf32>
          %mul3A_321 = arith.mulf %convert_element_type3A_319, %mul3A_320 : vector<48x128xf32>
          %max3A_322 = arith.maximumf %max3A_214, %mul3A_321 : vector<48x128xf32>
          %mul3A_323 = arith.constant 16 : i32
          %mul3A_324 = arith.muli %add3A_93, %mul3A_323 : i32
          %add3A_325 = arith.constant 2 : i32
          %add3A_326 = arith.addi %mul3A_324, %add3A_325 : i32
          %mul3A_327 = arith.constant 16 : i32
          %mul3A_328 = arith.muli %while3A_88, %mul3A_327 : i32
          %add3A_329 = arith.constant 2 : i32
          %add3A_330 = arith.addi %mul3A_328, %add3A_329 : i32
          %eq3A_331 = vector.broadcast %add3A_330 : i32 to vector<1x128xi32>
          %eq3A_332 = arith.cmpi eq, %iota3A, %eq3A_331 : vector<1x128xi32>
          %convert_element_type3A_333 = arith.extui %eq3A_332 : vector<1x128xi1> to vector<1x128xi32>
          %convert_element_type3A_334 = arith.sitofp %convert_element_type3A_333 : vector<1x128xi32> to vector<1x128xf32>
          %mul3A_335 = arith.mulf %mul3A_275, %convert_element_type3A_334 : vector<1x128xf32>
          %reduce_sum3A_336 = arith.constant dense<0.000000e+00> : vector<1xf32>
          %reduce_sum3A_337 = vector.multi_reduction <add>, %mul3A_335, %reduce_sum3A_336 [1] : vector<1x128xf32> to vector<1xf32>
          %broadcast_in_dim3A_338 = vector.shape_cast %reduce_sum3A_337 : vector<1xf32> to vector<1x1xf32>
          %slice3A_339 = vector.extract_strided_slice %reshape3A {offsets = [2, 0], sizes = [1, 1], strides = [1, 1]} : vector<16x1xf32> to vector<1x1xf32>
          %slice3A_340 = vector.extract_strided_slice %reshape3A_102 {offsets = [2, 0], sizes = [1, 1], strides = [1, 1]} : vector<16x1xf32> to vector<1x1xf32>
          %slice3A_341 = vector.extract_strided_slice %reshape3A_107 {offsets = [2, 0], sizes = [1, 1], strides = [1, 1]} : vector<16x1xf32> to vector<1x1xf32>
          %slice3A_342 = vector.extract_strided_slice %reshape3A_112 {offsets = [2, 0], sizes = [1, 1], strides = [1, 1]} : vector<16x1xf32> to vector<1x1xf32>
          %sub3A_343 = arith.subf %slice3A_341, %slice3A_339 : vector<1x1xf32>
          %sub3A_344 = arith.subf %slice3A_342, %slice3A_340 : vector<1x1xf32>
          %mul3A_345 = arith.mulf %sub3A_343, %sub3A_344 : vector<1x1xf32>
          %min3A_346 = vector.broadcast %slice3A_341 : vector<1x1xf32> to vector<1x128xf32>
          %min3A_347 = arith.minimumf %min3A_346, %get3A_39 : vector<1x128xf32>
          %max3A_348 = vector.broadcast %slice3A_339 : vector<1x1xf32> to vector<1x128xf32>
          %max3A_349 = arith.maximumf %max3A_348, %get3A_33 : vector<1x128xf32>
          %sub3A_350 = arith.subf %min3A_347, %max3A_349 : vector<1x128xf32>
          %jit3A_351 = arith.constant 0.000000e+00 : f32
          %max3A_352 = vector.broadcast %jit3A_351 : f32 to vector<1x128xf32>
          %max3A_353 = arith.maximumf %max3A_352, %sub3A_350 : vector<1x128xf32>
          %min3A_354 = vector.broadcast %slice3A_342 : vector<1x1xf32> to vector<1x128xf32>
          %min3A_355 = arith.minimumf %min3A_354, %get3A_42 : vector<1x128xf32>
          %max3A_356 = vector.broadcast %slice3A_340 : vector<1x1xf32> to vector<1x128xf32>
          %max3A_357 = arith.maximumf %max3A_356, %get3A_36 : vector<1x128xf32>
          %sub3A_358 = arith.subf %min3A_355, %max3A_357 : vector<1x128xf32>
          %jit3A_359 = arith.constant 0.000000e+00 : f32
          %max3A_360 = vector.broadcast %jit3A_359 : f32 to vector<1x128xf32>
          %max3A_361 = arith.maximumf %max3A_360, %sub3A_358 : vector<1x128xf32>
          %mul3A_362 = arith.mulf %max3A_353, %max3A_361 : vector<1x128xf32>
          %add3A_363 = vector.broadcast %mul3A_345 : vector<1x1xf32> to vector<1x128xf32>
          %add3A_364 = arith.addf %add3A_363, %mul3A_45 : vector<1x128xf32>
          %sub3A_365 = arith.subf %add3A_364, %mul3A_362 : vector<1x128xf32>
          %add3A_366 = arith.constant 9.99999971E-10 : f32
          %add3A_367 = vector.broadcast %add3A_366 : f32 to vector<1x128xf32>
          %add3A_368 = arith.addf %sub3A_365, %add3A_367 : vector<1x128xf32>
          %div3A_369 = arith.divf %mul3A_362, %add3A_368 : vector<1x128xf32>
          %gt3A_370 = arith.constant 0.699999988 : f32
          %gt3A_371 = vector.broadcast %gt3A_370 : f32 to vector<1x128xf32>
          %gt3A_372 = arith.cmpf ogt, %div3A_369, %gt3A_371 : vector<1x128xf32>
          %gt3A_373 = vector.broadcast %add3A_330 : i32 to vector<1x128xi32>
          %gt3A_374 = arith.cmpi sgt, %iota3A, %gt3A_373 : vector<1x128xi32>
          %and3A_375 = arith.andi %gt3A_372, %gt3A_374 : vector<1x128xi1>
          %convert_element_type3A_376 = arith.extui %and3A_375 : vector<1x128xi1> to vector<1x128xi32>
          %convert_element_type3A_377 = arith.sitofp %convert_element_type3A_376 : vector<1x128xi32> to vector<1x128xf32>
          %mul3A_378 = vector.broadcast %broadcast_in_dim3A_338 : vector<1x1xf32> to vector<1x128xf32>
          %mul3A_379 = arith.mulf %convert_element_type3A_377, %mul3A_378 : vector<1x128xf32>
          %sub3A_380 = arith.constant 1.000000e+00 : f32
          %sub3A_381 = vector.broadcast %sub3A_380 : f32 to vector<1x128xf32>
          %sub3A_382 = arith.subf %sub3A_381, %mul3A_379 : vector<1x128xf32>
          %mul3A_383 = arith.mulf %mul3A_275, %sub3A_382 : vector<1x128xf32>
          %get3A_384 = arith.constant 0 : index
          %get3A_385 = arith.constant 0 : index
          %get3A_386 = vector.load %arg2[%get3A_384, %get3A_385] : memref<48x128xf32, #tpu.memory_space<vmem>>, vector<48x128xf32>
          %min3A_387 = vector.broadcast %slice3A_341 : vector<1x1xf32> to vector<48x128xf32>
          %min3A_388 = arith.minimumf %min3A_387, %get3A_386 : vector<48x128xf32>
          %get3A_389 = arith.constant 0 : index
          %get3A_390 = arith.constant 0 : index
          %get3A_391 = vector.load %arg0[%get3A_389, %get3A_390] : memref<48x128xf32, #tpu.memory_space<vmem>>, vector<48x128xf32>
          %max3A_392 = vector.broadcast %slice3A_339 : vector<1x1xf32> to vector<48x128xf32>
          %max3A_393 = arith.maximumf %max3A_392, %get3A_391 : vector<48x128xf32>
          %sub3A_394 = arith.subf %min3A_388, %max3A_393 : vector<48x128xf32>
          %jit3A_395 = arith.constant 0.000000e+00 : f32
          %max3A_396 = vector.broadcast %jit3A_395 : f32 to vector<48x128xf32>
          %max3A_397 = arith.maximumf %max3A_396, %sub3A_394 : vector<48x128xf32>
          %get3A_398 = arith.constant 0 : index
          %get3A_399 = arith.constant 0 : index
          %get3A_400 = vector.load %arg3[%get3A_398, %get3A_399] : memref<48x128xf32, #tpu.memory_space<vmem>>, vector<48x128xf32>
          %min3A_401 = vector.broadcast %slice3A_342 : vector<1x1xf32> to vector<48x128xf32>
          %min3A_402 = arith.minimumf %min3A_401, %get3A_400 : vector<48x128xf32>
          %get3A_403 = arith.constant 0 : index
          %get3A_404 = arith.constant 0 : index
          %get3A_405 = vector.load %arg1[%get3A_403, %get3A_404] : memref<48x128xf32, #tpu.memory_space<vmem>>, vector<48x128xf32>
          %max3A_406 = vector.broadcast %slice3A_340 : vector<1x1xf32> to vector<48x128xf32>
          %max3A_407 = arith.maximumf %max3A_406, %get3A_405 : vector<48x128xf32>
          %sub3A_408 = arith.subf %min3A_402, %max3A_407 : vector<48x128xf32>
          %jit3A_409 = arith.constant 0.000000e+00 : f32
          %max3A_410 = vector.broadcast %jit3A_409 : f32 to vector<48x128xf32>
          %max3A_411 = arith.maximumf %max3A_410, %sub3A_408 : vector<48x128xf32>
          %mul3A_412 = arith.mulf %max3A_397, %max3A_411 : vector<48x128xf32>
          %add3A_413 = vector.broadcast %mul3A_345 : vector<1x1xf32> to vector<48x128xf32>
          %add3A_414 = arith.addf %add3A_413, %mul3A_19 : vector<48x128xf32>
          %sub3A_415 = arith.subf %add3A_414, %mul3A_412 : vector<48x128xf32>
          %add3A_416 = arith.constant 9.99999971E-10 : f32
          %add3A_417 = vector.broadcast %add3A_416 : f32 to vector<48x128xf32>
          %add3A_418 = arith.addf %sub3A_415, %add3A_417 : vector<48x128xf32>
          %div3A_419 = arith.divf %mul3A_412, %add3A_418 : vector<48x128xf32>
          %gt3A_420 = arith.constant 0.699999988 : f32
          %gt3A_421 = vector.broadcast %gt3A_420 : f32 to vector<48x128xf32>
          %gt3A_422 = arith.cmpf ogt, %div3A_419, %gt3A_421 : vector<48x128xf32>
          %gt3A_423 = vector.broadcast %add3A_326 : i32 to vector<48x128xi32>
          %gt3A_424 = arith.cmpi sgt, %add3A, %gt3A_423 : vector<48x128xi32>
          %and3A_425 = arith.andi %gt3A_422, %gt3A_424 : vector<48x128xi1>
          %convert_element_type3A_426 = arith.extui %and3A_425 : vector<48x128xi1> to vector<48x128xi32>
          %convert_element_type3A_427 = arith.sitofp %convert_element_type3A_426 : vector<48x128xi32> to vector<48x128xf32>
          %mul3A_428 = vector.broadcast %broadcast_in_dim3A_338 : vector<1x1xf32> to vector<48x128xf32>
          %mul3A_429 = arith.mulf %convert_element_type3A_427, %mul3A_428 : vector<48x128xf32>
          %max3A_430 = arith.maximumf %max3A_322, %mul3A_429 : vector<48x128xf32>
          %mul3A_431 = arith.constant 16 : i32
          %mul3A_432 = arith.muli %add3A_93, %mul3A_431 : i32
          %add3A_433 = arith.constant 3 : i32
          %add3A_434 = arith.addi %mul3A_432, %add3A_433 : i32
          %mul3A_435 = arith.constant 16 : i32
          %mul3A_436 = arith.muli %while3A_88, %mul3A_435 : i32
          %add3A_437 = arith.constant 3 : i32
          %add3A_438 = arith.addi %mul3A_436, %add3A_437 : i32
          %eq3A_439 = vector.broadcast %add3A_438 : i32 to vector<1x128xi32>
          %eq3A_440 = arith.cmpi eq, %iota3A, %eq3A_439 : vector<1x128xi32>
          %convert_element_type3A_441 = arith.extui %eq3A_440 : vector<1x128xi1> to vector<1x128xi32>
          %convert_element_type3A_442 = arith.sitofp %convert_element_type3A_441 : vector<1x128xi32> to vector<1x128xf32>
          %mul3A_443 = arith.mulf %mul3A_383, %convert_element_type3A_442 : vector<1x128xf32>
          %reduce_sum3A_444 = arith.constant dense<0.000000e+00> : vector<1xf32>
          %reduce_sum3A_445 = vector.multi_reduction <add>, %mul3A_443, %reduce_sum3A_444 [1] : vector<1x128xf32> to vector<1xf32>
          %broadcast_in_dim3A_446 = vector.shape_cast %reduce_sum3A_445 : vector<1xf32> to vector<1x1xf32>
          %slice3A_447 = vector.extract_strided_slice %reshape3A {offsets = [3, 0], sizes = [1, 1], strides = [1, 1]} : vector<16x1xf32> to vector<1x1xf32>
          %slice3A_448 = vector.extract_strided_slice %reshape3A_102 {offsets = [3, 0], sizes = [1, 1], strides = [1, 1]} : vector<16x1xf32> to vector<1x1xf32>
          %slice3A_449 = vector.extract_strided_slice %reshape3A_107 {offsets = [3, 0], sizes = [1, 1], strides = [1, 1]} : vector<16x1xf32> to vector<1x1xf32>
          %slice3A_450 = vector.extract_strided_slice %reshape3A_112 {offsets = [3, 0], sizes = [1, 1], strides = [1, 1]} : vector<16x1xf32> to vector<1x1xf32>
          %sub3A_451 = arith.subf %slice3A_449, %slice3A_447 : vector<1x1xf32>
          %sub3A_452 = arith.subf %slice3A_450, %slice3A_448 : vector<1x1xf32>
          %mul3A_453 = arith.mulf %sub3A_451, %sub3A_452 : vector<1x1xf32>
          %min3A_454 = vector.broadcast %slice3A_449 : vector<1x1xf32> to vector<1x128xf32>
          %min3A_455 = arith.minimumf %min3A_454, %get3A_39 : vector<1x128xf32>
          %max3A_456 = vector.broadcast %slice3A_447 : vector<1x1xf32> to vector<1x128xf32>
          %max3A_457 = arith.maximumf %max3A_456, %get3A_33 : vector<1x128xf32>
          %sub3A_458 = arith.subf %min3A_455, %max3A_457 : vector<1x128xf32>
          %jit3A_459 = arith.constant 0.000000e+00 : f32
          %max3A_460 = vector.broadcast %jit3A_459 : f32 to vector<1x128xf32>
          %max3A_461 = arith.maximumf %max3A_460, %sub3A_458 : vector<1x128xf32>
          %min3A_462 = vector.broadcast %slice3A_450 : vector<1x1xf32> to vector<1x128xf32>
          %min3A_463 = arith.minimumf %min3A_462, %get3A_42 : vector<1x128xf32>
          %max3A_464 = vector.broadcast %slice3A_448 : vector<1x1xf32> to vector<1x128xf32>
          %max3A_465 = arith.maximumf %max3A_464, %get3A_36 : vector<1x128xf32>
          %sub3A_466 = arith.subf %min3A_463, %max3A_465 : vector<1x128xf32>
          %jit3A_467 = arith.constant 0.000000e+00 : f32
          %max3A_468 = vector.broadcast %jit3A_467 : f32 to vector<1x128xf32>
          %max3A_469 = arith.maximumf %max3A_468, %sub3A_466 : vector<1x128xf32>
          %mul3A_470 = arith.mulf %max3A_461, %max3A_469 : vector<1x128xf32>
          %add3A_471 = vector.broadcast %mul3A_453 : vector<1x1xf32> to vector<1x128xf32>
          %add3A_472 = arith.addf %add3A_471, %mul3A_45 : vector<1x128xf32>
          %sub3A_473 = arith.subf %add3A_472, %mul3A_470 : vector<1x128xf32>
          %add3A_474 = arith.constant 9.99999971E-10 : f32
          %add3A_475 = vector.broadcast %add3A_474 : f32 to vector<1x128xf32>
          %add3A_476 = arith.addf %sub3A_473, %add3A_475 : vector<1x128xf32>
          %div3A_477 = arith.divf %mul3A_470, %add3A_476 : vector<1x128xf32>
          %gt3A_478 = arith.constant 0.699999988 : f32
          %gt3A_479 = vector.broadcast %gt3A_478 : f32 to vector<1x128xf32>
          %gt3A_480 = arith.cmpf ogt, %div3A_477, %gt3A_479 : vector<1x128xf32>
          %gt3A_481 = vector.broadcast %add3A_438 : i32 to vector<1x128xi32>
          %gt3A_482 = arith.cmpi sgt, %iota3A, %gt3A_481 : vector<1x128xi32>
          %and3A_483 = arith.andi %gt3A_480, %gt3A_482 : vector<1x128xi1>
          %convert_element_type3A_484 = arith.extui %and3A_483 : vector<1x128xi1> to vector<1x128xi32>
          %convert_element_type3A_485 = arith.sitofp %convert_element_type3A_484 : vector<1x128xi32> to vector<1x128xf32>
          %mul3A_486 = vector.broadcast %broadcast_in_dim3A_446 : vector<1x1xf32> to vector<1x128xf32>
          %mul3A_487 = arith.mulf %convert_element_type3A_485, %mul3A_486 : vector<1x128xf32>
          %sub3A_488 = arith.constant 1.000000e+00 : f32
          %sub3A_489 = vector.broadcast %sub3A_488 : f32 to vector<1x128xf32>
          %sub3A_490 = arith.subf %sub3A_489, %mul3A_487 : vector<1x128xf32>
          %mul3A_491 = arith.mulf %mul3A_383, %sub3A_490 : vector<1x128xf32>
          %get3A_492 = arith.constant 0 : index
          %get3A_493 = arith.constant 0 : index
          %get3A_494 = vector.load %arg2[%get3A_492, %get3A_493] : memref<48x128xf32, #tpu.memory_space<vmem>>, vector<48x128xf32>
          %min3A_495 = vector.broadcast %slice3A_449 : vector<1x1xf32> to vector<48x128xf32>
          %min3A_496 = arith.minimumf %min3A_495, %get3A_494 : vector<48x128xf32>
          %get3A_497 = arith.constant 0 : index
          %get3A_498 = arith.constant 0 : index
          %get3A_499 = vector.load %arg0[%get3A_497, %get3A_498] : memref<48x128xf32, #tpu.memory_space<vmem>>, vector<48x128xf32>
          %max3A_500 = vector.broadcast %slice3A_447 : vector<1x1xf32> to vector<48x128xf32>
          %max3A_501 = arith.maximumf %max3A_500, %get3A_499 : vector<48x128xf32>
          %sub3A_502 = arith.subf %min3A_496, %max3A_501 : vector<48x128xf32>
          %jit3A_503 = arith.constant 0.000000e+00 : f32
          %max3A_504 = vector.broadcast %jit3A_503 : f32 to vector<48x128xf32>
          %max3A_505 = arith.maximumf %max3A_504, %sub3A_502 : vector<48x128xf32>
          %get3A_506 = arith.constant 0 : index
          %get3A_507 = arith.constant 0 : index
          %get3A_508 = vector.load %arg3[%get3A_506, %get3A_507] : memref<48x128xf32, #tpu.memory_space<vmem>>, vector<48x128xf32>
          %min3A_509 = vector.broadcast %slice3A_450 : vector<1x1xf32> to vector<48x128xf32>
          %min3A_510 = arith.minimumf %min3A_509, %get3A_508 : vector<48x128xf32>
          %get3A_511 = arith.constant 0 : index
          %get3A_512 = arith.constant 0 : index
          %get3A_513 = vector.load %arg1[%get3A_511, %get3A_512] : memref<48x128xf32, #tpu.memory_space<vmem>>, vector<48x128xf32>
          %max3A_514 = vector.broadcast %slice3A_448 : vector<1x1xf32> to vector<48x128xf32>
          %max3A_515 = arith.maximumf %max3A_514, %get3A_513 : vector<48x128xf32>
          %sub3A_516 = arith.subf %min3A_510, %max3A_515 : vector<48x128xf32>
          %jit3A_517 = arith.constant 0.000000e+00 : f32
          %max3A_518 = vector.broadcast %jit3A_517 : f32 to vector<48x128xf32>
          %max3A_519 = arith.maximumf %max3A_518, %sub3A_516 : vector<48x128xf32>
          %mul3A_520 = arith.mulf %max3A_505, %max3A_519 : vector<48x128xf32>
          %add3A_521 = vector.broadcast %mul3A_453 : vector<1x1xf32> to vector<48x128xf32>
          %add3A_522 = arith.addf %add3A_521, %mul3A_19 : vector<48x128xf32>
          %sub3A_523 = arith.subf %add3A_522, %mul3A_520 : vector<48x128xf32>
          %add3A_524 = arith.constant 9.99999971E-10 : f32
          %add3A_525 = vector.broadcast %add3A_524 : f32 to vector<48x128xf32>
          %add3A_526 = arith.addf %sub3A_523, %add3A_525 : vector<48x128xf32>
          %div3A_527 = arith.divf %mul3A_520, %add3A_526 : vector<48x128xf32>
          %gt3A_528 = arith.constant 0.699999988 : f32
          %gt3A_529 = vector.broadcast %gt3A_528 : f32 to vector<48x128xf32>
          %gt3A_530 = arith.cmpf ogt, %div3A_527, %gt3A_529 : vector<48x128xf32>
          %gt3A_531 = vector.broadcast %add3A_434 : i32 to vector<48x128xi32>
          %gt3A_532 = arith.cmpi sgt, %add3A, %gt3A_531 : vector<48x128xi32>
          %and3A_533 = arith.andi %gt3A_530, %gt3A_532 : vector<48x128xi1>
          %convert_element_type3A_534 = arith.extui %and3A_533 : vector<48x128xi1> to vector<48x128xi32>
          %convert_element_type3A_535 = arith.sitofp %convert_element_type3A_534 : vector<48x128xi32> to vector<48x128xf32>
          %mul3A_536 = vector.broadcast %broadcast_in_dim3A_446 : vector<1x1xf32> to vector<48x128xf32>
          %mul3A_537 = arith.mulf %convert_element_type3A_535, %mul3A_536 : vector<48x128xf32>
          %max3A_538 = arith.maximumf %max3A_430, %mul3A_537 : vector<48x128xf32>
          %mul3A_539 = arith.constant 16 : i32
          %mul3A_540 = arith.muli %add3A_93, %mul3A_539 : i32
          %add3A_541 = arith.constant 4 : i32
          %add3A_542 = arith.addi %mul3A_540, %add3A_541 : i32
          %mul3A_543 = arith.constant 16 : i32
          %mul3A_544 = arith.muli %while3A_88, %mul3A_543 : i32
          %add3A_545 = arith.constant 4 : i32
          %add3A_546 = arith.addi %mul3A_544, %add3A_545 : i32
          %eq3A_547 = vector.broadcast %add3A_546 : i32 to vector<1x128xi32>
          %eq3A_548 = arith.cmpi eq, %iota3A, %eq3A_547 : vector<1x128xi32>
          %convert_element_type3A_549 = arith.extui %eq3A_548 : vector<1x128xi1> to vector<1x128xi32>
          %convert_element_type3A_550 = arith.sitofp %convert_element_type3A_549 : vector<1x128xi32> to vector<1x128xf32>
          %mul3A_551 = arith.mulf %mul3A_491, %convert_element_type3A_550 : vector<1x128xf32>
          %reduce_sum3A_552 = arith.constant dense<0.000000e+00> : vector<1xf32>
          %reduce_sum3A_553 = vector.multi_reduction <add>, %mul3A_551, %reduce_sum3A_552 [1] : vector<1x128xf32> to vector<1xf32>
          %broadcast_in_dim3A_554 = vector.shape_cast %reduce_sum3A_553 : vector<1xf32> to vector<1x1xf32>
          %slice3A_555 = vector.extract_strided_slice %reshape3A {offsets = [4, 0], sizes = [1, 1], strides = [1, 1]} : vector<16x1xf32> to vector<1x1xf32>
          %slice3A_556 = vector.extract_strided_slice %reshape3A_102 {offsets = [4, 0], sizes = [1, 1], strides = [1, 1]} : vector<16x1xf32> to vector<1x1xf32>
          %slice3A_557 = vector.extract_strided_slice %reshape3A_107 {offsets = [4, 0], sizes = [1, 1], strides = [1, 1]} : vector<16x1xf32> to vector<1x1xf32>
          %slice3A_558 = vector.extract_strided_slice %reshape3A_112 {offsets = [4, 0], sizes = [1, 1], strides = [1, 1]} : vector<16x1xf32> to vector<1x1xf32>
          %sub3A_559 = arith.subf %slice3A_557, %slice3A_555 : vector<1x1xf32>
          %sub3A_560 = arith.subf %slice3A_558, %slice3A_556 : vector<1x1xf32>
          %mul3A_561 = arith.mulf %sub3A_559, %sub3A_560 : vector<1x1xf32>
          %min3A_562 = vector.broadcast %slice3A_557 : vector<1x1xf32> to vector<1x128xf32>
          %min3A_563 = arith.minimumf %min3A_562, %get3A_39 : vector<1x128xf32>
          %max3A_564 = vector.broadcast %slice3A_555 : vector<1x1xf32> to vector<1x128xf32>
          %max3A_565 = arith.maximumf %max3A_564, %get3A_33 : vector<1x128xf32>
          %sub3A_566 = arith.subf %min3A_563, %max3A_565 : vector<1x128xf32>
          %jit3A_567 = arith.constant 0.000000e+00 : f32
          %max3A_568 = vector.broadcast %jit3A_567 : f32 to vector<1x128xf32>
          %max3A_569 = arith.maximumf %max3A_568, %sub3A_566 : vector<1x128xf32>
          %min3A_570 = vector.broadcast %slice3A_558 : vector<1x1xf32> to vector<1x128xf32>
          %min3A_571 = arith.minimumf %min3A_570, %get3A_42 : vector<1x128xf32>
          %max3A_572 = vector.broadcast %slice3A_556 : vector<1x1xf32> to vector<1x128xf32>
          %max3A_573 = arith.maximumf %max3A_572, %get3A_36 : vector<1x128xf32>
          %sub3A_574 = arith.subf %min3A_571, %max3A_573 : vector<1x128xf32>
          %jit3A_575 = arith.constant 0.000000e+00 : f32
          %max3A_576 = vector.broadcast %jit3A_575 : f32 to vector<1x128xf32>
          %max3A_577 = arith.maximumf %max3A_576, %sub3A_574 : vector<1x128xf32>
          %mul3A_578 = arith.mulf %max3A_569, %max3A_577 : vector<1x128xf32>
          %add3A_579 = vector.broadcast %mul3A_561 : vector<1x1xf32> to vector<1x128xf32>
          %add3A_580 = arith.addf %add3A_579, %mul3A_45 : vector<1x128xf32>
          %sub3A_581 = arith.subf %add3A_580, %mul3A_578 : vector<1x128xf32>
          %add3A_582 = arith.constant 9.99999971E-10 : f32
          %add3A_583 = vector.broadcast %add3A_582 : f32 to vector<1x128xf32>
          %add3A_584 = arith.addf %sub3A_581, %add3A_583 : vector<1x128xf32>
          %div3A_585 = arith.divf %mul3A_578, %add3A_584 : vector<1x128xf32>
          %gt3A_586 = arith.constant 0.699999988 : f32
          %gt3A_587 = vector.broadcast %gt3A_586 : f32 to vector<1x128xf32>
          %gt3A_588 = arith.cmpf ogt, %div3A_585, %gt3A_587 : vector<1x128xf32>
          %gt3A_589 = vector.broadcast %add3A_546 : i32 to vector<1x128xi32>
          %gt3A_590 = arith.cmpi sgt, %iota3A, %gt3A_589 : vector<1x128xi32>
          %and3A_591 = arith.andi %gt3A_588, %gt3A_590 : vector<1x128xi1>
          %convert_element_type3A_592 = arith.extui %and3A_591 : vector<1x128xi1> to vector<1x128xi32>
          %convert_element_type3A_593 = arith.sitofp %convert_element_type3A_592 : vector<1x128xi32> to vector<1x128xf32>
          %mul3A_594 = vector.broadcast %broadcast_in_dim3A_554 : vector<1x1xf32> to vector<1x128xf32>
          %mul3A_595 = arith.mulf %convert_element_type3A_593, %mul3A_594 : vector<1x128xf32>
          %sub3A_596 = arith.constant 1.000000e+00 : f32
          %sub3A_597 = vector.broadcast %sub3A_596 : f32 to vector<1x128xf32>
          %sub3A_598 = arith.subf %sub3A_597, %mul3A_595 : vector<1x128xf32>
          %mul3A_599 = arith.mulf %mul3A_491, %sub3A_598 : vector<1x128xf32>
          %get3A_600 = arith.constant 0 : index
          %get3A_601 = arith.constant 0 : index
          %get3A_602 = vector.load %arg2[%get3A_600, %get3A_601] : memref<48x128xf32, #tpu.memory_space<vmem>>, vector<48x128xf32>
          %min3A_603 = vector.broadcast %slice3A_557 : vector<1x1xf32> to vector<48x128xf32>
          %min3A_604 = arith.minimumf %min3A_603, %get3A_602 : vector<48x128xf32>
          %get3A_605 = arith.constant 0 : index
          %get3A_606 = arith.constant 0 : index
          %get3A_607 = vector.load %arg0[%get3A_605, %get3A_606] : memref<48x128xf32, #tpu.memory_space<vmem>>, vector<48x128xf32>
          %max3A_608 = vector.broadcast %slice3A_555 : vector<1x1xf32> to vector<48x128xf32>
          %max3A_609 = arith.maximumf %max3A_608, %get3A_607 : vector<48x128xf32>
          %sub3A_610 = arith.subf %min3A_604, %max3A_609 : vector<48x128xf32>
          %jit3A_611 = arith.constant 0.000000e+00 : f32
          %max3A_612 = vector.broadcast %jit3A_611 : f32 to vector<48x128xf32>
          %max3A_613 = arith.maximumf %max3A_612, %sub3A_610 : vector<48x128xf32>
          %get3A_614 = arith.constant 0 : index
          %get3A_615 = arith.constant 0 : index
          %get3A_616 = vector.load %arg3[%get3A_614, %get3A_615] : memref<48x128xf32, #tpu.memory_space<vmem>>, vector<48x128xf32>
          %min3A_617 = vector.broadcast %slice3A_558 : vector<1x1xf32> to vector<48x128xf32>
          %min3A_618 = arith.minimumf %min3A_617, %get3A_616 : vector<48x128xf32>
          %get3A_619 = arith.constant 0 : index
          %get3A_620 = arith.constant 0 : index
          %get3A_621 = vector.load %arg1[%get3A_619, %get3A_620] : memref<48x128xf32, #tpu.memory_space<vmem>>, vector<48x128xf32>
          %max3A_622 = vector.broadcast %slice3A_556 : vector<1x1xf32> to vector<48x128xf32>
          %max3A_623 = arith.maximumf %max3A_622, %get3A_621 : vector<48x128xf32>
          %sub3A_624 = arith.subf %min3A_618, %max3A_623 : vector<48x128xf32>
          %jit3A_625 = arith.constant 0.000000e+00 : f32
          %max3A_626 = vector.broadcast %jit3A_625 : f32 to vector<48x128xf32>
          %max3A_627 = arith.maximumf %max3A_626, %sub3A_624 : vector<48x128xf32>
          %mul3A_628 = arith.mulf %max3A_613, %max3A_627 : vector<48x128xf32>
          %add3A_629 = vector.broadcast %mul3A_561 : vector<1x1xf32> to vector<48x128xf32>
          %add3A_630 = arith.addf %add3A_629, %mul3A_19 : vector<48x128xf32>
          %sub3A_631 = arith.subf %add3A_630, %mul3A_628 : vector<48x128xf32>
          %add3A_632 = arith.constant 9.99999971E-10 : f32
          %add3A_633 = vector.broadcast %add3A_632 : f32 to vector<48x128xf32>
          %add3A_634 = arith.addf %sub3A_631, %add3A_633 : vector<48x128xf32>
          %div3A_635 = arith.divf %mul3A_628, %add3A_634 : vector<48x128xf32>
          %gt3A_636 = arith.constant 0.699999988 : f32
          %gt3A_637 = vector.broadcast %gt3A_636 : f32 to vector<48x128xf32>
          %gt3A_638 = arith.cmpf ogt, %div3A_635, %gt3A_637 : vector<48x128xf32>
          %gt3A_639 = vector.broadcast %add3A_542 : i32 to vector<48x128xi32>
          %gt3A_640 = arith.cmpi sgt, %add3A, %gt3A_639 : vector<48x128xi32>
          %and3A_641 = arith.andi %gt3A_638, %gt3A_640 : vector<48x128xi1>
          %convert_element_type3A_642 = arith.extui %and3A_641 : vector<48x128xi1> to vector<48x128xi32>
          %convert_element_type3A_643 = arith.sitofp %convert_element_type3A_642 : vector<48x128xi32> to vector<48x128xf32>
          %mul3A_644 = vector.broadcast %broadcast_in_dim3A_554 : vector<1x1xf32> to vector<48x128xf32>
          %mul3A_645 = arith.mulf %convert_element_type3A_643, %mul3A_644 : vector<48x128xf32>
          %max3A_646 = arith.maximumf %max3A_538, %mul3A_645 : vector<48x128xf32>
          %mul3A_647 = arith.constant 16 : i32
          %mul3A_648 = arith.muli %add3A_93, %mul3A_647 : i32
          %add3A_649 = arith.constant 5 : i32
          %add3A_650 = arith.addi %mul3A_648, %add3A_649 : i32
          %mul3A_651 = arith.constant 16 : i32
          %mul3A_652 = arith.muli %while3A_88, %mul3A_651 : i32
          %add3A_653 = arith.constant 5 : i32
          %add3A_654 = arith.addi %mul3A_652, %add3A_653 : i32
          %eq3A_655 = vector.broadcast %add3A_654 : i32 to vector<1x128xi32>
          %eq3A_656 = arith.cmpi eq, %iota3A, %eq3A_655 : vector<1x128xi32>
          %convert_element_type3A_657 = arith.extui %eq3A_656 : vector<1x128xi1> to vector<1x128xi32>
          %convert_element_type3A_658 = arith.sitofp %convert_element_type3A_657 : vector<1x128xi32> to vector<1x128xf32>
          %mul3A_659 = arith.mulf %mul3A_599, %convert_element_type3A_658 : vector<1x128xf32>
          %reduce_sum3A_660 = arith.constant dense<0.000000e+00> : vector<1xf32>
          %reduce_sum3A_661 = vector.multi_reduction <add>, %mul3A_659, %reduce_sum3A_660 [1] : vector<1x128xf32> to vector<1xf32>
          %broadcast_in_dim3A_662 = vector.shape_cast %reduce_sum3A_661 : vector<1xf32> to vector<1x1xf32>
          %slice3A_663 = vector.extract_strided_slice %reshape3A {offsets = [5, 0], sizes = [1, 1], strides = [1, 1]} : vector<16x1xf32> to vector<1x1xf32>
          %slice3A_664 = vector.extract_strided_slice %reshape3A_102 {offsets = [5, 0], sizes = [1, 1], strides = [1, 1]} : vector<16x1xf32> to vector<1x1xf32>
          %slice3A_665 = vector.extract_strided_slice %reshape3A_107 {offsets = [5, 0], sizes = [1, 1], strides = [1, 1]} : vector<16x1xf32> to vector<1x1xf32>
          %slice3A_666 = vector.extract_strided_slice %reshape3A_112 {offsets = [5, 0], sizes = [1, 1], strides = [1, 1]} : vector<16x1xf32> to vector<1x1xf32>
          %sub3A_667 = arith.subf %slice3A_665, %slice3A_663 : vector<1x1xf32>
          %sub3A_668 = arith.subf %slice3A_666, %slice3A_664 : vector<1x1xf32>
          %mul3A_669 = arith.mulf %sub3A_667, %sub3A_668 : vector<1x1xf32>
          %min3A_670 = vector.broadcast %slice3A_665 : vector<1x1xf32> to vector<1x128xf32>
          %min3A_671 = arith.minimumf %min3A_670, %get3A_39 : vector<1x128xf32>
          %max3A_672 = vector.broadcast %slice3A_663 : vector<1x1xf32> to vector<1x128xf32>
          %max3A_673 = arith.maximumf %max3A_672, %get3A_33 : vector<1x128xf32>
          %sub3A_674 = arith.subf %min3A_671, %max3A_673 : vector<1x128xf32>
          %jit3A_675 = arith.constant 0.000000e+00 : f32
          %max3A_676 = vector.broadcast %jit3A_675 : f32 to vector<1x128xf32>
          %max3A_677 = arith.maximumf %max3A_676, %sub3A_674 : vector<1x128xf32>
          %min3A_678 = vector.broadcast %slice3A_666 : vector<1x1xf32> to vector<1x128xf32>
          %min3A_679 = arith.minimumf %min3A_678, %get3A_42 : vector<1x128xf32>
          %max3A_680 = vector.broadcast %slice3A_664 : vector<1x1xf32> to vector<1x128xf32>
          %max3A_681 = arith.maximumf %max3A_680, %get3A_36 : vector<1x128xf32>
          %sub3A_682 = arith.subf %min3A_679, %max3A_681 : vector<1x128xf32>
          %jit3A_683 = arith.constant 0.000000e+00 : f32
          %max3A_684 = vector.broadcast %jit3A_683 : f32 to vector<1x128xf32>
          %max3A_685 = arith.maximumf %max3A_684, %sub3A_682 : vector<1x128xf32>
          %mul3A_686 = arith.mulf %max3A_677, %max3A_685 : vector<1x128xf32>
          %add3A_687 = vector.broadcast %mul3A_669 : vector<1x1xf32> to vector<1x128xf32>
          %add3A_688 = arith.addf %add3A_687, %mul3A_45 : vector<1x128xf32>
          %sub3A_689 = arith.subf %add3A_688, %mul3A_686 : vector<1x128xf32>
          %add3A_690 = arith.constant 9.99999971E-10 : f32
          %add3A_691 = vector.broadcast %add3A_690 : f32 to vector<1x128xf32>
          %add3A_692 = arith.addf %sub3A_689, %add3A_691 : vector<1x128xf32>
          %div3A_693 = arith.divf %mul3A_686, %add3A_692 : vector<1x128xf32>
          %gt3A_694 = arith.constant 0.699999988 : f32
          %gt3A_695 = vector.broadcast %gt3A_694 : f32 to vector<1x128xf32>
          %gt3A_696 = arith.cmpf ogt, %div3A_693, %gt3A_695 : vector<1x128xf32>
          %gt3A_697 = vector.broadcast %add3A_654 : i32 to vector<1x128xi32>
          %gt3A_698 = arith.cmpi sgt, %iota3A, %gt3A_697 : vector<1x128xi32>
          %and3A_699 = arith.andi %gt3A_696, %gt3A_698 : vector<1x128xi1>
          %convert_element_type3A_700 = arith.extui %and3A_699 : vector<1x128xi1> to vector<1x128xi32>
          %convert_element_type3A_701 = arith.sitofp %convert_element_type3A_700 : vector<1x128xi32> to vector<1x128xf32>
          %mul3A_702 = vector.broadcast %broadcast_in_dim3A_662 : vector<1x1xf32> to vector<1x128xf32>
          %mul3A_703 = arith.mulf %convert_element_type3A_701, %mul3A_702 : vector<1x128xf32>
          %sub3A_704 = arith.constant 1.000000e+00 : f32
          %sub3A_705 = vector.broadcast %sub3A_704 : f32 to vector<1x128xf32>
          %sub3A_706 = arith.subf %sub3A_705, %mul3A_703 : vector<1x128xf32>
          %mul3A_707 = arith.mulf %mul3A_599, %sub3A_706 : vector<1x128xf32>
          %get3A_708 = arith.constant 0 : index
          %get3A_709 = arith.constant 0 : index
          %get3A_710 = vector.load %arg2[%get3A_708, %get3A_709] : memref<48x128xf32, #tpu.memory_space<vmem>>, vector<48x128xf32>
          %min3A_711 = vector.broadcast %slice3A_665 : vector<1x1xf32> to vector<48x128xf32>
          %min3A_712 = arith.minimumf %min3A_711, %get3A_710 : vector<48x128xf32>
          %get3A_713 = arith.constant 0 : index
          %get3A_714 = arith.constant 0 : index
          %get3A_715 = vector.load %arg0[%get3A_713, %get3A_714] : memref<48x128xf32, #tpu.memory_space<vmem>>, vector<48x128xf32>
          %max3A_716 = vector.broadcast %slice3A_663 : vector<1x1xf32> to vector<48x128xf32>
          %max3A_717 = arith.maximumf %max3A_716, %get3A_715 : vector<48x128xf32>
          %sub3A_718 = arith.subf %min3A_712, %max3A_717 : vector<48x128xf32>
          %jit3A_719 = arith.constant 0.000000e+00 : f32
          %max3A_720 = vector.broadcast %jit3A_719 : f32 to vector<48x128xf32>
          %max3A_721 = arith.maximumf %max3A_720, %sub3A_718 : vector<48x128xf32>
          %get3A_722 = arith.constant 0 : index
          %get3A_723 = arith.constant 0 : index
          %get3A_724 = vector.load %arg3[%get3A_722, %get3A_723] : memref<48x128xf32, #tpu.memory_space<vmem>>, vector<48x128xf32>
          %min3A_725 = vector.broadcast %slice3A_666 : vector<1x1xf32> to vector<48x128xf32>
          %min3A_726 = arith.minimumf %min3A_725, %get3A_724 : vector<48x128xf32>
          %get3A_727 = arith.constant 0 : index
          %get3A_728 = arith.constant 0 : index
          %get3A_729 = vector.load %arg1[%get3A_727, %get3A_728] : memref<48x128xf32, #tpu.memory_space<vmem>>, vector<48x128xf32>
          %max3A_730 = vector.broadcast %slice3A_664 : vector<1x1xf32> to vector<48x128xf32>
          %max3A_731 = arith.maximumf %max3A_730, %get3A_729 : vector<48x128xf32>
          %sub3A_732 = arith.subf %min3A_726, %max3A_731 : vector<48x128xf32>
          %jit3A_733 = arith.constant 0.000000e+00 : f32
          %max3A_734 = vector.broadcast %jit3A_733 : f32 to vector<48x128xf32>
          %max3A_735 = arith.maximumf %max3A_734, %sub3A_732 : vector<48x128xf32>
          %mul3A_736 = arith.mulf %max3A_721, %max3A_735 : vector<48x128xf32>
          %add3A_737 = vector.broadcast %mul3A_669 : vector<1x1xf32> to vector<48x128xf32>
          %add3A_738 = arith.addf %add3A_737, %mul3A_19 : vector<48x128xf32>
          %sub3A_739 = arith.subf %add3A_738, %mul3A_736 : vector<48x128xf32>
          %add3A_740 = arith.constant 9.99999971E-10 : f32
          %add3A_741 = vector.broadcast %add3A_740 : f32 to vector<48x128xf32>
          %add3A_742 = arith.addf %sub3A_739, %add3A_741 : vector<48x128xf32>
          %div3A_743 = arith.divf %mul3A_736, %add3A_742 : vector<48x128xf32>
          %gt3A_744 = arith.constant 0.699999988 : f32
          %gt3A_745 = vector.broadcast %gt3A_744 : f32 to vector<48x128xf32>
          %gt3A_746 = arith.cmpf ogt, %div3A_743, %gt3A_745 : vector<48x128xf32>
          %gt3A_747 = vector.broadcast %add3A_650 : i32 to vector<48x128xi32>
          %gt3A_748 = arith.cmpi sgt, %add3A, %gt3A_747 : vector<48x128xi32>
          %and3A_749 = arith.andi %gt3A_746, %gt3A_748 : vector<48x128xi1>
          %convert_element_type3A_750 = arith.extui %and3A_749 : vector<48x128xi1> to vector<48x128xi32>
          %convert_element_type3A_751 = arith.sitofp %convert_element_type3A_750 : vector<48x128xi32> to vector<48x128xf32>
          %mul3A_752 = vector.broadcast %broadcast_in_dim3A_662 : vector<1x1xf32> to vector<48x128xf32>
          %mul3A_753 = arith.mulf %convert_element_type3A_751, %mul3A_752 : vector<48x128xf32>
          %max3A_754 = arith.maximumf %max3A_646, %mul3A_753 : vector<48x128xf32>
          %mul3A_755 = arith.constant 16 : i32
          %mul3A_756 = arith.muli %add3A_93, %mul3A_755 : i32
          %add3A_757 = arith.constant 6 : i32
          %add3A_758 = arith.addi %mul3A_756, %add3A_757 : i32
          %mul3A_759 = arith.constant 16 : i32
          %mul3A_760 = arith.muli %while3A_88, %mul3A_759 : i32
          %add3A_761 = arith.constant 6 : i32
          %add3A_762 = arith.addi %mul3A_760, %add3A_761 : i32
          %eq3A_763 = vector.broadcast %add3A_762 : i32 to vector<1x128xi32>
          %eq3A_764 = arith.cmpi eq, %iota3A, %eq3A_763 : vector<1x128xi32>
          %convert_element_type3A_765 = arith.extui %eq3A_764 : vector<1x128xi1> to vector<1x128xi32>
          %convert_element_type3A_766 = arith.sitofp %convert_element_type3A_765 : vector<1x128xi32> to vector<1x128xf32>
          %mul3A_767 = arith.mulf %mul3A_707, %convert_element_type3A_766 : vector<1x128xf32>
          %reduce_sum3A_768 = arith.constant dense<0.000000e+00> : vector<1xf32>
          %reduce_sum3A_769 = vector.multi_reduction <add>, %mul3A_767, %reduce_sum3A_768 [1] : vector<1x128xf32> to vector<1xf32>
          %broadcast_in_dim3A_770 = vector.shape_cast %reduce_sum3A_769 : vector<1xf32> to vector<1x1xf32>
          %slice3A_771 = vector.extract_strided_slice %reshape3A {offsets = [6, 0], sizes = [1, 1], strides = [1, 1]} : vector<16x1xf32> to vector<1x1xf32>
          %slice3A_772 = vector.extract_strided_slice %reshape3A_102 {offsets = [6, 0], sizes = [1, 1], strides = [1, 1]} : vector<16x1xf32> to vector<1x1xf32>
          %slice3A_773 = vector.extract_strided_slice %reshape3A_107 {offsets = [6, 0], sizes = [1, 1], strides = [1, 1]} : vector<16x1xf32> to vector<1x1xf32>
          %slice3A_774 = vector.extract_strided_slice %reshape3A_112 {offsets = [6, 0], sizes = [1, 1], strides = [1, 1]} : vector<16x1xf32> to vector<1x1xf32>
          %sub3A_775 = arith.subf %slice3A_773, %slice3A_771 : vector<1x1xf32>
          %sub3A_776 = arith.subf %slice3A_774, %slice3A_772 : vector<1x1xf32>
          %mul3A_777 = arith.mulf %sub3A_775, %sub3A_776 : vector<1x1xf32>
          %min3A_778 = vector.broadcast %slice3A_773 : vector<1x1xf32> to vector<1x128xf32>
          %min3A_779 = arith.minimumf %min3A_778, %get3A_39 : vector<1x128xf32>
          %max3A_780 = vector.broadcast %slice3A_771 : vector<1x1xf32> to vector<1x128xf32>
          %max3A_781 = arith.maximumf %max3A_780, %get3A_33 : vector<1x128xf32>
          %sub3A_782 = arith.subf %min3A_779, %max3A_781 : vector<1x128xf32>
          %jit3A_783 = arith.constant 0.000000e+00 : f32
          %max3A_784 = vector.broadcast %jit3A_783 : f32 to vector<1x128xf32>
          %max3A_785 = arith.maximumf %max3A_784, %sub3A_782 : vector<1x128xf32>
          %min3A_786 = vector.broadcast %slice3A_774 : vector<1x1xf32> to vector<1x128xf32>
          %min3A_787 = arith.minimumf %min3A_786, %get3A_42 : vector<1x128xf32>
          %max3A_788 = vector.broadcast %slice3A_772 : vector<1x1xf32> to vector<1x128xf32>
          %max3A_789 = arith.maximumf %max3A_788, %get3A_36 : vector<1x128xf32>
          %sub3A_790 = arith.subf %min3A_787, %max3A_789 : vector<1x128xf32>
          %jit3A_791 = arith.constant 0.000000e+00 : f32
          %max3A_792 = vector.broadcast %jit3A_791 : f32 to vector<1x128xf32>
          %max3A_793 = arith.maximumf %max3A_792, %sub3A_790 : vector<1x128xf32>
          %mul3A_794 = arith.mulf %max3A_785, %max3A_793 : vector<1x128xf32>
          %add3A_795 = vector.broadcast %mul3A_777 : vector<1x1xf32> to vector<1x128xf32>
          %add3A_796 = arith.addf %add3A_795, %mul3A_45 : vector<1x128xf32>
          %sub3A_797 = arith.subf %add3A_796, %mul3A_794 : vector<1x128xf32>
          %add3A_798 = arith.constant 9.99999971E-10 : f32
          %add3A_799 = vector.broadcast %add3A_798 : f32 to vector<1x128xf32>
          %add3A_800 = arith.addf %sub3A_797, %add3A_799 : vector<1x128xf32>
          %div3A_801 = arith.divf %mul3A_794, %add3A_800 : vector<1x128xf32>
          %gt3A_802 = arith.constant 0.699999988 : f32
          %gt3A_803 = vector.broadcast %gt3A_802 : f32 to vector<1x128xf32>
          %gt3A_804 = arith.cmpf ogt, %div3A_801, %gt3A_803 : vector<1x128xf32>
          %gt3A_805 = vector.broadcast %add3A_762 : i32 to vector<1x128xi32>
          %gt3A_806 = arith.cmpi sgt, %iota3A, %gt3A_805 : vector<1x128xi32>
          %and3A_807 = arith.andi %gt3A_804, %gt3A_806 : vector<1x128xi1>
          %convert_element_type3A_808 = arith.extui %and3A_807 : vector<1x128xi1> to vector<1x128xi32>
          %convert_element_type3A_809 = arith.sitofp %convert_element_type3A_808 : vector<1x128xi32> to vector<1x128xf32>
          %mul3A_810 = vector.broadcast %broadcast_in_dim3A_770 : vector<1x1xf32> to vector<1x128xf32>
          %mul3A_811 = arith.mulf %convert_element_type3A_809, %mul3A_810 : vector<1x128xf32>
          %sub3A_812 = arith.constant 1.000000e+00 : f32
          %sub3A_813 = vector.broadcast %sub3A_812 : f32 to vector<1x128xf32>
          %sub3A_814 = arith.subf %sub3A_813, %mul3A_811 : vector<1x128xf32>
          %mul3A_815 = arith.mulf %mul3A_707, %sub3A_814 : vector<1x128xf32>
          %get3A_816 = arith.constant 0 : index
          %get3A_817 = arith.constant 0 : index
          %get3A_818 = vector.load %arg2[%get3A_816, %get3A_817] : memref<48x128xf32, #tpu.memory_space<vmem>>, vector<48x128xf32>
          %min3A_819 = vector.broadcast %slice3A_773 : vector<1x1xf32> to vector<48x128xf32>
          %min3A_820 = arith.minimumf %min3A_819, %get3A_818 : vector<48x128xf32>
          %get3A_821 = arith.constant 0 : index
          %get3A_822 = arith.constant 0 : index
          %get3A_823 = vector.load %arg0[%get3A_821, %get3A_822] : memref<48x128xf32, #tpu.memory_space<vmem>>, vector<48x128xf32>
          %max3A_824 = vector.broadcast %slice3A_771 : vector<1x1xf32> to vector<48x128xf32>
          %max3A_825 = arith.maximumf %max3A_824, %get3A_823 : vector<48x128xf32>
          %sub3A_826 = arith.subf %min3A_820, %max3A_825 : vector<48x128xf32>
          %jit3A_827 = arith.constant 0.000000e+00 : f32
          %max3A_828 = vector.broadcast %jit3A_827 : f32 to vector<48x128xf32>
          %max3A_829 = arith.maximumf %max3A_828, %sub3A_826 : vector<48x128xf32>
          %get3A_830 = arith.constant 0 : index
          %get3A_831 = arith.constant 0 : index
          %get3A_832 = vector.load %arg3[%get3A_830, %get3A_831] : memref<48x128xf32, #tpu.memory_space<vmem>>, vector<48x128xf32>
          %min3A_833 = vector.broadcast %slice3A_774 : vector<1x1xf32> to vector<48x128xf32>
          %min3A_834 = arith.minimumf %min3A_833, %get3A_832 : vector<48x128xf32>
          %get3A_835 = arith.constant 0 : index
          %get3A_836 = arith.constant 0 : index
          %get3A_837 = vector.load %arg1[%get3A_835, %get3A_836] : memref<48x128xf32, #tpu.memory_space<vmem>>, vector<48x128xf32>
          %max3A_838 = vector.broadcast %slice3A_772 : vector<1x1xf32> to vector<48x128xf32>
          %max3A_839 = arith.maximumf %max3A_838, %get3A_837 : vector<48x128xf32>
          %sub3A_840 = arith.subf %min3A_834, %max3A_839 : vector<48x128xf32>
          %jit3A_841 = arith.constant 0.000000e+00 : f32
          %max3A_842 = vector.broadcast %jit3A_841 : f32 to vector<48x128xf32>
          %max3A_843 = arith.maximumf %max3A_842, %sub3A_840 : vector<48x128xf32>
          %mul3A_844 = arith.mulf %max3A_829, %max3A_843 : vector<48x128xf32>
          %add3A_845 = vector.broadcast %mul3A_777 : vector<1x1xf32> to vector<48x128xf32>
          %add3A_846 = arith.addf %add3A_845, %mul3A_19 : vector<48x128xf32>
          %sub3A_847 = arith.subf %add3A_846, %mul3A_844 : vector<48x128xf32>
          %add3A_848 = arith.constant 9.99999971E-10 : f32
          %add3A_849 = vector.broadcast %add3A_848 : f32 to vector<48x128xf32>
          %add3A_850 = arith.addf %sub3A_847, %add3A_849 : vector<48x128xf32>
          %div3A_851 = arith.divf %mul3A_844, %add3A_850 : vector<48x128xf32>
          %gt3A_852 = arith.constant 0.699999988 : f32
          %gt3A_853 = vector.broadcast %gt3A_852 : f32 to vector<48x128xf32>
          %gt3A_854 = arith.cmpf ogt, %div3A_851, %gt3A_853 : vector<48x128xf32>
          %gt3A_855 = vector.broadcast %add3A_758 : i32 to vector<48x128xi32>
          %gt3A_856 = arith.cmpi sgt, %add3A, %gt3A_855 : vector<48x128xi32>
          %and3A_857 = arith.andi %gt3A_854, %gt3A_856 : vector<48x128xi1>
          %convert_element_type3A_858 = arith.extui %and3A_857 : vector<48x128xi1> to vector<48x128xi32>
          %convert_element_type3A_859 = arith.sitofp %convert_element_type3A_858 : vector<48x128xi32> to vector<48x128xf32>
          %mul3A_860 = vector.broadcast %broadcast_in_dim3A_770 : vector<1x1xf32> to vector<48x128xf32>
          %mul3A_861 = arith.mulf %convert_element_type3A_859, %mul3A_860 : vector<48x128xf32>
          %max3A_862 = arith.maximumf %max3A_754, %mul3A_861 : vector<48x128xf32>
          %mul3A_863 = arith.constant 16 : i32
          %mul3A_864 = arith.muli %add3A_93, %mul3A_863 : i32
          %add3A_865 = arith.constant 7 : i32
          %add3A_866 = arith.addi %mul3A_864, %add3A_865 : i32
          %mul3A_867 = arith.constant 16 : i32
          %mul3A_868 = arith.muli %while3A_88, %mul3A_867 : i32
          %add3A_869 = arith.constant 7 : i32
          %add3A_870 = arith.addi %mul3A_868, %add3A_869 : i32
          %eq3A_871 = vector.broadcast %add3A_870 : i32 to vector<1x128xi32>
          %eq3A_872 = arith.cmpi eq, %iota3A, %eq3A_871 : vector<1x128xi32>
          %convert_element_type3A_873 = arith.extui %eq3A_872 : vector<1x128xi1> to vector<1x128xi32>
          %convert_element_type3A_874 = arith.sitofp %convert_element_type3A_873 : vector<1x128xi32> to vector<1x128xf32>
          %mul3A_875 = arith.mulf %mul3A_815, %convert_element_type3A_874 : vector<1x128xf32>
          %reduce_sum3A_876 = arith.constant dense<0.000000e+00> : vector<1xf32>
          %reduce_sum3A_877 = vector.multi_reduction <add>, %mul3A_875, %reduce_sum3A_876 [1] : vector<1x128xf32> to vector<1xf32>
          %broadcast_in_dim3A_878 = vector.shape_cast %reduce_sum3A_877 : vector<1xf32> to vector<1x1xf32>
          %slice3A_879 = vector.extract_strided_slice %reshape3A {offsets = [7, 0], sizes = [1, 1], strides = [1, 1]} : vector<16x1xf32> to vector<1x1xf32>
          %slice3A_880 = vector.extract_strided_slice %reshape3A_102 {offsets = [7, 0], sizes = [1, 1], strides = [1, 1]} : vector<16x1xf32> to vector<1x1xf32>
          %slice3A_881 = vector.extract_strided_slice %reshape3A_107 {offsets = [7, 0], sizes = [1, 1], strides = [1, 1]} : vector<16x1xf32> to vector<1x1xf32>
          %slice3A_882 = vector.extract_strided_slice %reshape3A_112 {offsets = [7, 0], sizes = [1, 1], strides = [1, 1]} : vector<16x1xf32> to vector<1x1xf32>
          %sub3A_883 = arith.subf %slice3A_881, %slice3A_879 : vector<1x1xf32>
          %sub3A_884 = arith.subf %slice3A_882, %slice3A_880 : vector<1x1xf32>
          %mul3A_885 = arith.mulf %sub3A_883, %sub3A_884 : vector<1x1xf32>
          %min3A_886 = vector.broadcast %slice3A_881 : vector<1x1xf32> to vector<1x128xf32>
          %min3A_887 = arith.minimumf %min3A_886, %get3A_39 : vector<1x128xf32>
          %max3A_888 = vector.broadcast %slice3A_879 : vector<1x1xf32> to vector<1x128xf32>
          %max3A_889 = arith.maximumf %max3A_888, %get3A_33 : vector<1x128xf32>
          %sub3A_890 = arith.subf %min3A_887, %max3A_889 : vector<1x128xf32>
          %jit3A_891 = arith.constant 0.000000e+00 : f32
          %max3A_892 = vector.broadcast %jit3A_891 : f32 to vector<1x128xf32>
          %max3A_893 = arith.maximumf %max3A_892, %sub3A_890 : vector<1x128xf32>
          %min3A_894 = vector.broadcast %slice3A_882 : vector<1x1xf32> to vector<1x128xf32>
          %min3A_895 = arith.minimumf %min3A_894, %get3A_42 : vector<1x128xf32>
          %max3A_896 = vector.broadcast %slice3A_880 : vector<1x1xf32> to vector<1x128xf32>
          %max3A_897 = arith.maximumf %max3A_896, %get3A_36 : vector<1x128xf32>
          %sub3A_898 = arith.subf %min3A_895, %max3A_897 : vector<1x128xf32>
          %jit3A_899 = arith.constant 0.000000e+00 : f32
          %max3A_900 = vector.broadcast %jit3A_899 : f32 to vector<1x128xf32>
          %max3A_901 = arith.maximumf %max3A_900, %sub3A_898 : vector<1x128xf32>
          %mul3A_902 = arith.mulf %max3A_893, %max3A_901 : vector<1x128xf32>
          %add3A_903 = vector.broadcast %mul3A_885 : vector<1x1xf32> to vector<1x128xf32>
          %add3A_904 = arith.addf %add3A_903, %mul3A_45 : vector<1x128xf32>
          %sub3A_905 = arith.subf %add3A_904, %mul3A_902 : vector<1x128xf32>
          %add3A_906 = arith.constant 9.99999971E-10 : f32
          %add3A_907 = vector.broadcast %add3A_906 : f32 to vector<1x128xf32>
          %add3A_908 = arith.addf %sub3A_905, %add3A_907 : vector<1x128xf32>
          %div3A_909 = arith.divf %mul3A_902, %add3A_908 : vector<1x128xf32>
          %gt3A_910 = arith.constant 0.699999988 : f32
          %gt3A_911 = vector.broadcast %gt3A_910 : f32 to vector<1x128xf32>
          %gt3A_912 = arith.cmpf ogt, %div3A_909, %gt3A_911 : vector<1x128xf32>
          %gt3A_913 = vector.broadcast %add3A_870 : i32 to vector<1x128xi32>
          %gt3A_914 = arith.cmpi sgt, %iota3A, %gt3A_913 : vector<1x128xi32>
          %and3A_915 = arith.andi %gt3A_912, %gt3A_914 : vector<1x128xi1>
          %convert_element_type3A_916 = arith.extui %and3A_915 : vector<1x128xi1> to vector<1x128xi32>
          %convert_element_type3A_917 = arith.sitofp %convert_element_type3A_916 : vector<1x128xi32> to vector<1x128xf32>
          %mul3A_918 = vector.broadcast %broadcast_in_dim3A_878 : vector<1x1xf32> to vector<1x128xf32>
          %mul3A_919 = arith.mulf %convert_element_type3A_917, %mul3A_918 : vector<1x128xf32>
          %sub3A_920 = arith.constant 1.000000e+00 : f32
          %sub3A_921 = vector.broadcast %sub3A_920 : f32 to vector<1x128xf32>
          %sub3A_922 = arith.subf %sub3A_921, %mul3A_919 : vector<1x128xf32>
          %mul3A_923 = arith.mulf %mul3A_815, %sub3A_922 : vector<1x128xf32>
          %get3A_924 = arith.constant 0 : index
          %get3A_925 = arith.constant 0 : index
          %get3A_926 = vector.load %arg2[%get3A_924, %get3A_925] : memref<48x128xf32, #tpu.memory_space<vmem>>, vector<48x128xf32>
          %min3A_927 = vector.broadcast %slice3A_881 : vector<1x1xf32> to vector<48x128xf32>
          %min3A_928 = arith.minimumf %min3A_927, %get3A_926 : vector<48x128xf32>
          %get3A_929 = arith.constant 0 : index
          %get3A_930 = arith.constant 0 : index
          %get3A_931 = vector.load %arg0[%get3A_929, %get3A_930] : memref<48x128xf32, #tpu.memory_space<vmem>>, vector<48x128xf32>
          %max3A_932 = vector.broadcast %slice3A_879 : vector<1x1xf32> to vector<48x128xf32>
          %max3A_933 = arith.maximumf %max3A_932, %get3A_931 : vector<48x128xf32>
          %sub3A_934 = arith.subf %min3A_928, %max3A_933 : vector<48x128xf32>
          %jit3A_935 = arith.constant 0.000000e+00 : f32
          %max3A_936 = vector.broadcast %jit3A_935 : f32 to vector<48x128xf32>
          %max3A_937 = arith.maximumf %max3A_936, %sub3A_934 : vector<48x128xf32>
          %get3A_938 = arith.constant 0 : index
          %get3A_939 = arith.constant 0 : index
          %get3A_940 = vector.load %arg3[%get3A_938, %get3A_939] : memref<48x128xf32, #tpu.memory_space<vmem>>, vector<48x128xf32>
          %min3A_941 = vector.broadcast %slice3A_882 : vector<1x1xf32> to vector<48x128xf32>
          %min3A_942 = arith.minimumf %min3A_941, %get3A_940 : vector<48x128xf32>
          %get3A_943 = arith.constant 0 : index
          %get3A_944 = arith.constant 0 : index
          %get3A_945 = vector.load %arg1[%get3A_943, %get3A_944] : memref<48x128xf32, #tpu.memory_space<vmem>>, vector<48x128xf32>
          %max3A_946 = vector.broadcast %slice3A_880 : vector<1x1xf32> to vector<48x128xf32>
          %max3A_947 = arith.maximumf %max3A_946, %get3A_945 : vector<48x128xf32>
          %sub3A_948 = arith.subf %min3A_942, %max3A_947 : vector<48x128xf32>
          %jit3A_949 = arith.constant 0.000000e+00 : f32
          %max3A_950 = vector.broadcast %jit3A_949 : f32 to vector<48x128xf32>
          %max3A_951 = arith.maximumf %max3A_950, %sub3A_948 : vector<48x128xf32>
          %mul3A_952 = arith.mulf %max3A_937, %max3A_951 : vector<48x128xf32>
          %add3A_953 = vector.broadcast %mul3A_885 : vector<1x1xf32> to vector<48x128xf32>
          %add3A_954 = arith.addf %add3A_953, %mul3A_19 : vector<48x128xf32>
          %sub3A_955 = arith.subf %add3A_954, %mul3A_952 : vector<48x128xf32>
          %add3A_956 = arith.constant 9.99999971E-10 : f32
          %add3A_957 = vector.broadcast %add3A_956 : f32 to vector<48x128xf32>
          %add3A_958 = arith.addf %sub3A_955, %add3A_957 : vector<48x128xf32>
          %div3A_959 = arith.divf %mul3A_952, %add3A_958 : vector<48x128xf32>
          %gt3A_960 = arith.constant 0.699999988 : f32
          %gt3A_961 = vector.broadcast %gt3A_960 : f32 to vector<48x128xf32>
          %gt3A_962 = arith.cmpf ogt, %div3A_959, %gt3A_961 : vector<48x128xf32>
          %gt3A_963 = vector.broadcast %add3A_866 : i32 to vector<48x128xi32>
          %gt3A_964 = arith.cmpi sgt, %add3A, %gt3A_963 : vector<48x128xi32>
          %and3A_965 = arith.andi %gt3A_962, %gt3A_964 : vector<48x128xi1>
          %convert_element_type3A_966 = arith.extui %and3A_965 : vector<48x128xi1> to vector<48x128xi32>
          %convert_element_type3A_967 = arith.sitofp %convert_element_type3A_966 : vector<48x128xi32> to vector<48x128xf32>
          %mul3A_968 = vector.broadcast %broadcast_in_dim3A_878 : vector<1x1xf32> to vector<48x128xf32>
          %mul3A_969 = arith.mulf %convert_element_type3A_967, %mul3A_968 : vector<48x128xf32>
          %max3A_970 = arith.maximumf %max3A_862, %mul3A_969 : vector<48x128xf32>
          %mul3A_971 = arith.constant 16 : i32
          %mul3A_972 = arith.muli %add3A_93, %mul3A_971 : i32
          %add3A_973 = arith.constant 8 : i32
          %add3A_974 = arith.addi %mul3A_972, %add3A_973 : i32
          %mul3A_975 = arith.constant 16 : i32
          %mul3A_976 = arith.muli %while3A_88, %mul3A_975 : i32
          %add3A_977 = arith.constant 8 : i32
          %add3A_978 = arith.addi %mul3A_976, %add3A_977 : i32
          %eq3A_979 = vector.broadcast %add3A_978 : i32 to vector<1x128xi32>
          %eq3A_980 = arith.cmpi eq, %iota3A, %eq3A_979 : vector<1x128xi32>
          %convert_element_type3A_981 = arith.extui %eq3A_980 : vector<1x128xi1> to vector<1x128xi32>
          %convert_element_type3A_982 = arith.sitofp %convert_element_type3A_981 : vector<1x128xi32> to vector<1x128xf32>
          %mul3A_983 = arith.mulf %mul3A_923, %convert_element_type3A_982 : vector<1x128xf32>
          %reduce_sum3A_984 = arith.constant dense<0.000000e+00> : vector<1xf32>
          %reduce_sum3A_985 = vector.multi_reduction <add>, %mul3A_983, %reduce_sum3A_984 [1] : vector<1x128xf32> to vector<1xf32>
          %broadcast_in_dim3A_986 = vector.shape_cast %reduce_sum3A_985 : vector<1xf32> to vector<1x1xf32>
          %slice3A_987 = vector.extract_strided_slice %reshape3A {offsets = [8, 0], sizes = [1, 1], strides = [1, 1]} : vector<16x1xf32> to vector<1x1xf32>
          %slice3A_988 = vector.extract_strided_slice %reshape3A_102 {offsets = [8, 0], sizes = [1, 1], strides = [1, 1]} : vector<16x1xf32> to vector<1x1xf32>
          %slice3A_989 = vector.extract_strided_slice %reshape3A_107 {offsets = [8, 0], sizes = [1, 1], strides = [1, 1]} : vector<16x1xf32> to vector<1x1xf32>
          %slice3A_990 = vector.extract_strided_slice %reshape3A_112 {offsets = [8, 0], sizes = [1, 1], strides = [1, 1]} : vector<16x1xf32> to vector<1x1xf32>
          %sub3A_991 = arith.subf %slice3A_989, %slice3A_987 : vector<1x1xf32>
          %sub3A_992 = arith.subf %slice3A_990, %slice3A_988 : vector<1x1xf32>
          %mul3A_993 = arith.mulf %sub3A_991, %sub3A_992 : vector<1x1xf32>
          %min3A_994 = vector.broadcast %slice3A_989 : vector<1x1xf32> to vector<1x128xf32>
          %min3A_995 = arith.minimumf %min3A_994, %get3A_39 : vector<1x128xf32>
          %max3A_996 = vector.broadcast %slice3A_987 : vector<1x1xf32> to vector<1x128xf32>
          %max3A_997 = arith.maximumf %max3A_996, %get3A_33 : vector<1x128xf32>
          %sub3A_998 = arith.subf %min3A_995, %max3A_997 : vector<1x128xf32>
          %jit3A_999 = arith.constant 0.000000e+00 : f32
          %max3A_1000 = vector.broadcast %jit3A_999 : f32 to vector<1x128xf32>
          %max3A_1001 = arith.maximumf %max3A_1000, %sub3A_998 : vector<1x128xf32>
          %min3A_1002 = vector.broadcast %slice3A_990 : vector<1x1xf32> to vector<1x128xf32>
          %min3A_1003 = arith.minimumf %min3A_1002, %get3A_42 : vector<1x128xf32>
          %max3A_1004 = vector.broadcast %slice3A_988 : vector<1x1xf32> to vector<1x128xf32>
          %max3A_1005 = arith.maximumf %max3A_1004, %get3A_36 : vector<1x128xf32>
          %sub3A_1006 = arith.subf %min3A_1003, %max3A_1005 : vector<1x128xf32>
          %jit3A_1007 = arith.constant 0.000000e+00 : f32
          %max3A_1008 = vector.broadcast %jit3A_1007 : f32 to vector<1x128xf32>
          %max3A_1009 = arith.maximumf %max3A_1008, %sub3A_1006 : vector<1x128xf32>
          %mul3A_1010 = arith.mulf %max3A_1001, %max3A_1009 : vector<1x128xf32>
          %add3A_1011 = vector.broadcast %mul3A_993 : vector<1x1xf32> to vector<1x128xf32>
          %add3A_1012 = arith.addf %add3A_1011, %mul3A_45 : vector<1x128xf32>
          %sub3A_1013 = arith.subf %add3A_1012, %mul3A_1010 : vector<1x128xf32>
          %add3A_1014 = arith.constant 9.99999971E-10 : f32
          %add3A_1015 = vector.broadcast %add3A_1014 : f32 to vector<1x128xf32>
          %add3A_1016 = arith.addf %sub3A_1013, %add3A_1015 : vector<1x128xf32>
          %div3A_1017 = arith.divf %mul3A_1010, %add3A_1016 : vector<1x128xf32>
          %gt3A_1018 = arith.constant 0.699999988 : f32
          %gt3A_1019 = vector.broadcast %gt3A_1018 : f32 to vector<1x128xf32>
          %gt3A_1020 = arith.cmpf ogt, %div3A_1017, %gt3A_1019 : vector<1x128xf32>
          %gt3A_1021 = vector.broadcast %add3A_978 : i32 to vector<1x128xi32>
          %gt3A_1022 = arith.cmpi sgt, %iota3A, %gt3A_1021 : vector<1x128xi32>
          %and3A_1023 = arith.andi %gt3A_1020, %gt3A_1022 : vector<1x128xi1>
          %convert_element_type3A_1024 = arith.extui %and3A_1023 : vector<1x128xi1> to vector<1x128xi32>
          %convert_element_type3A_1025 = arith.sitofp %convert_element_type3A_1024 : vector<1x128xi32> to vector<1x128xf32>
          %mul3A_1026 = vector.broadcast %broadcast_in_dim3A_986 : vector<1x1xf32> to vector<1x128xf32>
          %mul3A_1027 = arith.mulf %convert_element_type3A_1025, %mul3A_1026 : vector<1x128xf32>
          %sub3A_1028 = arith.constant 1.000000e+00 : f32
          %sub3A_1029 = vector.broadcast %sub3A_1028 : f32 to vector<1x128xf32>
          %sub3A_1030 = arith.subf %sub3A_1029, %mul3A_1027 : vector<1x128xf32>
          %mul3A_1031 = arith.mulf %mul3A_923, %sub3A_1030 : vector<1x128xf32>
          %get3A_1032 = arith.constant 0 : index
          %get3A_1033 = arith.constant 0 : index
          %get3A_1034 = vector.load %arg2[%get3A_1032, %get3A_1033] : memref<48x128xf32, #tpu.memory_space<vmem>>, vector<48x128xf32>
          %min3A_1035 = vector.broadcast %slice3A_989 : vector<1x1xf32> to vector<48x128xf32>
          %min3A_1036 = arith.minimumf %min3A_1035, %get3A_1034 : vector<48x128xf32>
          %get3A_1037 = arith.constant 0 : index
          %get3A_1038 = arith.constant 0 : index
          %get3A_1039 = vector.load %arg0[%get3A_1037, %get3A_1038] : memref<48x128xf32, #tpu.memory_space<vmem>>, vector<48x128xf32>
          %max3A_1040 = vector.broadcast %slice3A_987 : vector<1x1xf32> to vector<48x128xf32>
          %max3A_1041 = arith.maximumf %max3A_1040, %get3A_1039 : vector<48x128xf32>
          %sub3A_1042 = arith.subf %min3A_1036, %max3A_1041 : vector<48x128xf32>
          %jit3A_1043 = arith.constant 0.000000e+00 : f32
          %max3A_1044 = vector.broadcast %jit3A_1043 : f32 to vector<48x128xf32>
          %max3A_1045 = arith.maximumf %max3A_1044, %sub3A_1042 : vector<48x128xf32>
          %get3A_1046 = arith.constant 0 : index
          %get3A_1047 = arith.constant 0 : index
          %get3A_1048 = vector.load %arg3[%get3A_1046, %get3A_1047] : memref<48x128xf32, #tpu.memory_space<vmem>>, vector<48x128xf32>
          %min3A_1049 = vector.broadcast %slice3A_990 : vector<1x1xf32> to vector<48x128xf32>
          %min3A_1050 = arith.minimumf %min3A_1049, %get3A_1048 : vector<48x128xf32>
          %get3A_1051 = arith.constant 0 : index
          %get3A_1052 = arith.constant 0 : index
          %get3A_1053 = vector.load %arg1[%get3A_1051, %get3A_1052] : memref<48x128xf32, #tpu.memory_space<vmem>>, vector<48x128xf32>
          %max3A_1054 = vector.broadcast %slice3A_988 : vector<1x1xf32> to vector<48x128xf32>
          %max3A_1055 = arith.maximumf %max3A_1054, %get3A_1053 : vector<48x128xf32>
          %sub3A_1056 = arith.subf %min3A_1050, %max3A_1055 : vector<48x128xf32>
          %jit3A_1057 = arith.constant 0.000000e+00 : f32
          %max3A_1058 = vector.broadcast %jit3A_1057 : f32 to vector<48x128xf32>
          %max3A_1059 = arith.maximumf %max3A_1058, %sub3A_1056 : vector<48x128xf32>
          %mul3A_1060 = arith.mulf %max3A_1045, %max3A_1059 : vector<48x128xf32>
          %add3A_1061 = vector.broadcast %mul3A_993 : vector<1x1xf32> to vector<48x128xf32>
          %add3A_1062 = arith.addf %add3A_1061, %mul3A_19 : vector<48x128xf32>
          %sub3A_1063 = arith.subf %add3A_1062, %mul3A_1060 : vector<48x128xf32>
          %add3A_1064 = arith.constant 9.99999971E-10 : f32
          %add3A_1065 = vector.broadcast %add3A_1064 : f32 to vector<48x128xf32>
          %add3A_1066 = arith.addf %sub3A_1063, %add3A_1065 : vector<48x128xf32>
          %div3A_1067 = arith.divf %mul3A_1060, %add3A_1066 : vector<48x128xf32>
          %gt3A_1068 = arith.constant 0.699999988 : f32
          %gt3A_1069 = vector.broadcast %gt3A_1068 : f32 to vector<48x128xf32>
          %gt3A_1070 = arith.cmpf ogt, %div3A_1067, %gt3A_1069 : vector<48x128xf32>
          %gt3A_1071 = vector.broadcast %add3A_974 : i32 to vector<48x128xi32>
          %gt3A_1072 = arith.cmpi sgt, %add3A, %gt3A_1071 : vector<48x128xi32>
          %and3A_1073 = arith.andi %gt3A_1070, %gt3A_1072 : vector<48x128xi1>
          %convert_element_type3A_1074 = arith.extui %and3A_1073 : vector<48x128xi1> to vector<48x128xi32>
          %convert_element_type3A_1075 = arith.sitofp %convert_element_type3A_1074 : vector<48x128xi32> to vector<48x128xf32>
          %mul3A_1076 = vector.broadcast %broadcast_in_dim3A_986 : vector<1x1xf32> to vector<48x128xf32>
          %mul3A_1077 = arith.mulf %convert_element_type3A_1075, %mul3A_1076 : vector<48x128xf32>
          %max3A_1078 = arith.maximumf %max3A_970, %mul3A_1077 : vector<48x128xf32>
          %mul3A_1079 = arith.constant 16 : i32
          %mul3A_1080 = arith.muli %add3A_93, %mul3A_1079 : i32
          %add3A_1081 = arith.constant 9 : i32
          %add3A_1082 = arith.addi %mul3A_1080, %add3A_1081 : i32
          %mul3A_1083 = arith.constant 16 : i32
          %mul3A_1084 = arith.muli %while3A_88, %mul3A_1083 : i32
          %add3A_1085 = arith.constant 9 : i32
          %add3A_1086 = arith.addi %mul3A_1084, %add3A_1085 : i32
          %eq3A_1087 = vector.broadcast %add3A_1086 : i32 to vector<1x128xi32>
          %eq3A_1088 = arith.cmpi eq, %iota3A, %eq3A_1087 : vector<1x128xi32>
          %convert_element_type3A_1089 = arith.extui %eq3A_1088 : vector<1x128xi1> to vector<1x128xi32>
          %convert_element_type3A_1090 = arith.sitofp %convert_element_type3A_1089 : vector<1x128xi32> to vector<1x128xf32>
          %mul3A_1091 = arith.mulf %mul3A_1031, %convert_element_type3A_1090 : vector<1x128xf32>
          %reduce_sum3A_1092 = arith.constant dense<0.000000e+00> : vector<1xf32>
          %reduce_sum3A_1093 = vector.multi_reduction <add>, %mul3A_1091, %reduce_sum3A_1092 [1] : vector<1x128xf32> to vector<1xf32>
          %broadcast_in_dim3A_1094 = vector.shape_cast %reduce_sum3A_1093 : vector<1xf32> to vector<1x1xf32>
          %slice3A_1095 = vector.extract_strided_slice %reshape3A {offsets = [9, 0], sizes = [1, 1], strides = [1, 1]} : vector<16x1xf32> to vector<1x1xf32>
          %slice3A_1096 = vector.extract_strided_slice %reshape3A_102 {offsets = [9, 0], sizes = [1, 1], strides = [1, 1]} : vector<16x1xf32> to vector<1x1xf32>
          %slice3A_1097 = vector.extract_strided_slice %reshape3A_107 {offsets = [9, 0], sizes = [1, 1], strides = [1, 1]} : vector<16x1xf32> to vector<1x1xf32>
          %slice3A_1098 = vector.extract_strided_slice %reshape3A_112 {offsets = [9, 0], sizes = [1, 1], strides = [1, 1]} : vector<16x1xf32> to vector<1x1xf32>
          %sub3A_1099 = arith.subf %slice3A_1097, %slice3A_1095 : vector<1x1xf32>
          %sub3A_1100 = arith.subf %slice3A_1098, %slice3A_1096 : vector<1x1xf32>
          %mul3A_1101 = arith.mulf %sub3A_1099, %sub3A_1100 : vector<1x1xf32>
          %min3A_1102 = vector.broadcast %slice3A_1097 : vector<1x1xf32> to vector<1x128xf32>
          %min3A_1103 = arith.minimumf %min3A_1102, %get3A_39 : vector<1x128xf32>
          %max3A_1104 = vector.broadcast %slice3A_1095 : vector<1x1xf32> to vector<1x128xf32>
          %max3A_1105 = arith.maximumf %max3A_1104, %get3A_33 : vector<1x128xf32>
          %sub3A_1106 = arith.subf %min3A_1103, %max3A_1105 : vector<1x128xf32>
          %jit3A_1107 = arith.constant 0.000000e+00 : f32
          %max3A_1108 = vector.broadcast %jit3A_1107 : f32 to vector<1x128xf32>
          %max3A_1109 = arith.maximumf %max3A_1108, %sub3A_1106 : vector<1x128xf32>
          %min3A_1110 = vector.broadcast %slice3A_1098 : vector<1x1xf32> to vector<1x128xf32>
          %min3A_1111 = arith.minimumf %min3A_1110, %get3A_42 : vector<1x128xf32>
          %max3A_1112 = vector.broadcast %slice3A_1096 : vector<1x1xf32> to vector<1x128xf32>
          %max3A_1113 = arith.maximumf %max3A_1112, %get3A_36 : vector<1x128xf32>
          %sub3A_1114 = arith.subf %min3A_1111, %max3A_1113 : vector<1x128xf32>
          %jit3A_1115 = arith.constant 0.000000e+00 : f32
          %max3A_1116 = vector.broadcast %jit3A_1115 : f32 to vector<1x128xf32>
          %max3A_1117 = arith.maximumf %max3A_1116, %sub3A_1114 : vector<1x128xf32>
          %mul3A_1118 = arith.mulf %max3A_1109, %max3A_1117 : vector<1x128xf32>
          %add3A_1119 = vector.broadcast %mul3A_1101 : vector<1x1xf32> to vector<1x128xf32>
          %add3A_1120 = arith.addf %add3A_1119, %mul3A_45 : vector<1x128xf32>
          %sub3A_1121 = arith.subf %add3A_1120, %mul3A_1118 : vector<1x128xf32>
          %add3A_1122 = arith.constant 9.99999971E-10 : f32
          %add3A_1123 = vector.broadcast %add3A_1122 : f32 to vector<1x128xf32>
          %add3A_1124 = arith.addf %sub3A_1121, %add3A_1123 : vector<1x128xf32>
          %div3A_1125 = arith.divf %mul3A_1118, %add3A_1124 : vector<1x128xf32>
          %gt3A_1126 = arith.constant 0.699999988 : f32
          %gt3A_1127 = vector.broadcast %gt3A_1126 : f32 to vector<1x128xf32>
          %gt3A_1128 = arith.cmpf ogt, %div3A_1125, %gt3A_1127 : vector<1x128xf32>
          %gt3A_1129 = vector.broadcast %add3A_1086 : i32 to vector<1x128xi32>
          %gt3A_1130 = arith.cmpi sgt, %iota3A, %gt3A_1129 : vector<1x128xi32>
          %and3A_1131 = arith.andi %gt3A_1128, %gt3A_1130 : vector<1x128xi1>
          %convert_element_type3A_1132 = arith.extui %and3A_1131 : vector<1x128xi1> to vector<1x128xi32>
          %convert_element_type3A_1133 = arith.sitofp %convert_element_type3A_1132 : vector<1x128xi32> to vector<1x128xf32>
          %mul3A_1134 = vector.broadcast %broadcast_in_dim3A_1094 : vector<1x1xf32> to vector<1x128xf32>
          %mul3A_1135 = arith.mulf %convert_element_type3A_1133, %mul3A_1134 : vector<1x128xf32>
          %sub3A_1136 = arith.constant 1.000000e+00 : f32
          %sub3A_1137 = vector.broadcast %sub3A_1136 : f32 to vector<1x128xf32>
          %sub3A_1138 = arith.subf %sub3A_1137, %mul3A_1135 : vector<1x128xf32>
          %mul3A_1139 = arith.mulf %mul3A_1031, %sub3A_1138 : vector<1x128xf32>
          %get3A_1140 = arith.constant 0 : index
          %get3A_1141 = arith.constant 0 : index
          %get3A_1142 = vector.load %arg2[%get3A_1140, %get3A_1141] : memref<48x128xf32, #tpu.memory_space<vmem>>, vector<48x128xf32>
          %min3A_1143 = vector.broadcast %slice3A_1097 : vector<1x1xf32> to vector<48x128xf32>
          %min3A_1144 = arith.minimumf %min3A_1143, %get3A_1142 : vector<48x128xf32>
          %get3A_1145 = arith.constant 0 : index
          %get3A_1146 = arith.constant 0 : index
          %get3A_1147 = vector.load %arg0[%get3A_1145, %get3A_1146] : memref<48x128xf32, #tpu.memory_space<vmem>>, vector<48x128xf32>
          %max3A_1148 = vector.broadcast %slice3A_1095 : vector<1x1xf32> to vector<48x128xf32>
          %max3A_1149 = arith.maximumf %max3A_1148, %get3A_1147 : vector<48x128xf32>
          %sub3A_1150 = arith.subf %min3A_1144, %max3A_1149 : vector<48x128xf32>
          %jit3A_1151 = arith.constant 0.000000e+00 : f32
          %max3A_1152 = vector.broadcast %jit3A_1151 : f32 to vector<48x128xf32>
          %max3A_1153 = arith.maximumf %max3A_1152, %sub3A_1150 : vector<48x128xf32>
          %get3A_1154 = arith.constant 0 : index
          %get3A_1155 = arith.constant 0 : index
          %get3A_1156 = vector.load %arg3[%get3A_1154, %get3A_1155] : memref<48x128xf32, #tpu.memory_space<vmem>>, vector<48x128xf32>
          %min3A_1157 = vector.broadcast %slice3A_1098 : vector<1x1xf32> to vector<48x128xf32>
          %min3A_1158 = arith.minimumf %min3A_1157, %get3A_1156 : vector<48x128xf32>
          %get3A_1159 = arith.constant 0 : index
          %get3A_1160 = arith.constant 0 : index
          %get3A_1161 = vector.load %arg1[%get3A_1159, %get3A_1160] : memref<48x128xf32, #tpu.memory_space<vmem>>, vector<48x128xf32>
          %max3A_1162 = vector.broadcast %slice3A_1096 : vector<1x1xf32> to vector<48x128xf32>
          %max3A_1163 = arith.maximumf %max3A_1162, %get3A_1161 : vector<48x128xf32>
          %sub3A_1164 = arith.subf %min3A_1158, %max3A_1163 : vector<48x128xf32>
          %jit3A_1165 = arith.constant 0.000000e+00 : f32
          %max3A_1166 = vector.broadcast %jit3A_1165 : f32 to vector<48x128xf32>
          %max3A_1167 = arith.maximumf %max3A_1166, %sub3A_1164 : vector<48x128xf32>
          %mul3A_1168 = arith.mulf %max3A_1153, %max3A_1167 : vector<48x128xf32>
          %add3A_1169 = vector.broadcast %mul3A_1101 : vector<1x1xf32> to vector<48x128xf32>
          %add3A_1170 = arith.addf %add3A_1169, %mul3A_19 : vector<48x128xf32>
          %sub3A_1171 = arith.subf %add3A_1170, %mul3A_1168 : vector<48x128xf32>
          %add3A_1172 = arith.constant 9.99999971E-10 : f32
          %add3A_1173 = vector.broadcast %add3A_1172 : f32 to vector<48x128xf32>
          %add3A_1174 = arith.addf %sub3A_1171, %add3A_1173 : vector<48x128xf32>
          %div3A_1175 = arith.divf %mul3A_1168, %add3A_1174 : vector<48x128xf32>
          %gt3A_1176 = arith.constant 0.699999988 : f32
          %gt3A_1177 = vector.broadcast %gt3A_1176 : f32 to vector<48x128xf32>
          %gt3A_1178 = arith.cmpf ogt, %div3A_1175, %gt3A_1177 : vector<48x128xf32>
          %gt3A_1179 = vector.broadcast %add3A_1082 : i32 to vector<48x128xi32>
          %gt3A_1180 = arith.cmpi sgt, %add3A, %gt3A_1179 : vector<48x128xi32>
          %and3A_1181 = arith.andi %gt3A_1178, %gt3A_1180 : vector<48x128xi1>
          %convert_element_type3A_1182 = arith.extui %and3A_1181 : vector<48x128xi1> to vector<48x128xi32>
          %convert_element_type3A_1183 = arith.sitofp %convert_element_type3A_1182 : vector<48x128xi32> to vector<48x128xf32>
          %mul3A_1184 = vector.broadcast %broadcast_in_dim3A_1094 : vector<1x1xf32> to vector<48x128xf32>
          %mul3A_1185 = arith.mulf %convert_element_type3A_1183, %mul3A_1184 : vector<48x128xf32>
          %max3A_1186 = arith.maximumf %max3A_1078, %mul3A_1185 : vector<48x128xf32>
          %mul3A_1187 = arith.constant 16 : i32
          %mul3A_1188 = arith.muli %add3A_93, %mul3A_1187 : i32
          %add3A_1189 = arith.constant 10 : i32
          %add3A_1190 = arith.addi %mul3A_1188, %add3A_1189 : i32
          %mul3A_1191 = arith.constant 16 : i32
          %mul3A_1192 = arith.muli %while3A_88, %mul3A_1191 : i32
          %add3A_1193 = arith.constant 10 : i32
          %add3A_1194 = arith.addi %mul3A_1192, %add3A_1193 : i32
          %eq3A_1195 = vector.broadcast %add3A_1194 : i32 to vector<1x128xi32>
          %eq3A_1196 = arith.cmpi eq, %iota3A, %eq3A_1195 : vector<1x128xi32>
          %convert_element_type3A_1197 = arith.extui %eq3A_1196 : vector<1x128xi1> to vector<1x128xi32>
          %convert_element_type3A_1198 = arith.sitofp %convert_element_type3A_1197 : vector<1x128xi32> to vector<1x128xf32>
          %mul3A_1199 = arith.mulf %mul3A_1139, %convert_element_type3A_1198 : vector<1x128xf32>
          %reduce_sum3A_1200 = arith.constant dense<0.000000e+00> : vector<1xf32>
          %reduce_sum3A_1201 = vector.multi_reduction <add>, %mul3A_1199, %reduce_sum3A_1200 [1] : vector<1x128xf32> to vector<1xf32>
          %broadcast_in_dim3A_1202 = vector.shape_cast %reduce_sum3A_1201 : vector<1xf32> to vector<1x1xf32>
          %slice3A_1203 = vector.extract_strided_slice %reshape3A {offsets = [10, 0], sizes = [1, 1], strides = [1, 1]} : vector<16x1xf32> to vector<1x1xf32>
          %slice3A_1204 = vector.extract_strided_slice %reshape3A_102 {offsets = [10, 0], sizes = [1, 1], strides = [1, 1]} : vector<16x1xf32> to vector<1x1xf32>
          %slice3A_1205 = vector.extract_strided_slice %reshape3A_107 {offsets = [10, 0], sizes = [1, 1], strides = [1, 1]} : vector<16x1xf32> to vector<1x1xf32>
          %slice3A_1206 = vector.extract_strided_slice %reshape3A_112 {offsets = [10, 0], sizes = [1, 1], strides = [1, 1]} : vector<16x1xf32> to vector<1x1xf32>
          %sub3A_1207 = arith.subf %slice3A_1205, %slice3A_1203 : vector<1x1xf32>
          %sub3A_1208 = arith.subf %slice3A_1206, %slice3A_1204 : vector<1x1xf32>
          %mul3A_1209 = arith.mulf %sub3A_1207, %sub3A_1208 : vector<1x1xf32>
          %min3A_1210 = vector.broadcast %slice3A_1205 : vector<1x1xf32> to vector<1x128xf32>
          %min3A_1211 = arith.minimumf %min3A_1210, %get3A_39 : vector<1x128xf32>
          %max3A_1212 = vector.broadcast %slice3A_1203 : vector<1x1xf32> to vector<1x128xf32>
          %max3A_1213 = arith.maximumf %max3A_1212, %get3A_33 : vector<1x128xf32>
          %sub3A_1214 = arith.subf %min3A_1211, %max3A_1213 : vector<1x128xf32>
          %jit3A_1215 = arith.constant 0.000000e+00 : f32
          %max3A_1216 = vector.broadcast %jit3A_1215 : f32 to vector<1x128xf32>
          %max3A_1217 = arith.maximumf %max3A_1216, %sub3A_1214 : vector<1x128xf32>
          %min3A_1218 = vector.broadcast %slice3A_1206 : vector<1x1xf32> to vector<1x128xf32>
          %min3A_1219 = arith.minimumf %min3A_1218, %get3A_42 : vector<1x128xf32>
          %max3A_1220 = vector.broadcast %slice3A_1204 : vector<1x1xf32> to vector<1x128xf32>
          %max3A_1221 = arith.maximumf %max3A_1220, %get3A_36 : vector<1x128xf32>
          %sub3A_1222 = arith.subf %min3A_1219, %max3A_1221 : vector<1x128xf32>
          %jit3A_1223 = arith.constant 0.000000e+00 : f32
          %max3A_1224 = vector.broadcast %jit3A_1223 : f32 to vector<1x128xf32>
          %max3A_1225 = arith.maximumf %max3A_1224, %sub3A_1222 : vector<1x128xf32>
          %mul3A_1226 = arith.mulf %max3A_1217, %max3A_1225 : vector<1x128xf32>
          %add3A_1227 = vector.broadcast %mul3A_1209 : vector<1x1xf32> to vector<1x128xf32>
          %add3A_1228 = arith.addf %add3A_1227, %mul3A_45 : vector<1x128xf32>
          %sub3A_1229 = arith.subf %add3A_1228, %mul3A_1226 : vector<1x128xf32>
          %add3A_1230 = arith.constant 9.99999971E-10 : f32
          %add3A_1231 = vector.broadcast %add3A_1230 : f32 to vector<1x128xf32>
          %add3A_1232 = arith.addf %sub3A_1229, %add3A_1231 : vector<1x128xf32>
          %div3A_1233 = arith.divf %mul3A_1226, %add3A_1232 : vector<1x128xf32>
          %gt3A_1234 = arith.constant 0.699999988 : f32
          %gt3A_1235 = vector.broadcast %gt3A_1234 : f32 to vector<1x128xf32>
          %gt3A_1236 = arith.cmpf ogt, %div3A_1233, %gt3A_1235 : vector<1x128xf32>
          %gt3A_1237 = vector.broadcast %add3A_1194 : i32 to vector<1x128xi32>
          %gt3A_1238 = arith.cmpi sgt, %iota3A, %gt3A_1237 : vector<1x128xi32>
          %and3A_1239 = arith.andi %gt3A_1236, %gt3A_1238 : vector<1x128xi1>
          %convert_element_type3A_1240 = arith.extui %and3A_1239 : vector<1x128xi1> to vector<1x128xi32>
          %convert_element_type3A_1241 = arith.sitofp %convert_element_type3A_1240 : vector<1x128xi32> to vector<1x128xf32>
          %mul3A_1242 = vector.broadcast %broadcast_in_dim3A_1202 : vector<1x1xf32> to vector<1x128xf32>
          %mul3A_1243 = arith.mulf %convert_element_type3A_1241, %mul3A_1242 : vector<1x128xf32>
          %sub3A_1244 = arith.constant 1.000000e+00 : f32
          %sub3A_1245 = vector.broadcast %sub3A_1244 : f32 to vector<1x128xf32>
          %sub3A_1246 = arith.subf %sub3A_1245, %mul3A_1243 : vector<1x128xf32>
          %mul3A_1247 = arith.mulf %mul3A_1139, %sub3A_1246 : vector<1x128xf32>
          %get3A_1248 = arith.constant 0 : index
          %get3A_1249 = arith.constant 0 : index
          %get3A_1250 = vector.load %arg2[%get3A_1248, %get3A_1249] : memref<48x128xf32, #tpu.memory_space<vmem>>, vector<48x128xf32>
          %min3A_1251 = vector.broadcast %slice3A_1205 : vector<1x1xf32> to vector<48x128xf32>
          %min3A_1252 = arith.minimumf %min3A_1251, %get3A_1250 : vector<48x128xf32>
          %get3A_1253 = arith.constant 0 : index
          %get3A_1254 = arith.constant 0 : index
          %get3A_1255 = vector.load %arg0[%get3A_1253, %get3A_1254] : memref<48x128xf32, #tpu.memory_space<vmem>>, vector<48x128xf32>
          %max3A_1256 = vector.broadcast %slice3A_1203 : vector<1x1xf32> to vector<48x128xf32>
          %max3A_1257 = arith.maximumf %max3A_1256, %get3A_1255 : vector<48x128xf32>
          %sub3A_1258 = arith.subf %min3A_1252, %max3A_1257 : vector<48x128xf32>
          %jit3A_1259 = arith.constant 0.000000e+00 : f32
          %max3A_1260 = vector.broadcast %jit3A_1259 : f32 to vector<48x128xf32>
          %max3A_1261 = arith.maximumf %max3A_1260, %sub3A_1258 : vector<48x128xf32>
          %get3A_1262 = arith.constant 0 : index
          %get3A_1263 = arith.constant 0 : index
          %get3A_1264 = vector.load %arg3[%get3A_1262, %get3A_1263] : memref<48x128xf32, #tpu.memory_space<vmem>>, vector<48x128xf32>
          %min3A_1265 = vector.broadcast %slice3A_1206 : vector<1x1xf32> to vector<48x128xf32>
          %min3A_1266 = arith.minimumf %min3A_1265, %get3A_1264 : vector<48x128xf32>
          %get3A_1267 = arith.constant 0 : index
          %get3A_1268 = arith.constant 0 : index
          %get3A_1269 = vector.load %arg1[%get3A_1267, %get3A_1268] : memref<48x128xf32, #tpu.memory_space<vmem>>, vector<48x128xf32>
          %max3A_1270 = vector.broadcast %slice3A_1204 : vector<1x1xf32> to vector<48x128xf32>
          %max3A_1271 = arith.maximumf %max3A_1270, %get3A_1269 : vector<48x128xf32>
          %sub3A_1272 = arith.subf %min3A_1266, %max3A_1271 : vector<48x128xf32>
          %jit3A_1273 = arith.constant 0.000000e+00 : f32
          %max3A_1274 = vector.broadcast %jit3A_1273 : f32 to vector<48x128xf32>
          %max3A_1275 = arith.maximumf %max3A_1274, %sub3A_1272 : vector<48x128xf32>
          %mul3A_1276 = arith.mulf %max3A_1261, %max3A_1275 : vector<48x128xf32>
          %add3A_1277 = vector.broadcast %mul3A_1209 : vector<1x1xf32> to vector<48x128xf32>
          %add3A_1278 = arith.addf %add3A_1277, %mul3A_19 : vector<48x128xf32>
          %sub3A_1279 = arith.subf %add3A_1278, %mul3A_1276 : vector<48x128xf32>
          %add3A_1280 = arith.constant 9.99999971E-10 : f32
          %add3A_1281 = vector.broadcast %add3A_1280 : f32 to vector<48x128xf32>
          %add3A_1282 = arith.addf %sub3A_1279, %add3A_1281 : vector<48x128xf32>
          %div3A_1283 = arith.divf %mul3A_1276, %add3A_1282 : vector<48x128xf32>
          %gt3A_1284 = arith.constant 0.699999988 : f32
          %gt3A_1285 = vector.broadcast %gt3A_1284 : f32 to vector<48x128xf32>
          %gt3A_1286 = arith.cmpf ogt, %div3A_1283, %gt3A_1285 : vector<48x128xf32>
          %gt3A_1287 = vector.broadcast %add3A_1190 : i32 to vector<48x128xi32>
          %gt3A_1288 = arith.cmpi sgt, %add3A, %gt3A_1287 : vector<48x128xi32>
          %and3A_1289 = arith.andi %gt3A_1286, %gt3A_1288 : vector<48x128xi1>
          %convert_element_type3A_1290 = arith.extui %and3A_1289 : vector<48x128xi1> to vector<48x128xi32>
          %convert_element_type3A_1291 = arith.sitofp %convert_element_type3A_1290 : vector<48x128xi32> to vector<48x128xf32>
          %mul3A_1292 = vector.broadcast %broadcast_in_dim3A_1202 : vector<1x1xf32> to vector<48x128xf32>
          %mul3A_1293 = arith.mulf %convert_element_type3A_1291, %mul3A_1292 : vector<48x128xf32>
          %max3A_1294 = arith.maximumf %max3A_1186, %mul3A_1293 : vector<48x128xf32>
          %mul3A_1295 = arith.constant 16 : i32
          %mul3A_1296 = arith.muli %add3A_93, %mul3A_1295 : i32
          %add3A_1297 = arith.constant 11 : i32
          %add3A_1298 = arith.addi %mul3A_1296, %add3A_1297 : i32
          %mul3A_1299 = arith.constant 16 : i32
          %mul3A_1300 = arith.muli %while3A_88, %mul3A_1299 : i32
          %add3A_1301 = arith.constant 11 : i32
          %add3A_1302 = arith.addi %mul3A_1300, %add3A_1301 : i32
          %eq3A_1303 = vector.broadcast %add3A_1302 : i32 to vector<1x128xi32>
          %eq3A_1304 = arith.cmpi eq, %iota3A, %eq3A_1303 : vector<1x128xi32>
          %convert_element_type3A_1305 = arith.extui %eq3A_1304 : vector<1x128xi1> to vector<1x128xi32>
          %convert_element_type3A_1306 = arith.sitofp %convert_element_type3A_1305 : vector<1x128xi32> to vector<1x128xf32>
          %mul3A_1307 = arith.mulf %mul3A_1247, %convert_element_type3A_1306 : vector<1x128xf32>
          %reduce_sum3A_1308 = arith.constant dense<0.000000e+00> : vector<1xf32>
          %reduce_sum3A_1309 = vector.multi_reduction <add>, %mul3A_1307, %reduce_sum3A_1308 [1] : vector<1x128xf32> to vector<1xf32>
          %broadcast_in_dim3A_1310 = vector.shape_cast %reduce_sum3A_1309 : vector<1xf32> to vector<1x1xf32>
          %slice3A_1311 = vector.extract_strided_slice %reshape3A {offsets = [11, 0], sizes = [1, 1], strides = [1, 1]} : vector<16x1xf32> to vector<1x1xf32>
          %slice3A_1312 = vector.extract_strided_slice %reshape3A_102 {offsets = [11, 0], sizes = [1, 1], strides = [1, 1]} : vector<16x1xf32> to vector<1x1xf32>
          %slice3A_1313 = vector.extract_strided_slice %reshape3A_107 {offsets = [11, 0], sizes = [1, 1], strides = [1, 1]} : vector<16x1xf32> to vector<1x1xf32>
          %slice3A_1314 = vector.extract_strided_slice %reshape3A_112 {offsets = [11, 0], sizes = [1, 1], strides = [1, 1]} : vector<16x1xf32> to vector<1x1xf32>
          %sub3A_1315 = arith.subf %slice3A_1313, %slice3A_1311 : vector<1x1xf32>
          %sub3A_1316 = arith.subf %slice3A_1314, %slice3A_1312 : vector<1x1xf32>
          %mul3A_1317 = arith.mulf %sub3A_1315, %sub3A_1316 : vector<1x1xf32>
          %min3A_1318 = vector.broadcast %slice3A_1313 : vector<1x1xf32> to vector<1x128xf32>
          %min3A_1319 = arith.minimumf %min3A_1318, %get3A_39 : vector<1x128xf32>
          %max3A_1320 = vector.broadcast %slice3A_1311 : vector<1x1xf32> to vector<1x128xf32>
          %max3A_1321 = arith.maximumf %max3A_1320, %get3A_33 : vector<1x128xf32>
          %sub3A_1322 = arith.subf %min3A_1319, %max3A_1321 : vector<1x128xf32>
          %jit3A_1323 = arith.constant 0.000000e+00 : f32
          %max3A_1324 = vector.broadcast %jit3A_1323 : f32 to vector<1x128xf32>
          %max3A_1325 = arith.maximumf %max3A_1324, %sub3A_1322 : vector<1x128xf32>
          %min3A_1326 = vector.broadcast %slice3A_1314 : vector<1x1xf32> to vector<1x128xf32>
          %min3A_1327 = arith.minimumf %min3A_1326, %get3A_42 : vector<1x128xf32>
          %max3A_1328 = vector.broadcast %slice3A_1312 : vector<1x1xf32> to vector<1x128xf32>
          %max3A_1329 = arith.maximumf %max3A_1328, %get3A_36 : vector<1x128xf32>
          %sub3A_1330 = arith.subf %min3A_1327, %max3A_1329 : vector<1x128xf32>
          %jit3A_1331 = arith.constant 0.000000e+00 : f32
          %max3A_1332 = vector.broadcast %jit3A_1331 : f32 to vector<1x128xf32>
          %max3A_1333 = arith.maximumf %max3A_1332, %sub3A_1330 : vector<1x128xf32>
          %mul3A_1334 = arith.mulf %max3A_1325, %max3A_1333 : vector<1x128xf32>
          %add3A_1335 = vector.broadcast %mul3A_1317 : vector<1x1xf32> to vector<1x128xf32>
          %add3A_1336 = arith.addf %add3A_1335, %mul3A_45 : vector<1x128xf32>
          %sub3A_1337 = arith.subf %add3A_1336, %mul3A_1334 : vector<1x128xf32>
          %add3A_1338 = arith.constant 9.99999971E-10 : f32
          %add3A_1339 = vector.broadcast %add3A_1338 : f32 to vector<1x128xf32>
          %add3A_1340 = arith.addf %sub3A_1337, %add3A_1339 : vector<1x128xf32>
          %div3A_1341 = arith.divf %mul3A_1334, %add3A_1340 : vector<1x128xf32>
          %gt3A_1342 = arith.constant 0.699999988 : f32
          %gt3A_1343 = vector.broadcast %gt3A_1342 : f32 to vector<1x128xf32>
          %gt3A_1344 = arith.cmpf ogt, %div3A_1341, %gt3A_1343 : vector<1x128xf32>
          %gt3A_1345 = vector.broadcast %add3A_1302 : i32 to vector<1x128xi32>
          %gt3A_1346 = arith.cmpi sgt, %iota3A, %gt3A_1345 : vector<1x128xi32>
          %and3A_1347 = arith.andi %gt3A_1344, %gt3A_1346 : vector<1x128xi1>
          %convert_element_type3A_1348 = arith.extui %and3A_1347 : vector<1x128xi1> to vector<1x128xi32>
          %convert_element_type3A_1349 = arith.sitofp %convert_element_type3A_1348 : vector<1x128xi32> to vector<1x128xf32>
          %mul3A_1350 = vector.broadcast %broadcast_in_dim3A_1310 : vector<1x1xf32> to vector<1x128xf32>
          %mul3A_1351 = arith.mulf %convert_element_type3A_1349, %mul3A_1350 : vector<1x128xf32>
          %sub3A_1352 = arith.constant 1.000000e+00 : f32
          %sub3A_1353 = vector.broadcast %sub3A_1352 : f32 to vector<1x128xf32>
          %sub3A_1354 = arith.subf %sub3A_1353, %mul3A_1351 : vector<1x128xf32>
          %mul3A_1355 = arith.mulf %mul3A_1247, %sub3A_1354 : vector<1x128xf32>
          %get3A_1356 = arith.constant 0 : index
          %get3A_1357 = arith.constant 0 : index
          %get3A_1358 = vector.load %arg2[%get3A_1356, %get3A_1357] : memref<48x128xf32, #tpu.memory_space<vmem>>, vector<48x128xf32>
          %min3A_1359 = vector.broadcast %slice3A_1313 : vector<1x1xf32> to vector<48x128xf32>
          %min3A_1360 = arith.minimumf %min3A_1359, %get3A_1358 : vector<48x128xf32>
          %get3A_1361 = arith.constant 0 : index
          %get3A_1362 = arith.constant 0 : index
          %get3A_1363 = vector.load %arg0[%get3A_1361, %get3A_1362] : memref<48x128xf32, #tpu.memory_space<vmem>>, vector<48x128xf32>
          %max3A_1364 = vector.broadcast %slice3A_1311 : vector<1x1xf32> to vector<48x128xf32>
          %max3A_1365 = arith.maximumf %max3A_1364, %get3A_1363 : vector<48x128xf32>
          %sub3A_1366 = arith.subf %min3A_1360, %max3A_1365 : vector<48x128xf32>
          %jit3A_1367 = arith.constant 0.000000e+00 : f32
          %max3A_1368 = vector.broadcast %jit3A_1367 : f32 to vector<48x128xf32>
          %max3A_1369 = arith.maximumf %max3A_1368, %sub3A_1366 : vector<48x128xf32>
          %get3A_1370 = arith.constant 0 : index
          %get3A_1371 = arith.constant 0 : index
          %get3A_1372 = vector.load %arg3[%get3A_1370, %get3A_1371] : memref<48x128xf32, #tpu.memory_space<vmem>>, vector<48x128xf32>
          %min3A_1373 = vector.broadcast %slice3A_1314 : vector<1x1xf32> to vector<48x128xf32>
          %min3A_1374 = arith.minimumf %min3A_1373, %get3A_1372 : vector<48x128xf32>
          %get3A_1375 = arith.constant 0 : index
          %get3A_1376 = arith.constant 0 : index
          %get3A_1377 = vector.load %arg1[%get3A_1375, %get3A_1376] : memref<48x128xf32, #tpu.memory_space<vmem>>, vector<48x128xf32>
          %max3A_1378 = vector.broadcast %slice3A_1312 : vector<1x1xf32> to vector<48x128xf32>
          %max3A_1379 = arith.maximumf %max3A_1378, %get3A_1377 : vector<48x128xf32>
          %sub3A_1380 = arith.subf %min3A_1374, %max3A_1379 : vector<48x128xf32>
          %jit3A_1381 = arith.constant 0.000000e+00 : f32
          %max3A_1382 = vector.broadcast %jit3A_1381 : f32 to vector<48x128xf32>
          %max3A_1383 = arith.maximumf %max3A_1382, %sub3A_1380 : vector<48x128xf32>
          %mul3A_1384 = arith.mulf %max3A_1369, %max3A_1383 : vector<48x128xf32>
          %add3A_1385 = vector.broadcast %mul3A_1317 : vector<1x1xf32> to vector<48x128xf32>
          %add3A_1386 = arith.addf %add3A_1385, %mul3A_19 : vector<48x128xf32>
          %sub3A_1387 = arith.subf %add3A_1386, %mul3A_1384 : vector<48x128xf32>
          %add3A_1388 = arith.constant 9.99999971E-10 : f32
          %add3A_1389 = vector.broadcast %add3A_1388 : f32 to vector<48x128xf32>
          %add3A_1390 = arith.addf %sub3A_1387, %add3A_1389 : vector<48x128xf32>
          %div3A_1391 = arith.divf %mul3A_1384, %add3A_1390 : vector<48x128xf32>
          %gt3A_1392 = arith.constant 0.699999988 : f32
          %gt3A_1393 = vector.broadcast %gt3A_1392 : f32 to vector<48x128xf32>
          %gt3A_1394 = arith.cmpf ogt, %div3A_1391, %gt3A_1393 : vector<48x128xf32>
          %gt3A_1395 = vector.broadcast %add3A_1298 : i32 to vector<48x128xi32>
          %gt3A_1396 = arith.cmpi sgt, %add3A, %gt3A_1395 : vector<48x128xi32>
          %and3A_1397 = arith.andi %gt3A_1394, %gt3A_1396 : vector<48x128xi1>
          %convert_element_type3A_1398 = arith.extui %and3A_1397 : vector<48x128xi1> to vector<48x128xi32>
          %convert_element_type3A_1399 = arith.sitofp %convert_element_type3A_1398 : vector<48x128xi32> to vector<48x128xf32>
          %mul3A_1400 = vector.broadcast %broadcast_in_dim3A_1310 : vector<1x1xf32> to vector<48x128xf32>
          %mul3A_1401 = arith.mulf %convert_element_type3A_1399, %mul3A_1400 : vector<48x128xf32>
          %max3A_1402 = arith.maximumf %max3A_1294, %mul3A_1401 : vector<48x128xf32>
          %mul3A_1403 = arith.constant 16 : i32
          %mul3A_1404 = arith.muli %add3A_93, %mul3A_1403 : i32
          %add3A_1405 = arith.constant 12 : i32
          %add3A_1406 = arith.addi %mul3A_1404, %add3A_1405 : i32
          %mul3A_1407 = arith.constant 16 : i32
          %mul3A_1408 = arith.muli %while3A_88, %mul3A_1407 : i32
          %add3A_1409 = arith.constant 12 : i32
          %add3A_1410 = arith.addi %mul3A_1408, %add3A_1409 : i32
          %eq3A_1411 = vector.broadcast %add3A_1410 : i32 to vector<1x128xi32>
          %eq3A_1412 = arith.cmpi eq, %iota3A, %eq3A_1411 : vector<1x128xi32>
          %convert_element_type3A_1413 = arith.extui %eq3A_1412 : vector<1x128xi1> to vector<1x128xi32>
          %convert_element_type3A_1414 = arith.sitofp %convert_element_type3A_1413 : vector<1x128xi32> to vector<1x128xf32>
          %mul3A_1415 = arith.mulf %mul3A_1355, %convert_element_type3A_1414 : vector<1x128xf32>
          %reduce_sum3A_1416 = arith.constant dense<0.000000e+00> : vector<1xf32>
          %reduce_sum3A_1417 = vector.multi_reduction <add>, %mul3A_1415, %reduce_sum3A_1416 [1] : vector<1x128xf32> to vector<1xf32>
          %broadcast_in_dim3A_1418 = vector.shape_cast %reduce_sum3A_1417 : vector<1xf32> to vector<1x1xf32>
          %slice3A_1419 = vector.extract_strided_slice %reshape3A {offsets = [12, 0], sizes = [1, 1], strides = [1, 1]} : vector<16x1xf32> to vector<1x1xf32>
          %slice3A_1420 = vector.extract_strided_slice %reshape3A_102 {offsets = [12, 0], sizes = [1, 1], strides = [1, 1]} : vector<16x1xf32> to vector<1x1xf32>
          %slice3A_1421 = vector.extract_strided_slice %reshape3A_107 {offsets = [12, 0], sizes = [1, 1], strides = [1, 1]} : vector<16x1xf32> to vector<1x1xf32>
          %slice3A_1422 = vector.extract_strided_slice %reshape3A_112 {offsets = [12, 0], sizes = [1, 1], strides = [1, 1]} : vector<16x1xf32> to vector<1x1xf32>
          %sub3A_1423 = arith.subf %slice3A_1421, %slice3A_1419 : vector<1x1xf32>
          %sub3A_1424 = arith.subf %slice3A_1422, %slice3A_1420 : vector<1x1xf32>
          %mul3A_1425 = arith.mulf %sub3A_1423, %sub3A_1424 : vector<1x1xf32>
          %min3A_1426 = vector.broadcast %slice3A_1421 : vector<1x1xf32> to vector<1x128xf32>
          %min3A_1427 = arith.minimumf %min3A_1426, %get3A_39 : vector<1x128xf32>
          %max3A_1428 = vector.broadcast %slice3A_1419 : vector<1x1xf32> to vector<1x128xf32>
          %max3A_1429 = arith.maximumf %max3A_1428, %get3A_33 : vector<1x128xf32>
          %sub3A_1430 = arith.subf %min3A_1427, %max3A_1429 : vector<1x128xf32>
          %jit3A_1431 = arith.constant 0.000000e+00 : f32
          %max3A_1432 = vector.broadcast %jit3A_1431 : f32 to vector<1x128xf32>
          %max3A_1433 = arith.maximumf %max3A_1432, %sub3A_1430 : vector<1x128xf32>
          %min3A_1434 = vector.broadcast %slice3A_1422 : vector<1x1xf32> to vector<1x128xf32>
          %min3A_1435 = arith.minimumf %min3A_1434, %get3A_42 : vector<1x128xf32>
          %max3A_1436 = vector.broadcast %slice3A_1420 : vector<1x1xf32> to vector<1x128xf32>
          %max3A_1437 = arith.maximumf %max3A_1436, %get3A_36 : vector<1x128xf32>
          %sub3A_1438 = arith.subf %min3A_1435, %max3A_1437 : vector<1x128xf32>
          %jit3A_1439 = arith.constant 0.000000e+00 : f32
          %max3A_1440 = vector.broadcast %jit3A_1439 : f32 to vector<1x128xf32>
          %max3A_1441 = arith.maximumf %max3A_1440, %sub3A_1438 : vector<1x128xf32>
          %mul3A_1442 = arith.mulf %max3A_1433, %max3A_1441 : vector<1x128xf32>
          %add3A_1443 = vector.broadcast %mul3A_1425 : vector<1x1xf32> to vector<1x128xf32>
          %add3A_1444 = arith.addf %add3A_1443, %mul3A_45 : vector<1x128xf32>
          %sub3A_1445 = arith.subf %add3A_1444, %mul3A_1442 : vector<1x128xf32>
          %add3A_1446 = arith.constant 9.99999971E-10 : f32
          %add3A_1447 = vector.broadcast %add3A_1446 : f32 to vector<1x128xf32>
          %add3A_1448 = arith.addf %sub3A_1445, %add3A_1447 : vector<1x128xf32>
          %div3A_1449 = arith.divf %mul3A_1442, %add3A_1448 : vector<1x128xf32>
          %gt3A_1450 = arith.constant 0.699999988 : f32
          %gt3A_1451 = vector.broadcast %gt3A_1450 : f32 to vector<1x128xf32>
          %gt3A_1452 = arith.cmpf ogt, %div3A_1449, %gt3A_1451 : vector<1x128xf32>
          %gt3A_1453 = vector.broadcast %add3A_1410 : i32 to vector<1x128xi32>
          %gt3A_1454 = arith.cmpi sgt, %iota3A, %gt3A_1453 : vector<1x128xi32>
          %and3A_1455 = arith.andi %gt3A_1452, %gt3A_1454 : vector<1x128xi1>
          %convert_element_type3A_1456 = arith.extui %and3A_1455 : vector<1x128xi1> to vector<1x128xi32>
          %convert_element_type3A_1457 = arith.sitofp %convert_element_type3A_1456 : vector<1x128xi32> to vector<1x128xf32>
          %mul3A_1458 = vector.broadcast %broadcast_in_dim3A_1418 : vector<1x1xf32> to vector<1x128xf32>
          %mul3A_1459 = arith.mulf %convert_element_type3A_1457, %mul3A_1458 : vector<1x128xf32>
          %sub3A_1460 = arith.constant 1.000000e+00 : f32
          %sub3A_1461 = vector.broadcast %sub3A_1460 : f32 to vector<1x128xf32>
          %sub3A_1462 = arith.subf %sub3A_1461, %mul3A_1459 : vector<1x128xf32>
          %mul3A_1463 = arith.mulf %mul3A_1355, %sub3A_1462 : vector<1x128xf32>
          %get3A_1464 = arith.constant 0 : index
          %get3A_1465 = arith.constant 0 : index
          %get3A_1466 = vector.load %arg2[%get3A_1464, %get3A_1465] : memref<48x128xf32, #tpu.memory_space<vmem>>, vector<48x128xf32>
          %min3A_1467 = vector.broadcast %slice3A_1421 : vector<1x1xf32> to vector<48x128xf32>
          %min3A_1468 = arith.minimumf %min3A_1467, %get3A_1466 : vector<48x128xf32>
          %get3A_1469 = arith.constant 0 : index
          %get3A_1470 = arith.constant 0 : index
          %get3A_1471 = vector.load %arg0[%get3A_1469, %get3A_1470] : memref<48x128xf32, #tpu.memory_space<vmem>>, vector<48x128xf32>
          %max3A_1472 = vector.broadcast %slice3A_1419 : vector<1x1xf32> to vector<48x128xf32>
          %max3A_1473 = arith.maximumf %max3A_1472, %get3A_1471 : vector<48x128xf32>
          %sub3A_1474 = arith.subf %min3A_1468, %max3A_1473 : vector<48x128xf32>
          %jit3A_1475 = arith.constant 0.000000e+00 : f32
          %max3A_1476 = vector.broadcast %jit3A_1475 : f32 to vector<48x128xf32>
          %max3A_1477 = arith.maximumf %max3A_1476, %sub3A_1474 : vector<48x128xf32>
          %get3A_1478 = arith.constant 0 : index
          %get3A_1479 = arith.constant 0 : index
          %get3A_1480 = vector.load %arg3[%get3A_1478, %get3A_1479] : memref<48x128xf32, #tpu.memory_space<vmem>>, vector<48x128xf32>
          %min3A_1481 = vector.broadcast %slice3A_1422 : vector<1x1xf32> to vector<48x128xf32>
          %min3A_1482 = arith.minimumf %min3A_1481, %get3A_1480 : vector<48x128xf32>
          %get3A_1483 = arith.constant 0 : index
          %get3A_1484 = arith.constant 0 : index
          %get3A_1485 = vector.load %arg1[%get3A_1483, %get3A_1484] : memref<48x128xf32, #tpu.memory_space<vmem>>, vector<48x128xf32>
          %max3A_1486 = vector.broadcast %slice3A_1420 : vector<1x1xf32> to vector<48x128xf32>
          %max3A_1487 = arith.maximumf %max3A_1486, %get3A_1485 : vector<48x128xf32>
          %sub3A_1488 = arith.subf %min3A_1482, %max3A_1487 : vector<48x128xf32>
          %jit3A_1489 = arith.constant 0.000000e+00 : f32
          %max3A_1490 = vector.broadcast %jit3A_1489 : f32 to vector<48x128xf32>
          %max3A_1491 = arith.maximumf %max3A_1490, %sub3A_1488 : vector<48x128xf32>
          %mul3A_1492 = arith.mulf %max3A_1477, %max3A_1491 : vector<48x128xf32>
          %add3A_1493 = vector.broadcast %mul3A_1425 : vector<1x1xf32> to vector<48x128xf32>
          %add3A_1494 = arith.addf %add3A_1493, %mul3A_19 : vector<48x128xf32>
          %sub3A_1495 = arith.subf %add3A_1494, %mul3A_1492 : vector<48x128xf32>
          %add3A_1496 = arith.constant 9.99999971E-10 : f32
          %add3A_1497 = vector.broadcast %add3A_1496 : f32 to vector<48x128xf32>
          %add3A_1498 = arith.addf %sub3A_1495, %add3A_1497 : vector<48x128xf32>
          %div3A_1499 = arith.divf %mul3A_1492, %add3A_1498 : vector<48x128xf32>
          %gt3A_1500 = arith.constant 0.699999988 : f32
          %gt3A_1501 = vector.broadcast %gt3A_1500 : f32 to vector<48x128xf32>
          %gt3A_1502 = arith.cmpf ogt, %div3A_1499, %gt3A_1501 : vector<48x128xf32>
          %gt3A_1503 = vector.broadcast %add3A_1406 : i32 to vector<48x128xi32>
          %gt3A_1504 = arith.cmpi sgt, %add3A, %gt3A_1503 : vector<48x128xi32>
          %and3A_1505 = arith.andi %gt3A_1502, %gt3A_1504 : vector<48x128xi1>
          %convert_element_type3A_1506 = arith.extui %and3A_1505 : vector<48x128xi1> to vector<48x128xi32>
          %convert_element_type3A_1507 = arith.sitofp %convert_element_type3A_1506 : vector<48x128xi32> to vector<48x128xf32>
          %mul3A_1508 = vector.broadcast %broadcast_in_dim3A_1418 : vector<1x1xf32> to vector<48x128xf32>
          %mul3A_1509 = arith.mulf %convert_element_type3A_1507, %mul3A_1508 : vector<48x128xf32>
          %max3A_1510 = arith.maximumf %max3A_1402, %mul3A_1509 : vector<48x128xf32>
          %mul3A_1511 = arith.constant 16 : i32
          %mul3A_1512 = arith.muli %add3A_93, %mul3A_1511 : i32
          %add3A_1513 = arith.constant 13 : i32
          %add3A_1514 = arith.addi %mul3A_1512, %add3A_1513 : i32
          %mul3A_1515 = arith.constant 16 : i32
          %mul3A_1516 = arith.muli %while3A_88, %mul3A_1515 : i32
          %add3A_1517 = arith.constant 13 : i32
          %add3A_1518 = arith.addi %mul3A_1516, %add3A_1517 : i32
          %eq3A_1519 = vector.broadcast %add3A_1518 : i32 to vector<1x128xi32>
          %eq3A_1520 = arith.cmpi eq, %iota3A, %eq3A_1519 : vector<1x128xi32>
          %convert_element_type3A_1521 = arith.extui %eq3A_1520 : vector<1x128xi1> to vector<1x128xi32>
          %convert_element_type3A_1522 = arith.sitofp %convert_element_type3A_1521 : vector<1x128xi32> to vector<1x128xf32>
          %mul3A_1523 = arith.mulf %mul3A_1463, %convert_element_type3A_1522 : vector<1x128xf32>
          %reduce_sum3A_1524 = arith.constant dense<0.000000e+00> : vector<1xf32>
          %reduce_sum3A_1525 = vector.multi_reduction <add>, %mul3A_1523, %reduce_sum3A_1524 [1] : vector<1x128xf32> to vector<1xf32>
          %broadcast_in_dim3A_1526 = vector.shape_cast %reduce_sum3A_1525 : vector<1xf32> to vector<1x1xf32>
          %slice3A_1527 = vector.extract_strided_slice %reshape3A {offsets = [13, 0], sizes = [1, 1], strides = [1, 1]} : vector<16x1xf32> to vector<1x1xf32>
          %slice3A_1528 = vector.extract_strided_slice %reshape3A_102 {offsets = [13, 0], sizes = [1, 1], strides = [1, 1]} : vector<16x1xf32> to vector<1x1xf32>
          %slice3A_1529 = vector.extract_strided_slice %reshape3A_107 {offsets = [13, 0], sizes = [1, 1], strides = [1, 1]} : vector<16x1xf32> to vector<1x1xf32>
          %slice3A_1530 = vector.extract_strided_slice %reshape3A_112 {offsets = [13, 0], sizes = [1, 1], strides = [1, 1]} : vector<16x1xf32> to vector<1x1xf32>
          %sub3A_1531 = arith.subf %slice3A_1529, %slice3A_1527 : vector<1x1xf32>
          %sub3A_1532 = arith.subf %slice3A_1530, %slice3A_1528 : vector<1x1xf32>
          %mul3A_1533 = arith.mulf %sub3A_1531, %sub3A_1532 : vector<1x1xf32>
          %min3A_1534 = vector.broadcast %slice3A_1529 : vector<1x1xf32> to vector<1x128xf32>
          %min3A_1535 = arith.minimumf %min3A_1534, %get3A_39 : vector<1x128xf32>
          %max3A_1536 = vector.broadcast %slice3A_1527 : vector<1x1xf32> to vector<1x128xf32>
          %max3A_1537 = arith.maximumf %max3A_1536, %get3A_33 : vector<1x128xf32>
          %sub3A_1538 = arith.subf %min3A_1535, %max3A_1537 : vector<1x128xf32>
          %jit3A_1539 = arith.constant 0.000000e+00 : f32
          %max3A_1540 = vector.broadcast %jit3A_1539 : f32 to vector<1x128xf32>
          %max3A_1541 = arith.maximumf %max3A_1540, %sub3A_1538 : vector<1x128xf32>
          %min3A_1542 = vector.broadcast %slice3A_1530 : vector<1x1xf32> to vector<1x128xf32>
          %min3A_1543 = arith.minimumf %min3A_1542, %get3A_42 : vector<1x128xf32>
          %max3A_1544 = vector.broadcast %slice3A_1528 : vector<1x1xf32> to vector<1x128xf32>
          %max3A_1545 = arith.maximumf %max3A_1544, %get3A_36 : vector<1x128xf32>
          %sub3A_1546 = arith.subf %min3A_1543, %max3A_1545 : vector<1x128xf32>
          %jit3A_1547 = arith.constant 0.000000e+00 : f32
          %max3A_1548 = vector.broadcast %jit3A_1547 : f32 to vector<1x128xf32>
          %max3A_1549 = arith.maximumf %max3A_1548, %sub3A_1546 : vector<1x128xf32>
          %mul3A_1550 = arith.mulf %max3A_1541, %max3A_1549 : vector<1x128xf32>
          %add3A_1551 = vector.broadcast %mul3A_1533 : vector<1x1xf32> to vector<1x128xf32>
          %add3A_1552 = arith.addf %add3A_1551, %mul3A_45 : vector<1x128xf32>
          %sub3A_1553 = arith.subf %add3A_1552, %mul3A_1550 : vector<1x128xf32>
          %add3A_1554 = arith.constant 9.99999971E-10 : f32
          %add3A_1555 = vector.broadcast %add3A_1554 : f32 to vector<1x128xf32>
          %add3A_1556 = arith.addf %sub3A_1553, %add3A_1555 : vector<1x128xf32>
          %div3A_1557 = arith.divf %mul3A_1550, %add3A_1556 : vector<1x128xf32>
          %gt3A_1558 = arith.constant 0.699999988 : f32
          %gt3A_1559 = vector.broadcast %gt3A_1558 : f32 to vector<1x128xf32>
          %gt3A_1560 = arith.cmpf ogt, %div3A_1557, %gt3A_1559 : vector<1x128xf32>
          %gt3A_1561 = vector.broadcast %add3A_1518 : i32 to vector<1x128xi32>
          %gt3A_1562 = arith.cmpi sgt, %iota3A, %gt3A_1561 : vector<1x128xi32>
          %and3A_1563 = arith.andi %gt3A_1560, %gt3A_1562 : vector<1x128xi1>
          %convert_element_type3A_1564 = arith.extui %and3A_1563 : vector<1x128xi1> to vector<1x128xi32>
          %convert_element_type3A_1565 = arith.sitofp %convert_element_type3A_1564 : vector<1x128xi32> to vector<1x128xf32>
          %mul3A_1566 = vector.broadcast %broadcast_in_dim3A_1526 : vector<1x1xf32> to vector<1x128xf32>
          %mul3A_1567 = arith.mulf %convert_element_type3A_1565, %mul3A_1566 : vector<1x128xf32>
          %sub3A_1568 = arith.constant 1.000000e+00 : f32
          %sub3A_1569 = vector.broadcast %sub3A_1568 : f32 to vector<1x128xf32>
          %sub3A_1570 = arith.subf %sub3A_1569, %mul3A_1567 : vector<1x128xf32>
          %mul3A_1571 = arith.mulf %mul3A_1463, %sub3A_1570 : vector<1x128xf32>
          %get3A_1572 = arith.constant 0 : index
          %get3A_1573 = arith.constant 0 : index
          %get3A_1574 = vector.load %arg2[%get3A_1572, %get3A_1573] : memref<48x128xf32, #tpu.memory_space<vmem>>, vector<48x128xf32>
          %min3A_1575 = vector.broadcast %slice3A_1529 : vector<1x1xf32> to vector<48x128xf32>
          %min3A_1576 = arith.minimumf %min3A_1575, %get3A_1574 : vector<48x128xf32>
          %get3A_1577 = arith.constant 0 : index
          %get3A_1578 = arith.constant 0 : index
          %get3A_1579 = vector.load %arg0[%get3A_1577, %get3A_1578] : memref<48x128xf32, #tpu.memory_space<vmem>>, vector<48x128xf32>
          %max3A_1580 = vector.broadcast %slice3A_1527 : vector<1x1xf32> to vector<48x128xf32>
          %max3A_1581 = arith.maximumf %max3A_1580, %get3A_1579 : vector<48x128xf32>
          %sub3A_1582 = arith.subf %min3A_1576, %max3A_1581 : vector<48x128xf32>
          %jit3A_1583 = arith.constant 0.000000e+00 : f32
          %max3A_1584 = vector.broadcast %jit3A_1583 : f32 to vector<48x128xf32>
          %max3A_1585 = arith.maximumf %max3A_1584, %sub3A_1582 : vector<48x128xf32>
          %get3A_1586 = arith.constant 0 : index
          %get3A_1587 = arith.constant 0 : index
          %get3A_1588 = vector.load %arg3[%get3A_1586, %get3A_1587] : memref<48x128xf32, #tpu.memory_space<vmem>>, vector<48x128xf32>
          %min3A_1589 = vector.broadcast %slice3A_1530 : vector<1x1xf32> to vector<48x128xf32>
          %min3A_1590 = arith.minimumf %min3A_1589, %get3A_1588 : vector<48x128xf32>
          %get3A_1591 = arith.constant 0 : index
          %get3A_1592 = arith.constant 0 : index
          %get3A_1593 = vector.load %arg1[%get3A_1591, %get3A_1592] : memref<48x128xf32, #tpu.memory_space<vmem>>, vector<48x128xf32>
          %max3A_1594 = vector.broadcast %slice3A_1528 : vector<1x1xf32> to vector<48x128xf32>
          %max3A_1595 = arith.maximumf %max3A_1594, %get3A_1593 : vector<48x128xf32>
          %sub3A_1596 = arith.subf %min3A_1590, %max3A_1595 : vector<48x128xf32>
          %jit3A_1597 = arith.constant 0.000000e+00 : f32
          %max3A_1598 = vector.broadcast %jit3A_1597 : f32 to vector<48x128xf32>
          %max3A_1599 = arith.maximumf %max3A_1598, %sub3A_1596 : vector<48x128xf32>
          %mul3A_1600 = arith.mulf %max3A_1585, %max3A_1599 : vector<48x128xf32>
          %add3A_1601 = vector.broadcast %mul3A_1533 : vector<1x1xf32> to vector<48x128xf32>
          %add3A_1602 = arith.addf %add3A_1601, %mul3A_19 : vector<48x128xf32>
          %sub3A_1603 = arith.subf %add3A_1602, %mul3A_1600 : vector<48x128xf32>
          %add3A_1604 = arith.constant 9.99999971E-10 : f32
          %add3A_1605 = vector.broadcast %add3A_1604 : f32 to vector<48x128xf32>
          %add3A_1606 = arith.addf %sub3A_1603, %add3A_1605 : vector<48x128xf32>
          %div3A_1607 = arith.divf %mul3A_1600, %add3A_1606 : vector<48x128xf32>
          %gt3A_1608 = arith.constant 0.699999988 : f32
          %gt3A_1609 = vector.broadcast %gt3A_1608 : f32 to vector<48x128xf32>
          %gt3A_1610 = arith.cmpf ogt, %div3A_1607, %gt3A_1609 : vector<48x128xf32>
          %gt3A_1611 = vector.broadcast %add3A_1514 : i32 to vector<48x128xi32>
          %gt3A_1612 = arith.cmpi sgt, %add3A, %gt3A_1611 : vector<48x128xi32>
          %and3A_1613 = arith.andi %gt3A_1610, %gt3A_1612 : vector<48x128xi1>
          %convert_element_type3A_1614 = arith.extui %and3A_1613 : vector<48x128xi1> to vector<48x128xi32>
          %convert_element_type3A_1615 = arith.sitofp %convert_element_type3A_1614 : vector<48x128xi32> to vector<48x128xf32>
          %mul3A_1616 = vector.broadcast %broadcast_in_dim3A_1526 : vector<1x1xf32> to vector<48x128xf32>
          %mul3A_1617 = arith.mulf %convert_element_type3A_1615, %mul3A_1616 : vector<48x128xf32>
          %max3A_1618 = arith.maximumf %max3A_1510, %mul3A_1617 : vector<48x128xf32>
          %mul3A_1619 = arith.constant 16 : i32
          %mul3A_1620 = arith.muli %add3A_93, %mul3A_1619 : i32
          %add3A_1621 = arith.constant 14 : i32
          %add3A_1622 = arith.addi %mul3A_1620, %add3A_1621 : i32
          %mul3A_1623 = arith.constant 16 : i32
          %mul3A_1624 = arith.muli %while3A_88, %mul3A_1623 : i32
          %add3A_1625 = arith.constant 14 : i32
          %add3A_1626 = arith.addi %mul3A_1624, %add3A_1625 : i32
          %eq3A_1627 = vector.broadcast %add3A_1626 : i32 to vector<1x128xi32>
          %eq3A_1628 = arith.cmpi eq, %iota3A, %eq3A_1627 : vector<1x128xi32>
          %convert_element_type3A_1629 = arith.extui %eq3A_1628 : vector<1x128xi1> to vector<1x128xi32>
          %convert_element_type3A_1630 = arith.sitofp %convert_element_type3A_1629 : vector<1x128xi32> to vector<1x128xf32>
          %mul3A_1631 = arith.mulf %mul3A_1571, %convert_element_type3A_1630 : vector<1x128xf32>
          %reduce_sum3A_1632 = arith.constant dense<0.000000e+00> : vector<1xf32>
          %reduce_sum3A_1633 = vector.multi_reduction <add>, %mul3A_1631, %reduce_sum3A_1632 [1] : vector<1x128xf32> to vector<1xf32>
          %broadcast_in_dim3A_1634 = vector.shape_cast %reduce_sum3A_1633 : vector<1xf32> to vector<1x1xf32>
          %slice3A_1635 = vector.extract_strided_slice %reshape3A {offsets = [14, 0], sizes = [1, 1], strides = [1, 1]} : vector<16x1xf32> to vector<1x1xf32>
          %slice3A_1636 = vector.extract_strided_slice %reshape3A_102 {offsets = [14, 0], sizes = [1, 1], strides = [1, 1]} : vector<16x1xf32> to vector<1x1xf32>
          %slice3A_1637 = vector.extract_strided_slice %reshape3A_107 {offsets = [14, 0], sizes = [1, 1], strides = [1, 1]} : vector<16x1xf32> to vector<1x1xf32>
          %slice3A_1638 = vector.extract_strided_slice %reshape3A_112 {offsets = [14, 0], sizes = [1, 1], strides = [1, 1]} : vector<16x1xf32> to vector<1x1xf32>
          %sub3A_1639 = arith.subf %slice3A_1637, %slice3A_1635 : vector<1x1xf32>
          %sub3A_1640 = arith.subf %slice3A_1638, %slice3A_1636 : vector<1x1xf32>
          %mul3A_1641 = arith.mulf %sub3A_1639, %sub3A_1640 : vector<1x1xf32>
          %min3A_1642 = vector.broadcast %slice3A_1637 : vector<1x1xf32> to vector<1x128xf32>
          %min3A_1643 = arith.minimumf %min3A_1642, %get3A_39 : vector<1x128xf32>
          %max3A_1644 = vector.broadcast %slice3A_1635 : vector<1x1xf32> to vector<1x128xf32>
          %max3A_1645 = arith.maximumf %max3A_1644, %get3A_33 : vector<1x128xf32>
          %sub3A_1646 = arith.subf %min3A_1643, %max3A_1645 : vector<1x128xf32>
          %jit3A_1647 = arith.constant 0.000000e+00 : f32
          %max3A_1648 = vector.broadcast %jit3A_1647 : f32 to vector<1x128xf32>
          %max3A_1649 = arith.maximumf %max3A_1648, %sub3A_1646 : vector<1x128xf32>
          %min3A_1650 = vector.broadcast %slice3A_1638 : vector<1x1xf32> to vector<1x128xf32>
          %min3A_1651 = arith.minimumf %min3A_1650, %get3A_42 : vector<1x128xf32>
          %max3A_1652 = vector.broadcast %slice3A_1636 : vector<1x1xf32> to vector<1x128xf32>
          %max3A_1653 = arith.maximumf %max3A_1652, %get3A_36 : vector<1x128xf32>
          %sub3A_1654 = arith.subf %min3A_1651, %max3A_1653 : vector<1x128xf32>
          %jit3A_1655 = arith.constant 0.000000e+00 : f32
          %max3A_1656 = vector.broadcast %jit3A_1655 : f32 to vector<1x128xf32>
          %max3A_1657 = arith.maximumf %max3A_1656, %sub3A_1654 : vector<1x128xf32>
          %mul3A_1658 = arith.mulf %max3A_1649, %max3A_1657 : vector<1x128xf32>
          %add3A_1659 = vector.broadcast %mul3A_1641 : vector<1x1xf32> to vector<1x128xf32>
          %add3A_1660 = arith.addf %add3A_1659, %mul3A_45 : vector<1x128xf32>
          %sub3A_1661 = arith.subf %add3A_1660, %mul3A_1658 : vector<1x128xf32>
          %add3A_1662 = arith.constant 9.99999971E-10 : f32
          %add3A_1663 = vector.broadcast %add3A_1662 : f32 to vector<1x128xf32>
          %add3A_1664 = arith.addf %sub3A_1661, %add3A_1663 : vector<1x128xf32>
          %div3A_1665 = arith.divf %mul3A_1658, %add3A_1664 : vector<1x128xf32>
          %gt3A_1666 = arith.constant 0.699999988 : f32
          %gt3A_1667 = vector.broadcast %gt3A_1666 : f32 to vector<1x128xf32>
          %gt3A_1668 = arith.cmpf ogt, %div3A_1665, %gt3A_1667 : vector<1x128xf32>
          %gt3A_1669 = vector.broadcast %add3A_1626 : i32 to vector<1x128xi32>
          %gt3A_1670 = arith.cmpi sgt, %iota3A, %gt3A_1669 : vector<1x128xi32>
          %and3A_1671 = arith.andi %gt3A_1668, %gt3A_1670 : vector<1x128xi1>
          %convert_element_type3A_1672 = arith.extui %and3A_1671 : vector<1x128xi1> to vector<1x128xi32>
          %convert_element_type3A_1673 = arith.sitofp %convert_element_type3A_1672 : vector<1x128xi32> to vector<1x128xf32>
          %mul3A_1674 = vector.broadcast %broadcast_in_dim3A_1634 : vector<1x1xf32> to vector<1x128xf32>
          %mul3A_1675 = arith.mulf %convert_element_type3A_1673, %mul3A_1674 : vector<1x128xf32>
          %sub3A_1676 = arith.constant 1.000000e+00 : f32
          %sub3A_1677 = vector.broadcast %sub3A_1676 : f32 to vector<1x128xf32>
          %sub3A_1678 = arith.subf %sub3A_1677, %mul3A_1675 : vector<1x128xf32>
          %mul3A_1679 = arith.mulf %mul3A_1571, %sub3A_1678 : vector<1x128xf32>
          %get3A_1680 = arith.constant 0 : index
          %get3A_1681 = arith.constant 0 : index
          %get3A_1682 = vector.load %arg2[%get3A_1680, %get3A_1681] : memref<48x128xf32, #tpu.memory_space<vmem>>, vector<48x128xf32>
          %min3A_1683 = vector.broadcast %slice3A_1637 : vector<1x1xf32> to vector<48x128xf32>
          %min3A_1684 = arith.minimumf %min3A_1683, %get3A_1682 : vector<48x128xf32>
          %get3A_1685 = arith.constant 0 : index
          %get3A_1686 = arith.constant 0 : index
          %get3A_1687 = vector.load %arg0[%get3A_1685, %get3A_1686] : memref<48x128xf32, #tpu.memory_space<vmem>>, vector<48x128xf32>
          %max3A_1688 = vector.broadcast %slice3A_1635 : vector<1x1xf32> to vector<48x128xf32>
          %max3A_1689 = arith.maximumf %max3A_1688, %get3A_1687 : vector<48x128xf32>
          %sub3A_1690 = arith.subf %min3A_1684, %max3A_1689 : vector<48x128xf32>
          %jit3A_1691 = arith.constant 0.000000e+00 : f32
          %max3A_1692 = vector.broadcast %jit3A_1691 : f32 to vector<48x128xf32>
          %max3A_1693 = arith.maximumf %max3A_1692, %sub3A_1690 : vector<48x128xf32>
          %get3A_1694 = arith.constant 0 : index
          %get3A_1695 = arith.constant 0 : index
          %get3A_1696 = vector.load %arg3[%get3A_1694, %get3A_1695] : memref<48x128xf32, #tpu.memory_space<vmem>>, vector<48x128xf32>
          %min3A_1697 = vector.broadcast %slice3A_1638 : vector<1x1xf32> to vector<48x128xf32>
          %min3A_1698 = arith.minimumf %min3A_1697, %get3A_1696 : vector<48x128xf32>
          %get3A_1699 = arith.constant 0 : index
          %get3A_1700 = arith.constant 0 : index
          %get3A_1701 = vector.load %arg1[%get3A_1699, %get3A_1700] : memref<48x128xf32, #tpu.memory_space<vmem>>, vector<48x128xf32>
          %max3A_1702 = vector.broadcast %slice3A_1636 : vector<1x1xf32> to vector<48x128xf32>
          %max3A_1703 = arith.maximumf %max3A_1702, %get3A_1701 : vector<48x128xf32>
          %sub3A_1704 = arith.subf %min3A_1698, %max3A_1703 : vector<48x128xf32>
          %jit3A_1705 = arith.constant 0.000000e+00 : f32
          %max3A_1706 = vector.broadcast %jit3A_1705 : f32 to vector<48x128xf32>
          %max3A_1707 = arith.maximumf %max3A_1706, %sub3A_1704 : vector<48x128xf32>
          %mul3A_1708 = arith.mulf %max3A_1693, %max3A_1707 : vector<48x128xf32>
          %add3A_1709 = vector.broadcast %mul3A_1641 : vector<1x1xf32> to vector<48x128xf32>
          %add3A_1710 = arith.addf %add3A_1709, %mul3A_19 : vector<48x128xf32>
          %sub3A_1711 = arith.subf %add3A_1710, %mul3A_1708 : vector<48x128xf32>
          %add3A_1712 = arith.constant 9.99999971E-10 : f32
          %add3A_1713 = vector.broadcast %add3A_1712 : f32 to vector<48x128xf32>
          %add3A_1714 = arith.addf %sub3A_1711, %add3A_1713 : vector<48x128xf32>
          %div3A_1715 = arith.divf %mul3A_1708, %add3A_1714 : vector<48x128xf32>
          %gt3A_1716 = arith.constant 0.699999988 : f32
          %gt3A_1717 = vector.broadcast %gt3A_1716 : f32 to vector<48x128xf32>
          %gt3A_1718 = arith.cmpf ogt, %div3A_1715, %gt3A_1717 : vector<48x128xf32>
          %gt3A_1719 = vector.broadcast %add3A_1622 : i32 to vector<48x128xi32>
          %gt3A_1720 = arith.cmpi sgt, %add3A, %gt3A_1719 : vector<48x128xi32>
          %and3A_1721 = arith.andi %gt3A_1718, %gt3A_1720 : vector<48x128xi1>
          %convert_element_type3A_1722 = arith.extui %and3A_1721 : vector<48x128xi1> to vector<48x128xi32>
          %convert_element_type3A_1723 = arith.sitofp %convert_element_type3A_1722 : vector<48x128xi32> to vector<48x128xf32>
          %mul3A_1724 = vector.broadcast %broadcast_in_dim3A_1634 : vector<1x1xf32> to vector<48x128xf32>
          %mul3A_1725 = arith.mulf %convert_element_type3A_1723, %mul3A_1724 : vector<48x128xf32>
          %max3A_1726 = arith.maximumf %max3A_1618, %mul3A_1725 : vector<48x128xf32>
          %mul3A_1727 = arith.constant 16 : i32
          %mul3A_1728 = arith.muli %add3A_93, %mul3A_1727 : i32
          %add3A_1729 = arith.constant 15 : i32
          %add3A_1730 = arith.addi %mul3A_1728, %add3A_1729 : i32
          %mul3A_1731 = arith.constant 16 : i32
          %mul3A_1732 = arith.muli %while3A_88, %mul3A_1731 : i32
          %add3A_1733 = arith.constant 15 : i32
          %add3A_1734 = arith.addi %mul3A_1732, %add3A_1733 : i32
          %eq3A_1735 = vector.broadcast %add3A_1734 : i32 to vector<1x128xi32>
          %eq3A_1736 = arith.cmpi eq, %iota3A, %eq3A_1735 : vector<1x128xi32>
          %convert_element_type3A_1737 = arith.extui %eq3A_1736 : vector<1x128xi1> to vector<1x128xi32>
          %convert_element_type3A_1738 = arith.sitofp %convert_element_type3A_1737 : vector<1x128xi32> to vector<1x128xf32>
          %mul3A_1739 = arith.mulf %mul3A_1679, %convert_element_type3A_1738 : vector<1x128xf32>
          %reduce_sum3A_1740 = arith.constant dense<0.000000e+00> : vector<1xf32>
          %reduce_sum3A_1741 = vector.multi_reduction <add>, %mul3A_1739, %reduce_sum3A_1740 [1] : vector<1x128xf32> to vector<1xf32>
          %broadcast_in_dim3A_1742 = vector.shape_cast %reduce_sum3A_1741 : vector<1xf32> to vector<1x1xf32>
          %slice3A_1743 = vector.extract_strided_slice %reshape3A {offsets = [15, 0], sizes = [1, 1], strides = [1, 1]} : vector<16x1xf32> to vector<1x1xf32>
          %slice3A_1744 = vector.extract_strided_slice %reshape3A_102 {offsets = [15, 0], sizes = [1, 1], strides = [1, 1]} : vector<16x1xf32> to vector<1x1xf32>
          %slice3A_1745 = vector.extract_strided_slice %reshape3A_107 {offsets = [15, 0], sizes = [1, 1], strides = [1, 1]} : vector<16x1xf32> to vector<1x1xf32>
          %slice3A_1746 = vector.extract_strided_slice %reshape3A_112 {offsets = [15, 0], sizes = [1, 1], strides = [1, 1]} : vector<16x1xf32> to vector<1x1xf32>
          %sub3A_1747 = arith.subf %slice3A_1745, %slice3A_1743 : vector<1x1xf32>
          %sub3A_1748 = arith.subf %slice3A_1746, %slice3A_1744 : vector<1x1xf32>
          %mul3A_1749 = arith.mulf %sub3A_1747, %sub3A_1748 : vector<1x1xf32>
          %min3A_1750 = vector.broadcast %slice3A_1745 : vector<1x1xf32> to vector<1x128xf32>
          %min3A_1751 = arith.minimumf %min3A_1750, %get3A_39 : vector<1x128xf32>
          %max3A_1752 = vector.broadcast %slice3A_1743 : vector<1x1xf32> to vector<1x128xf32>
          %max3A_1753 = arith.maximumf %max3A_1752, %get3A_33 : vector<1x128xf32>
          %sub3A_1754 = arith.subf %min3A_1751, %max3A_1753 : vector<1x128xf32>
          %jit3A_1755 = arith.constant 0.000000e+00 : f32
          %max3A_1756 = vector.broadcast %jit3A_1755 : f32 to vector<1x128xf32>
          %max3A_1757 = arith.maximumf %max3A_1756, %sub3A_1754 : vector<1x128xf32>
          %min3A_1758 = vector.broadcast %slice3A_1746 : vector<1x1xf32> to vector<1x128xf32>
          %min3A_1759 = arith.minimumf %min3A_1758, %get3A_42 : vector<1x128xf32>
          %max3A_1760 = vector.broadcast %slice3A_1744 : vector<1x1xf32> to vector<1x128xf32>
          %max3A_1761 = arith.maximumf %max3A_1760, %get3A_36 : vector<1x128xf32>
          %sub3A_1762 = arith.subf %min3A_1759, %max3A_1761 : vector<1x128xf32>
          %jit3A_1763 = arith.constant 0.000000e+00 : f32
          %max3A_1764 = vector.broadcast %jit3A_1763 : f32 to vector<1x128xf32>
          %max3A_1765 = arith.maximumf %max3A_1764, %sub3A_1762 : vector<1x128xf32>
          %mul3A_1766 = arith.mulf %max3A_1757, %max3A_1765 : vector<1x128xf32>
          %add3A_1767 = vector.broadcast %mul3A_1749 : vector<1x1xf32> to vector<1x128xf32>
          %add3A_1768 = arith.addf %add3A_1767, %mul3A_45 : vector<1x128xf32>
          %sub3A_1769 = arith.subf %add3A_1768, %mul3A_1766 : vector<1x128xf32>
          %add3A_1770 = arith.constant 9.99999971E-10 : f32
          %add3A_1771 = vector.broadcast %add3A_1770 : f32 to vector<1x128xf32>
          %add3A_1772 = arith.addf %sub3A_1769, %add3A_1771 : vector<1x128xf32>
          %div3A_1773 = arith.divf %mul3A_1766, %add3A_1772 : vector<1x128xf32>
          %gt3A_1774 = arith.constant 0.699999988 : f32
          %gt3A_1775 = vector.broadcast %gt3A_1774 : f32 to vector<1x128xf32>
          %gt3A_1776 = arith.cmpf ogt, %div3A_1773, %gt3A_1775 : vector<1x128xf32>
          %gt3A_1777 = vector.broadcast %add3A_1734 : i32 to vector<1x128xi32>
          %gt3A_1778 = arith.cmpi sgt, %iota3A, %gt3A_1777 : vector<1x128xi32>
          %and3A_1779 = arith.andi %gt3A_1776, %gt3A_1778 : vector<1x128xi1>
          %convert_element_type3A_1780 = arith.extui %and3A_1779 : vector<1x128xi1> to vector<1x128xi32>
          %convert_element_type3A_1781 = arith.sitofp %convert_element_type3A_1780 : vector<1x128xi32> to vector<1x128xf32>
          %mul3A_1782 = vector.broadcast %broadcast_in_dim3A_1742 : vector<1x1xf32> to vector<1x128xf32>
          %mul3A_1783 = arith.mulf %convert_element_type3A_1781, %mul3A_1782 : vector<1x128xf32>
          %sub3A_1784 = arith.constant 1.000000e+00 : f32
          %sub3A_1785 = vector.broadcast %sub3A_1784 : f32 to vector<1x128xf32>
          %sub3A_1786 = arith.subf %sub3A_1785, %mul3A_1783 : vector<1x128xf32>
          %mul3A_1787 = arith.mulf %mul3A_1679, %sub3A_1786 : vector<1x128xf32>
          %get3A_1788 = arith.constant 0 : index
          %get3A_1789 = arith.constant 0 : index
          %get3A_1790 = vector.load %arg2[%get3A_1788, %get3A_1789] : memref<48x128xf32, #tpu.memory_space<vmem>>, vector<48x128xf32>
          %min3A_1791 = vector.broadcast %slice3A_1745 : vector<1x1xf32> to vector<48x128xf32>
          %min3A_1792 = arith.minimumf %min3A_1791, %get3A_1790 : vector<48x128xf32>
          %get3A_1793 = arith.constant 0 : index
          %get3A_1794 = arith.constant 0 : index
          %get3A_1795 = vector.load %arg0[%get3A_1793, %get3A_1794] : memref<48x128xf32, #tpu.memory_space<vmem>>, vector<48x128xf32>
          %max3A_1796 = vector.broadcast %slice3A_1743 : vector<1x1xf32> to vector<48x128xf32>
          %max3A_1797 = arith.maximumf %max3A_1796, %get3A_1795 : vector<48x128xf32>
          %sub3A_1798 = arith.subf %min3A_1792, %max3A_1797 : vector<48x128xf32>
          %jit3A_1799 = arith.constant 0.000000e+00 : f32
          %max3A_1800 = vector.broadcast %jit3A_1799 : f32 to vector<48x128xf32>
          %max3A_1801 = arith.maximumf %max3A_1800, %sub3A_1798 : vector<48x128xf32>
          %get3A_1802 = arith.constant 0 : index
          %get3A_1803 = arith.constant 0 : index
          %get3A_1804 = vector.load %arg3[%get3A_1802, %get3A_1803] : memref<48x128xf32, #tpu.memory_space<vmem>>, vector<48x128xf32>
          %min3A_1805 = vector.broadcast %slice3A_1746 : vector<1x1xf32> to vector<48x128xf32>
          %min3A_1806 = arith.minimumf %min3A_1805, %get3A_1804 : vector<48x128xf32>
          %get3A_1807 = arith.constant 0 : index
          %get3A_1808 = arith.constant 0 : index
          %get3A_1809 = vector.load %arg1[%get3A_1807, %get3A_1808] : memref<48x128xf32, #tpu.memory_space<vmem>>, vector<48x128xf32>
          %max3A_1810 = vector.broadcast %slice3A_1744 : vector<1x1xf32> to vector<48x128xf32>
          %max3A_1811 = arith.maximumf %max3A_1810, %get3A_1809 : vector<48x128xf32>
          %sub3A_1812 = arith.subf %min3A_1806, %max3A_1811 : vector<48x128xf32>
          %jit3A_1813 = arith.constant 0.000000e+00 : f32
          %max3A_1814 = vector.broadcast %jit3A_1813 : f32 to vector<48x128xf32>
          %max3A_1815 = arith.maximumf %max3A_1814, %sub3A_1812 : vector<48x128xf32>
          %mul3A_1816 = arith.mulf %max3A_1801, %max3A_1815 : vector<48x128xf32>
          %add3A_1817 = vector.broadcast %mul3A_1749 : vector<1x1xf32> to vector<48x128xf32>
          %add3A_1818 = arith.addf %add3A_1817, %mul3A_19 : vector<48x128xf32>
          %sub3A_1819 = arith.subf %add3A_1818, %mul3A_1816 : vector<48x128xf32>
          %add3A_1820 = arith.constant 9.99999971E-10 : f32
          %add3A_1821 = vector.broadcast %add3A_1820 : f32 to vector<48x128xf32>
          %add3A_1822 = arith.addf %sub3A_1819, %add3A_1821 : vector<48x128xf32>
          %div3A_1823 = arith.divf %mul3A_1816, %add3A_1822 : vector<48x128xf32>
          %gt3A_1824 = arith.constant 0.699999988 : f32
          %gt3A_1825 = vector.broadcast %gt3A_1824 : f32 to vector<48x128xf32>
          %gt3A_1826 = arith.cmpf ogt, %div3A_1823, %gt3A_1825 : vector<48x128xf32>
          %gt3A_1827 = vector.broadcast %add3A_1730 : i32 to vector<48x128xi32>
          %gt3A_1828 = arith.cmpi sgt, %add3A, %gt3A_1827 : vector<48x128xi32>
          %and3A_1829 = arith.andi %gt3A_1826, %gt3A_1828 : vector<48x128xi1>
          %convert_element_type3A_1830 = arith.extui %and3A_1829 : vector<48x128xi1> to vector<48x128xi32>
          %convert_element_type3A_1831 = arith.sitofp %convert_element_type3A_1830 : vector<48x128xi32> to vector<48x128xf32>
          %mul3A_1832 = vector.broadcast %broadcast_in_dim3A_1742 : vector<1x1xf32> to vector<48x128xf32>
          %mul3A_1833 = arith.mulf %convert_element_type3A_1831, %mul3A_1832 : vector<48x128xf32>
          %max3A_1834 = arith.maximumf %max3A_1726, %mul3A_1833 : vector<48x128xf32>
          scf.yield %mul3A_1787, %max3A_1834 : vector<1x128xf32>, vector<48x128xf32>
        }
        %while3A_61 = arith.constant 1 : i32
        %while3A_62:2 = scf.for %while3A_88 = %while3A_58 to %while3A_54 step %while3A_61 iter_args(%while3A_89 = %while3A_60#0, %while3A_90 = %while3A_60#1) -> (vector<1x128xf32>, vector<48x128xf32>)  : i32 {
          %mul3A_91 = arith.constant 8 : i32
          %mul3A_92 = arith.muli %scan3A_26, %mul3A_91 : i32
          %add3A_93 = arith.addi %mul3A_92, %while3A_88 : i32
          %get3A_94 = arith.index_cast %add3A_93 : i32 to index
          %get3A_95 = arith.constant 0 : index
          %get3A_96 = arith.constant 0 : index
          %get3A_97 = vector.load %arg4[%get3A_94, %get3A_95, %get3A_96] : memref<375x16x1xf32, #tpu.memory_space<vmem>>, vector<1x16x1xf32>
          %reshape3A = vector.shape_cast %get3A_97 : vector<1x16x1xf32> to vector<16x1xf32>
          %get3A_98 = arith.index_cast %add3A_93 : i32 to index
          %get3A_99 = arith.constant 0 : index
          %get3A_100 = arith.constant 0 : index
          %get3A_101 = vector.load %arg5[%get3A_98, %get3A_99, %get3A_100] : memref<375x16x1xf32, #tpu.memory_space<vmem>>, vector<1x16x1xf32>
          %reshape3A_102 = vector.shape_cast %get3A_101 : vector<1x16x1xf32> to vector<16x1xf32>
          %get3A_103 = arith.index_cast %add3A_93 : i32 to index
          %get3A_104 = arith.constant 0 : index
          %get3A_105 = arith.constant 0 : index
          %get3A_106 = vector.load %arg6[%get3A_103, %get3A_104, %get3A_105] : memref<375x16x1xf32, #tpu.memory_space<vmem>>, vector<1x16x1xf32>
          %reshape3A_107 = vector.shape_cast %get3A_106 : vector<1x16x1xf32> to vector<16x1xf32>
          %get3A_108 = arith.index_cast %add3A_93 : i32 to index
          %get3A_109 = arith.constant 0 : index
          %get3A_110 = arith.constant 0 : index
          %get3A_111 = vector.load %arg7[%get3A_108, %get3A_109, %get3A_110] : memref<375x16x1xf32, #tpu.memory_space<vmem>>, vector<1x16x1xf32>
          %reshape3A_112 = vector.shape_cast %get3A_111 : vector<1x16x1xf32> to vector<16x1xf32>
          %mul3A_113 = arith.constant 16 : i32
          %mul3A_114 = arith.muli %add3A_93, %mul3A_113 : i32
          %add3A_115 = arith.constant 0 : i32
          %add3A_116 = arith.addi %mul3A_114, %add3A_115 : i32
          %mul3A_117 = arith.constant 16 : i32
          %mul3A_118 = arith.muli %while3A_88, %mul3A_117 : i32
          %add3A_119 = arith.constant 0 : i32
          %add3A_120 = arith.addi %mul3A_118, %add3A_119 : i32
          %eq3A_121 = vector.broadcast %add3A_120 : i32 to vector<1x128xi32>
          %eq3A_122 = arith.cmpi eq, %iota3A, %eq3A_121 : vector<1x128xi32>
          %convert_element_type3A_123 = arith.extui %eq3A_122 : vector<1x128xi1> to vector<1x128xi32>
          %convert_element_type3A_124 = arith.sitofp %convert_element_type3A_123 : vector<1x128xi32> to vector<1x128xf32>
          %mul3A_125 = arith.mulf %while3A_89, %convert_element_type3A_124 : vector<1x128xf32>
          %reduce_sum3A_126 = arith.constant dense<0.000000e+00> : vector<1xf32>
          %reduce_sum3A_127 = vector.multi_reduction <add>, %mul3A_125, %reduce_sum3A_126 [1] : vector<1x128xf32> to vector<1xf32>
          %broadcast_in_dim3A_128 = vector.shape_cast %reduce_sum3A_127 : vector<1xf32> to vector<1x1xf32>
          %slice3A = vector.extract_strided_slice %reshape3A {offsets = [0, 0], sizes = [1, 1], strides = [1, 1]} : vector<16x1xf32> to vector<1x1xf32>
          %slice3A_129 = vector.extract_strided_slice %reshape3A_102 {offsets = [0, 0], sizes = [1, 1], strides = [1, 1]} : vector<16x1xf32> to vector<1x1xf32>
          %slice3A_130 = vector.extract_strided_slice %reshape3A_107 {offsets = [0, 0], sizes = [1, 1], strides = [1, 1]} : vector<16x1xf32> to vector<1x1xf32>
          %slice3A_131 = vector.extract_strided_slice %reshape3A_112 {offsets = [0, 0], sizes = [1, 1], strides = [1, 1]} : vector<16x1xf32> to vector<1x1xf32>
          %sub3A_132 = arith.subf %slice3A_130, %slice3A : vector<1x1xf32>
          %sub3A_133 = arith.subf %slice3A_131, %slice3A_129 : vector<1x1xf32>
          %mul3A_134 = arith.mulf %sub3A_132, %sub3A_133 : vector<1x1xf32>
          %min3A = vector.broadcast %slice3A_130 : vector<1x1xf32> to vector<1x128xf32>
          %min3A_135 = arith.minimumf %min3A, %get3A_39 : vector<1x128xf32>
          %max3A = vector.broadcast %slice3A : vector<1x1xf32> to vector<1x128xf32>
          %max3A_136 = arith.maximumf %max3A, %get3A_33 : vector<1x128xf32>
          %sub3A_137 = arith.subf %min3A_135, %max3A_136 : vector<1x128xf32>
          %jit3A_138 = arith.constant 0.000000e+00 : f32
          %max3A_139 = vector.broadcast %jit3A_138 : f32 to vector<1x128xf32>
          %max3A_140 = arith.maximumf %max3A_139, %sub3A_137 : vector<1x128xf32>
          %min3A_141 = vector.broadcast %slice3A_131 : vector<1x1xf32> to vector<1x128xf32>
          %min3A_142 = arith.minimumf %min3A_141, %get3A_42 : vector<1x128xf32>
          %max3A_143 = vector.broadcast %slice3A_129 : vector<1x1xf32> to vector<1x128xf32>
          %max3A_144 = arith.maximumf %max3A_143, %get3A_36 : vector<1x128xf32>
          %sub3A_145 = arith.subf %min3A_142, %max3A_144 : vector<1x128xf32>
          %jit3A_146 = arith.constant 0.000000e+00 : f32
          %max3A_147 = vector.broadcast %jit3A_146 : f32 to vector<1x128xf32>
          %max3A_148 = arith.maximumf %max3A_147, %sub3A_145 : vector<1x128xf32>
          %mul3A_149 = arith.mulf %max3A_140, %max3A_148 : vector<1x128xf32>
          %add3A_150 = vector.broadcast %mul3A_134 : vector<1x1xf32> to vector<1x128xf32>
          %add3A_151 = arith.addf %add3A_150, %mul3A_45 : vector<1x128xf32>
          %sub3A_152 = arith.subf %add3A_151, %mul3A_149 : vector<1x128xf32>
          %add3A_153 = arith.constant 9.99999971E-10 : f32
          %add3A_154 = vector.broadcast %add3A_153 : f32 to vector<1x128xf32>
          %add3A_155 = arith.addf %sub3A_152, %add3A_154 : vector<1x128xf32>
          %div3A = arith.divf %mul3A_149, %add3A_155 : vector<1x128xf32>
          %gt3A = arith.constant 0.699999988 : f32
          %gt3A_156 = vector.broadcast %gt3A : f32 to vector<1x128xf32>
          %gt3A_157 = arith.cmpf ogt, %div3A, %gt3A_156 : vector<1x128xf32>
          %gt3A_158 = vector.broadcast %add3A_120 : i32 to vector<1x128xi32>
          %gt3A_159 = arith.cmpi sgt, %iota3A, %gt3A_158 : vector<1x128xi32>
          %and3A = arith.andi %gt3A_157, %gt3A_159 : vector<1x128xi1>
          %convert_element_type3A_160 = arith.extui %and3A : vector<1x128xi1> to vector<1x128xi32>
          %convert_element_type3A_161 = arith.sitofp %convert_element_type3A_160 : vector<1x128xi32> to vector<1x128xf32>
          %mul3A_162 = vector.broadcast %broadcast_in_dim3A_128 : vector<1x1xf32> to vector<1x128xf32>
          %mul3A_163 = arith.mulf %convert_element_type3A_161, %mul3A_162 : vector<1x128xf32>
          %sub3A_164 = arith.constant 1.000000e+00 : f32
          %sub3A_165 = vector.broadcast %sub3A_164 : f32 to vector<1x128xf32>
          %sub3A_166 = arith.subf %sub3A_165, %mul3A_163 : vector<1x128xf32>
          %mul3A_167 = arith.mulf %while3A_89, %sub3A_166 : vector<1x128xf32>
          %get3A_168 = arith.constant 0 : index
          %get3A_169 = arith.constant 0 : index
          %get3A_170 = vector.load %arg2[%get3A_168, %get3A_169] : memref<48x128xf32, #tpu.memory_space<vmem>>, vector<48x128xf32>
          %min3A_171 = vector.broadcast %slice3A_130 : vector<1x1xf32> to vector<48x128xf32>
          %min3A_172 = arith.minimumf %min3A_171, %get3A_170 : vector<48x128xf32>
          %get3A_173 = arith.constant 0 : index
          %get3A_174 = arith.constant 0 : index
          %get3A_175 = vector.load %arg0[%get3A_173, %get3A_174] : memref<48x128xf32, #tpu.memory_space<vmem>>, vector<48x128xf32>
          %max3A_176 = vector.broadcast %slice3A : vector<1x1xf32> to vector<48x128xf32>
          %max3A_177 = arith.maximumf %max3A_176, %get3A_175 : vector<48x128xf32>
          %sub3A_178 = arith.subf %min3A_172, %max3A_177 : vector<48x128xf32>
          %jit3A_179 = arith.constant 0.000000e+00 : f32
          %max3A_180 = vector.broadcast %jit3A_179 : f32 to vector<48x128xf32>
          %max3A_181 = arith.maximumf %max3A_180, %sub3A_178 : vector<48x128xf32>
          %get3A_182 = arith.constant 0 : index
          %get3A_183 = arith.constant 0 : index
          %get3A_184 = vector.load %arg3[%get3A_182, %get3A_183] : memref<48x128xf32, #tpu.memory_space<vmem>>, vector<48x128xf32>
          %min3A_185 = vector.broadcast %slice3A_131 : vector<1x1xf32> to vector<48x128xf32>
          %min3A_186 = arith.minimumf %min3A_185, %get3A_184 : vector<48x128xf32>
          %get3A_187 = arith.constant 0 : index
          %get3A_188 = arith.constant 0 : index
          %get3A_189 = vector.load %arg1[%get3A_187, %get3A_188] : memref<48x128xf32, #tpu.memory_space<vmem>>, vector<48x128xf32>
          %max3A_190 = vector.broadcast %slice3A_129 : vector<1x1xf32> to vector<48x128xf32>
          %max3A_191 = arith.maximumf %max3A_190, %get3A_189 : vector<48x128xf32>
          %sub3A_192 = arith.subf %min3A_186, %max3A_191 : vector<48x128xf32>
          %jit3A_193 = arith.constant 0.000000e+00 : f32
          %max3A_194 = vector.broadcast %jit3A_193 : f32 to vector<48x128xf32>
          %max3A_195 = arith.maximumf %max3A_194, %sub3A_192 : vector<48x128xf32>
          %mul3A_196 = arith.mulf %max3A_181, %max3A_195 : vector<48x128xf32>
          %add3A_197 = vector.broadcast %mul3A_134 : vector<1x1xf32> to vector<48x128xf32>
          %add3A_198 = arith.addf %add3A_197, %mul3A_19 : vector<48x128xf32>
          %sub3A_199 = arith.subf %add3A_198, %mul3A_196 : vector<48x128xf32>
          %add3A_200 = arith.constant 9.99999971E-10 : f32
          %add3A_201 = vector.broadcast %add3A_200 : f32 to vector<48x128xf32>
          %add3A_202 = arith.addf %sub3A_199, %add3A_201 : vector<48x128xf32>
          %div3A_203 = arith.divf %mul3A_196, %add3A_202 : vector<48x128xf32>
          %gt3A_204 = arith.constant 0.699999988 : f32
          %gt3A_205 = vector.broadcast %gt3A_204 : f32 to vector<48x128xf32>
          %gt3A_206 = arith.cmpf ogt, %div3A_203, %gt3A_205 : vector<48x128xf32>
          %gt3A_207 = vector.broadcast %add3A_116 : i32 to vector<48x128xi32>
          %gt3A_208 = arith.cmpi sgt, %add3A, %gt3A_207 : vector<48x128xi32>
          %and3A_209 = arith.andi %gt3A_206, %gt3A_208 : vector<48x128xi1>
          %convert_element_type3A_210 = arith.extui %and3A_209 : vector<48x128xi1> to vector<48x128xi32>
          %convert_element_type3A_211 = arith.sitofp %convert_element_type3A_210 : vector<48x128xi32> to vector<48x128xf32>
          %mul3A_212 = vector.broadcast %broadcast_in_dim3A_128 : vector<1x1xf32> to vector<48x128xf32>
          %mul3A_213 = arith.mulf %convert_element_type3A_211, %mul3A_212 : vector<48x128xf32>
          %max3A_214 = arith.maximumf %while3A_90, %mul3A_213 : vector<48x128xf32>
          %mul3A_215 = arith.constant 16 : i32
          %mul3A_216 = arith.muli %add3A_93, %mul3A_215 : i32
          %add3A_217 = arith.constant 1 : i32
          %add3A_218 = arith.addi %mul3A_216, %add3A_217 : i32
          %mul3A_219 = arith.constant 16 : i32
          %mul3A_220 = arith.muli %while3A_88, %mul3A_219 : i32
          %add3A_221 = arith.constant 1 : i32
          %add3A_222 = arith.addi %mul3A_220, %add3A_221 : i32
          %eq3A_223 = vector.broadcast %add3A_222 : i32 to vector<1x128xi32>
          %eq3A_224 = arith.cmpi eq, %iota3A, %eq3A_223 : vector<1x128xi32>
          %convert_element_type3A_225 = arith.extui %eq3A_224 : vector<1x128xi1> to vector<1x128xi32>
          %convert_element_type3A_226 = arith.sitofp %convert_element_type3A_225 : vector<1x128xi32> to vector<1x128xf32>
          %mul3A_227 = arith.mulf %mul3A_167, %convert_element_type3A_226 : vector<1x128xf32>
          %reduce_sum3A_228 = arith.constant dense<0.000000e+00> : vector<1xf32>
          %reduce_sum3A_229 = vector.multi_reduction <add>, %mul3A_227, %reduce_sum3A_228 [1] : vector<1x128xf32> to vector<1xf32>
          %broadcast_in_dim3A_230 = vector.shape_cast %reduce_sum3A_229 : vector<1xf32> to vector<1x1xf32>
          %slice3A_231 = vector.extract_strided_slice %reshape3A {offsets = [1, 0], sizes = [1, 1], strides = [1, 1]} : vector<16x1xf32> to vector<1x1xf32>
          %slice3A_232 = vector.extract_strided_slice %reshape3A_102 {offsets = [1, 0], sizes = [1, 1], strides = [1, 1]} : vector<16x1xf32> to vector<1x1xf32>
          %slice3A_233 = vector.extract_strided_slice %reshape3A_107 {offsets = [1, 0], sizes = [1, 1], strides = [1, 1]} : vector<16x1xf32> to vector<1x1xf32>
          %slice3A_234 = vector.extract_strided_slice %reshape3A_112 {offsets = [1, 0], sizes = [1, 1], strides = [1, 1]} : vector<16x1xf32> to vector<1x1xf32>
          %sub3A_235 = arith.subf %slice3A_233, %slice3A_231 : vector<1x1xf32>
          %sub3A_236 = arith.subf %slice3A_234, %slice3A_232 : vector<1x1xf32>
          %mul3A_237 = arith.mulf %sub3A_235, %sub3A_236 : vector<1x1xf32>
          %min3A_238 = vector.broadcast %slice3A_233 : vector<1x1xf32> to vector<1x128xf32>
          %min3A_239 = arith.minimumf %min3A_238, %get3A_39 : vector<1x128xf32>
          %max3A_240 = vector.broadcast %slice3A_231 : vector<1x1xf32> to vector<1x128xf32>
          %max3A_241 = arith.maximumf %max3A_240, %get3A_33 : vector<1x128xf32>
          %sub3A_242 = arith.subf %min3A_239, %max3A_241 : vector<1x128xf32>
          %jit3A_243 = arith.constant 0.000000e+00 : f32
          %max3A_244 = vector.broadcast %jit3A_243 : f32 to vector<1x128xf32>
          %max3A_245 = arith.maximumf %max3A_244, %sub3A_242 : vector<1x128xf32>
          %min3A_246 = vector.broadcast %slice3A_234 : vector<1x1xf32> to vector<1x128xf32>
          %min3A_247 = arith.minimumf %min3A_246, %get3A_42 : vector<1x128xf32>
          %max3A_248 = vector.broadcast %slice3A_232 : vector<1x1xf32> to vector<1x128xf32>
          %max3A_249 = arith.maximumf %max3A_248, %get3A_36 : vector<1x128xf32>
          %sub3A_250 = arith.subf %min3A_247, %max3A_249 : vector<1x128xf32>
          %jit3A_251 = arith.constant 0.000000e+00 : f32
          %max3A_252 = vector.broadcast %jit3A_251 : f32 to vector<1x128xf32>
          %max3A_253 = arith.maximumf %max3A_252, %sub3A_250 : vector<1x128xf32>
          %mul3A_254 = arith.mulf %max3A_245, %max3A_253 : vector<1x128xf32>
          %add3A_255 = vector.broadcast %mul3A_237 : vector<1x1xf32> to vector<1x128xf32>
          %add3A_256 = arith.addf %add3A_255, %mul3A_45 : vector<1x128xf32>
          %sub3A_257 = arith.subf %add3A_256, %mul3A_254 : vector<1x128xf32>
          %add3A_258 = arith.constant 9.99999971E-10 : f32
          %add3A_259 = vector.broadcast %add3A_258 : f32 to vector<1x128xf32>
          %add3A_260 = arith.addf %sub3A_257, %add3A_259 : vector<1x128xf32>
          %div3A_261 = arith.divf %mul3A_254, %add3A_260 : vector<1x128xf32>
          %gt3A_262 = arith.constant 0.699999988 : f32
          %gt3A_263 = vector.broadcast %gt3A_262 : f32 to vector<1x128xf32>
          %gt3A_264 = arith.cmpf ogt, %div3A_261, %gt3A_263 : vector<1x128xf32>
          %gt3A_265 = vector.broadcast %add3A_222 : i32 to vector<1x128xi32>
          %gt3A_266 = arith.cmpi sgt, %iota3A, %gt3A_265 : vector<1x128xi32>
          %and3A_267 = arith.andi %gt3A_264, %gt3A_266 : vector<1x128xi1>
          %convert_element_type3A_268 = arith.extui %and3A_267 : vector<1x128xi1> to vector<1x128xi32>
          %convert_element_type3A_269 = arith.sitofp %convert_element_type3A_268 : vector<1x128xi32> to vector<1x128xf32>
          %mul3A_270 = vector.broadcast %broadcast_in_dim3A_230 : vector<1x1xf32> to vector<1x128xf32>
          %mul3A_271 = arith.mulf %convert_element_type3A_269, %mul3A_270 : vector<1x128xf32>
          %sub3A_272 = arith.constant 1.000000e+00 : f32
          %sub3A_273 = vector.broadcast %sub3A_272 : f32 to vector<1x128xf32>
          %sub3A_274 = arith.subf %sub3A_273, %mul3A_271 : vector<1x128xf32>
          %mul3A_275 = arith.mulf %mul3A_167, %sub3A_274 : vector<1x128xf32>
          %get3A_276 = arith.constant 0 : index
          %get3A_277 = arith.constant 0 : index
          %get3A_278 = vector.load %arg2[%get3A_276, %get3A_277] : memref<48x128xf32, #tpu.memory_space<vmem>>, vector<48x128xf32>
          %min3A_279 = vector.broadcast %slice3A_233 : vector<1x1xf32> to vector<48x128xf32>
          %min3A_280 = arith.minimumf %min3A_279, %get3A_278 : vector<48x128xf32>
          %get3A_281 = arith.constant 0 : index
          %get3A_282 = arith.constant 0 : index
          %get3A_283 = vector.load %arg0[%get3A_281, %get3A_282] : memref<48x128xf32, #tpu.memory_space<vmem>>, vector<48x128xf32>
          %max3A_284 = vector.broadcast %slice3A_231 : vector<1x1xf32> to vector<48x128xf32>
          %max3A_285 = arith.maximumf %max3A_284, %get3A_283 : vector<48x128xf32>
          %sub3A_286 = arith.subf %min3A_280, %max3A_285 : vector<48x128xf32>
          %jit3A_287 = arith.constant 0.000000e+00 : f32
          %max3A_288 = vector.broadcast %jit3A_287 : f32 to vector<48x128xf32>
          %max3A_289 = arith.maximumf %max3A_288, %sub3A_286 : vector<48x128xf32>
          %get3A_290 = arith.constant 0 : index
          %get3A_291 = arith.constant 0 : index
          %get3A_292 = vector.load %arg3[%get3A_290, %get3A_291] : memref<48x128xf32, #tpu.memory_space<vmem>>, vector<48x128xf32>
          %min3A_293 = vector.broadcast %slice3A_234 : vector<1x1xf32> to vector<48x128xf32>
          %min3A_294 = arith.minimumf %min3A_293, %get3A_292 : vector<48x128xf32>
          %get3A_295 = arith.constant 0 : index
          %get3A_296 = arith.constant 0 : index
          %get3A_297 = vector.load %arg1[%get3A_295, %get3A_296] : memref<48x128xf32, #tpu.memory_space<vmem>>, vector<48x128xf32>
          %max3A_298 = vector.broadcast %slice3A_232 : vector<1x1xf32> to vector<48x128xf32>
          %max3A_299 = arith.maximumf %max3A_298, %get3A_297 : vector<48x128xf32>
          %sub3A_300 = arith.subf %min3A_294, %max3A_299 : vector<48x128xf32>
          %jit3A_301 = arith.constant 0.000000e+00 : f32
          %max3A_302 = vector.broadcast %jit3A_301 : f32 to vector<48x128xf32>
          %max3A_303 = arith.maximumf %max3A_302, %sub3A_300 : vector<48x128xf32>
          %mul3A_304 = arith.mulf %max3A_289, %max3A_303 : vector<48x128xf32>
          %add3A_305 = vector.broadcast %mul3A_237 : vector<1x1xf32> to vector<48x128xf32>
          %add3A_306 = arith.addf %add3A_305, %mul3A_19 : vector<48x128xf32>
          %sub3A_307 = arith.subf %add3A_306, %mul3A_304 : vector<48x128xf32>
          %add3A_308 = arith.constant 9.99999971E-10 : f32
          %add3A_309 = vector.broadcast %add3A_308 : f32 to vector<48x128xf32>
          %add3A_310 = arith.addf %sub3A_307, %add3A_309 : vector<48x128xf32>
          %div3A_311 = arith.divf %mul3A_304, %add3A_310 : vector<48x128xf32>
          %gt3A_312 = arith.constant 0.699999988 : f32
          %gt3A_313 = vector.broadcast %gt3A_312 : f32 to vector<48x128xf32>
          %gt3A_314 = arith.cmpf ogt, %div3A_311, %gt3A_313 : vector<48x128xf32>
          %gt3A_315 = vector.broadcast %add3A_218 : i32 to vector<48x128xi32>
          %gt3A_316 = arith.cmpi sgt, %add3A, %gt3A_315 : vector<48x128xi32>
          %and3A_317 = arith.andi %gt3A_314, %gt3A_316 : vector<48x128xi1>
          %convert_element_type3A_318 = arith.extui %and3A_317 : vector<48x128xi1> to vector<48x128xi32>
          %convert_element_type3A_319 = arith.sitofp %convert_element_type3A_318 : vector<48x128xi32> to vector<48x128xf32>
          %mul3A_320 = vector.broadcast %broadcast_in_dim3A_230 : vector<1x1xf32> to vector<48x128xf32>
          %mul3A_321 = arith.mulf %convert_element_type3A_319, %mul3A_320 : vector<48x128xf32>
          %max3A_322 = arith.maximumf %max3A_214, %mul3A_321 : vector<48x128xf32>
          %mul3A_323 = arith.constant 16 : i32
          %mul3A_324 = arith.muli %add3A_93, %mul3A_323 : i32
          %add3A_325 = arith.constant 2 : i32
          %add3A_326 = arith.addi %mul3A_324, %add3A_325 : i32
          %mul3A_327 = arith.constant 16 : i32
          %mul3A_328 = arith.muli %while3A_88, %mul3A_327 : i32
          %add3A_329 = arith.constant 2 : i32
          %add3A_330 = arith.addi %mul3A_328, %add3A_329 : i32
          %eq3A_331 = vector.broadcast %add3A_330 : i32 to vector<1x128xi32>
          %eq3A_332 = arith.cmpi eq, %iota3A, %eq3A_331 : vector<1x128xi32>
          %convert_element_type3A_333 = arith.extui %eq3A_332 : vector<1x128xi1> to vector<1x128xi32>
          %convert_element_type3A_334 = arith.sitofp %convert_element_type3A_333 : vector<1x128xi32> to vector<1x128xf32>
          %mul3A_335 = arith.mulf %mul3A_275, %convert_element_type3A_334 : vector<1x128xf32>
          %reduce_sum3A_336 = arith.constant dense<0.000000e+00> : vector<1xf32>
          %reduce_sum3A_337 = vector.multi_reduction <add>, %mul3A_335, %reduce_sum3A_336 [1] : vector<1x128xf32> to vector<1xf32>
          %broadcast_in_dim3A_338 = vector.shape_cast %reduce_sum3A_337 : vector<1xf32> to vector<1x1xf32>
          %slice3A_339 = vector.extract_strided_slice %reshape3A {offsets = [2, 0], sizes = [1, 1], strides = [1, 1]} : vector<16x1xf32> to vector<1x1xf32>
          %slice3A_340 = vector.extract_strided_slice %reshape3A_102 {offsets = [2, 0], sizes = [1, 1], strides = [1, 1]} : vector<16x1xf32> to vector<1x1xf32>
          %slice3A_341 = vector.extract_strided_slice %reshape3A_107 {offsets = [2, 0], sizes = [1, 1], strides = [1, 1]} : vector<16x1xf32> to vector<1x1xf32>
          %slice3A_342 = vector.extract_strided_slice %reshape3A_112 {offsets = [2, 0], sizes = [1, 1], strides = [1, 1]} : vector<16x1xf32> to vector<1x1xf32>
          %sub3A_343 = arith.subf %slice3A_341, %slice3A_339 : vector<1x1xf32>
          %sub3A_344 = arith.subf %slice3A_342, %slice3A_340 : vector<1x1xf32>
          %mul3A_345 = arith.mulf %sub3A_343, %sub3A_344 : vector<1x1xf32>
          %min3A_346 = vector.broadcast %slice3A_341 : vector<1x1xf32> to vector<1x128xf32>
          %min3A_347 = arith.minimumf %min3A_346, %get3A_39 : vector<1x128xf32>
          %max3A_348 = vector.broadcast %slice3A_339 : vector<1x1xf32> to vector<1x128xf32>
          %max3A_349 = arith.maximumf %max3A_348, %get3A_33 : vector<1x128xf32>
          %sub3A_350 = arith.subf %min3A_347, %max3A_349 : vector<1x128xf32>
          %jit3A_351 = arith.constant 0.000000e+00 : f32
          %max3A_352 = vector.broadcast %jit3A_351 : f32 to vector<1x128xf32>
          %max3A_353 = arith.maximumf %max3A_352, %sub3A_350 : vector<1x128xf32>
          %min3A_354 = vector.broadcast %slice3A_342 : vector<1x1xf32> to vector<1x128xf32>
          %min3A_355 = arith.minimumf %min3A_354, %get3A_42 : vector<1x128xf32>
          %max3A_356 = vector.broadcast %slice3A_340 : vector<1x1xf32> to vector<1x128xf32>
          %max3A_357 = arith.maximumf %max3A_356, %get3A_36 : vector<1x128xf32>
          %sub3A_358 = arith.subf %min3A_355, %max3A_357 : vector<1x128xf32>
          %jit3A_359 = arith.constant 0.000000e+00 : f32
          %max3A_360 = vector.broadcast %jit3A_359 : f32 to vector<1x128xf32>
          %max3A_361 = arith.maximumf %max3A_360, %sub3A_358 : vector<1x128xf32>
          %mul3A_362 = arith.mulf %max3A_353, %max3A_361 : vector<1x128xf32>
          %add3A_363 = vector.broadcast %mul3A_345 : vector<1x1xf32> to vector<1x128xf32>
          %add3A_364 = arith.addf %add3A_363, %mul3A_45 : vector<1x128xf32>
          %sub3A_365 = arith.subf %add3A_364, %mul3A_362 : vector<1x128xf32>
          %add3A_366 = arith.constant 9.99999971E-10 : f32
          %add3A_367 = vector.broadcast %add3A_366 : f32 to vector<1x128xf32>
          %add3A_368 = arith.addf %sub3A_365, %add3A_367 : vector<1x128xf32>
          %div3A_369 = arith.divf %mul3A_362, %add3A_368 : vector<1x128xf32>
          %gt3A_370 = arith.constant 0.699999988 : f32
          %gt3A_371 = vector.broadcast %gt3A_370 : f32 to vector<1x128xf32>
          %gt3A_372 = arith.cmpf ogt, %div3A_369, %gt3A_371 : vector<1x128xf32>
          %gt3A_373 = vector.broadcast %add3A_330 : i32 to vector<1x128xi32>
          %gt3A_374 = arith.cmpi sgt, %iota3A, %gt3A_373 : vector<1x128xi32>
          %and3A_375 = arith.andi %gt3A_372, %gt3A_374 : vector<1x128xi1>
          %convert_element_type3A_376 = arith.extui %and3A_375 : vector<1x128xi1> to vector<1x128xi32>
          %convert_element_type3A_377 = arith.sitofp %convert_element_type3A_376 : vector<1x128xi32> to vector<1x128xf32>
          %mul3A_378 = vector.broadcast %broadcast_in_dim3A_338 : vector<1x1xf32> to vector<1x128xf32>
          %mul3A_379 = arith.mulf %convert_element_type3A_377, %mul3A_378 : vector<1x128xf32>
          %sub3A_380 = arith.constant 1.000000e+00 : f32
          %sub3A_381 = vector.broadcast %sub3A_380 : f32 to vector<1x128xf32>
          %sub3A_382 = arith.subf %sub3A_381, %mul3A_379 : vector<1x128xf32>
          %mul3A_383 = arith.mulf %mul3A_275, %sub3A_382 : vector<1x128xf32>
          %get3A_384 = arith.constant 0 : index
          %get3A_385 = arith.constant 0 : index
          %get3A_386 = vector.load %arg2[%get3A_384, %get3A_385] : memref<48x128xf32, #tpu.memory_space<vmem>>, vector<48x128xf32>
          %min3A_387 = vector.broadcast %slice3A_341 : vector<1x1xf32> to vector<48x128xf32>
          %min3A_388 = arith.minimumf %min3A_387, %get3A_386 : vector<48x128xf32>
          %get3A_389 = arith.constant 0 : index
          %get3A_390 = arith.constant 0 : index
          %get3A_391 = vector.load %arg0[%get3A_389, %get3A_390] : memref<48x128xf32, #tpu.memory_space<vmem>>, vector<48x128xf32>
          %max3A_392 = vector.broadcast %slice3A_339 : vector<1x1xf32> to vector<48x128xf32>
          %max3A_393 = arith.maximumf %max3A_392, %get3A_391 : vector<48x128xf32>
          %sub3A_394 = arith.subf %min3A_388, %max3A_393 : vector<48x128xf32>
          %jit3A_395 = arith.constant 0.000000e+00 : f32
          %max3A_396 = vector.broadcast %jit3A_395 : f32 to vector<48x128xf32>
          %max3A_397 = arith.maximumf %max3A_396, %sub3A_394 : vector<48x128xf32>
          %get3A_398 = arith.constant 0 : index
          %get3A_399 = arith.constant 0 : index
          %get3A_400 = vector.load %arg3[%get3A_398, %get3A_399] : memref<48x128xf32, #tpu.memory_space<vmem>>, vector<48x128xf32>
          %min3A_401 = vector.broadcast %slice3A_342 : vector<1x1xf32> to vector<48x128xf32>
          %min3A_402 = arith.minimumf %min3A_401, %get3A_400 : vector<48x128xf32>
          %get3A_403 = arith.constant 0 : index
          %get3A_404 = arith.constant 0 : index
          %get3A_405 = vector.load %arg1[%get3A_403, %get3A_404] : memref<48x128xf32, #tpu.memory_space<vmem>>, vector<48x128xf32>
          %max3A_406 = vector.broadcast %slice3A_340 : vector<1x1xf32> to vector<48x128xf32>
          %max3A_407 = arith.maximumf %max3A_406, %get3A_405 : vector<48x128xf32>
          %sub3A_408 = arith.subf %min3A_402, %max3A_407 : vector<48x128xf32>
          %jit3A_409 = arith.constant 0.000000e+00 : f32
          %max3A_410 = vector.broadcast %jit3A_409 : f32 to vector<48x128xf32>
          %max3A_411 = arith.maximumf %max3A_410, %sub3A_408 : vector<48x128xf32>
          %mul3A_412 = arith.mulf %max3A_397, %max3A_411 : vector<48x128xf32>
          %add3A_413 = vector.broadcast %mul3A_345 : vector<1x1xf32> to vector<48x128xf32>
          %add3A_414 = arith.addf %add3A_413, %mul3A_19 : vector<48x128xf32>
          %sub3A_415 = arith.subf %add3A_414, %mul3A_412 : vector<48x128xf32>
          %add3A_416 = arith.constant 9.99999971E-10 : f32
          %add3A_417 = vector.broadcast %add3A_416 : f32 to vector<48x128xf32>
          %add3A_418 = arith.addf %sub3A_415, %add3A_417 : vector<48x128xf32>
          %div3A_419 = arith.divf %mul3A_412, %add3A_418 : vector<48x128xf32>
          %gt3A_420 = arith.constant 0.699999988 : f32
          %gt3A_421 = vector.broadcast %gt3A_420 : f32 to vector<48x128xf32>
          %gt3A_422 = arith.cmpf ogt, %div3A_419, %gt3A_421 : vector<48x128xf32>
          %gt3A_423 = vector.broadcast %add3A_326 : i32 to vector<48x128xi32>
          %gt3A_424 = arith.cmpi sgt, %add3A, %gt3A_423 : vector<48x128xi32>
          %and3A_425 = arith.andi %gt3A_422, %gt3A_424 : vector<48x128xi1>
          %convert_element_type3A_426 = arith.extui %and3A_425 : vector<48x128xi1> to vector<48x128xi32>
          %convert_element_type3A_427 = arith.sitofp %convert_element_type3A_426 : vector<48x128xi32> to vector<48x128xf32>
          %mul3A_428 = vector.broadcast %broadcast_in_dim3A_338 : vector<1x1xf32> to vector<48x128xf32>
          %mul3A_429 = arith.mulf %convert_element_type3A_427, %mul3A_428 : vector<48x128xf32>
          %max3A_430 = arith.maximumf %max3A_322, %mul3A_429 : vector<48x128xf32>
          %mul3A_431 = arith.constant 16 : i32
          %mul3A_432 = arith.muli %add3A_93, %mul3A_431 : i32
          %add3A_433 = arith.constant 3 : i32
          %add3A_434 = arith.addi %mul3A_432, %add3A_433 : i32
          %mul3A_435 = arith.constant 16 : i32
          %mul3A_436 = arith.muli %while3A_88, %mul3A_435 : i32
          %add3A_437 = arith.constant 3 : i32
          %add3A_438 = arith.addi %mul3A_436, %add3A_437 : i32
          %eq3A_439 = vector.broadcast %add3A_438 : i32 to vector<1x128xi32>
          %eq3A_440 = arith.cmpi eq, %iota3A, %eq3A_439 : vector<1x128xi32>
          %convert_element_type3A_441 = arith.extui %eq3A_440 : vector<1x128xi1> to vector<1x128xi32>
          %convert_element_type3A_442 = arith.sitofp %convert_element_type3A_441 : vector<1x128xi32> to vector<1x128xf32>
          %mul3A_443 = arith.mulf %mul3A_383, %convert_element_type3A_442 : vector<1x128xf32>
          %reduce_sum3A_444 = arith.constant dense<0.000000e+00> : vector<1xf32>
          %reduce_sum3A_445 = vector.multi_reduction <add>, %mul3A_443, %reduce_sum3A_444 [1] : vector<1x128xf32> to vector<1xf32>
          %broadcast_in_dim3A_446 = vector.shape_cast %reduce_sum3A_445 : vector<1xf32> to vector<1x1xf32>
          %slice3A_447 = vector.extract_strided_slice %reshape3A {offsets = [3, 0], sizes = [1, 1], strides = [1, 1]} : vector<16x1xf32> to vector<1x1xf32>
          %slice3A_448 = vector.extract_strided_slice %reshape3A_102 {offsets = [3, 0], sizes = [1, 1], strides = [1, 1]} : vector<16x1xf32> to vector<1x1xf32>
          %slice3A_449 = vector.extract_strided_slice %reshape3A_107 {offsets = [3, 0], sizes = [1, 1], strides = [1, 1]} : vector<16x1xf32> to vector<1x1xf32>
          %slice3A_450 = vector.extract_strided_slice %reshape3A_112 {offsets = [3, 0], sizes = [1, 1], strides = [1, 1]} : vector<16x1xf32> to vector<1x1xf32>
          %sub3A_451 = arith.subf %slice3A_449, %slice3A_447 : vector<1x1xf32>
          %sub3A_452 = arith.subf %slice3A_450, %slice3A_448 : vector<1x1xf32>
          %mul3A_453 = arith.mulf %sub3A_451, %sub3A_452 : vector<1x1xf32>
          %min3A_454 = vector.broadcast %slice3A_449 : vector<1x1xf32> to vector<1x128xf32>
          %min3A_455 = arith.minimumf %min3A_454, %get3A_39 : vector<1x128xf32>
          %max3A_456 = vector.broadcast %slice3A_447 : vector<1x1xf32> to vector<1x128xf32>
          %max3A_457 = arith.maximumf %max3A_456, %get3A_33 : vector<1x128xf32>
          %sub3A_458 = arith.subf %min3A_455, %max3A_457 : vector<1x128xf32>
          %jit3A_459 = arith.constant 0.000000e+00 : f32
          %max3A_460 = vector.broadcast %jit3A_459 : f32 to vector<1x128xf32>
          %max3A_461 = arith.maximumf %max3A_460, %sub3A_458 : vector<1x128xf32>
          %min3A_462 = vector.broadcast %slice3A_450 : vector<1x1xf32> to vector<1x128xf32>
          %min3A_463 = arith.minimumf %min3A_462, %get3A_42 : vector<1x128xf32>
          %max3A_464 = vector.broadcast %slice3A_448 : vector<1x1xf32> to vector<1x128xf32>
          %max3A_465 = arith.maximumf %max3A_464, %get3A_36 : vector<1x128xf32>
          %sub3A_466 = arith.subf %min3A_463, %max3A_465 : vector<1x128xf32>
          %jit3A_467 = arith.constant 0.000000e+00 : f32
          %max3A_468 = vector.broadcast %jit3A_467 : f32 to vector<1x128xf32>
          %max3A_469 = arith.maximumf %max3A_468, %sub3A_466 : vector<1x128xf32>
          %mul3A_470 = arith.mulf %max3A_461, %max3A_469 : vector<1x128xf32>
          %add3A_471 = vector.broadcast %mul3A_453 : vector<1x1xf32> to vector<1x128xf32>
          %add3A_472 = arith.addf %add3A_471, %mul3A_45 : vector<1x128xf32>
          %sub3A_473 = arith.subf %add3A_472, %mul3A_470 : vector<1x128xf32>
          %add3A_474 = arith.constant 9.99999971E-10 : f32
          %add3A_475 = vector.broadcast %add3A_474 : f32 to vector<1x128xf32>
          %add3A_476 = arith.addf %sub3A_473, %add3A_475 : vector<1x128xf32>
          %div3A_477 = arith.divf %mul3A_470, %add3A_476 : vector<1x128xf32>
          %gt3A_478 = arith.constant 0.699999988 : f32
          %gt3A_479 = vector.broadcast %gt3A_478 : f32 to vector<1x128xf32>
          %gt3A_480 = arith.cmpf ogt, %div3A_477, %gt3A_479 : vector<1x128xf32>
          %gt3A_481 = vector.broadcast %add3A_438 : i32 to vector<1x128xi32>
          %gt3A_482 = arith.cmpi sgt, %iota3A, %gt3A_481 : vector<1x128xi32>
          %and3A_483 = arith.andi %gt3A_480, %gt3A_482 : vector<1x128xi1>
          %convert_element_type3A_484 = arith.extui %and3A_483 : vector<1x128xi1> to vector<1x128xi32>
          %convert_element_type3A_485 = arith.sitofp %convert_element_type3A_484 : vector<1x128xi32> to vector<1x128xf32>
          %mul3A_486 = vector.broadcast %broadcast_in_dim3A_446 : vector<1x1xf32> to vector<1x128xf32>
          %mul3A_487 = arith.mulf %convert_element_type3A_485, %mul3A_486 : vector<1x128xf32>
          %sub3A_488 = arith.constant 1.000000e+00 : f32
          %sub3A_489 = vector.broadcast %sub3A_488 : f32 to vector<1x128xf32>
          %sub3A_490 = arith.subf %sub3A_489, %mul3A_487 : vector<1x128xf32>
          %mul3A_491 = arith.mulf %mul3A_383, %sub3A_490 : vector<1x128xf32>
          %get3A_492 = arith.constant 0 : index
          %get3A_493 = arith.constant 0 : index
          %get3A_494 = vector.load %arg2[%get3A_492, %get3A_493] : memref<48x128xf32, #tpu.memory_space<vmem>>, vector<48x128xf32>
          %min3A_495 = vector.broadcast %slice3A_449 : vector<1x1xf32> to vector<48x128xf32>
          %min3A_496 = arith.minimumf %min3A_495, %get3A_494 : vector<48x128xf32>
          %get3A_497 = arith.constant 0 : index
          %get3A_498 = arith.constant 0 : index
          %get3A_499 = vector.load %arg0[%get3A_497, %get3A_498] : memref<48x128xf32, #tpu.memory_space<vmem>>, vector<48x128xf32>
          %max3A_500 = vector.broadcast %slice3A_447 : vector<1x1xf32> to vector<48x128xf32>
          %max3A_501 = arith.maximumf %max3A_500, %get3A_499 : vector<48x128xf32>
          %sub3A_502 = arith.subf %min3A_496, %max3A_501 : vector<48x128xf32>
          %jit3A_503 = arith.constant 0.000000e+00 : f32
          %max3A_504 = vector.broadcast %jit3A_503 : f32 to vector<48x128xf32>
          %max3A_505 = arith.maximumf %max3A_504, %sub3A_502 : vector<48x128xf32>
          %get3A_506 = arith.constant 0 : index
          %get3A_507 = arith.constant 0 : index
          %get3A_508 = vector.load %arg3[%get3A_506, %get3A_507] : memref<48x128xf32, #tpu.memory_space<vmem>>, vector<48x128xf32>
          %min3A_509 = vector.broadcast %slice3A_450 : vector<1x1xf32> to vector<48x128xf32>
          %min3A_510 = arith.minimumf %min3A_509, %get3A_508 : vector<48x128xf32>
          %get3A_511 = arith.constant 0 : index
          %get3A_512 = arith.constant 0 : index
          %get3A_513 = vector.load %arg1[%get3A_511, %get3A_512] : memref<48x128xf32, #tpu.memory_space<vmem>>, vector<48x128xf32>
          %max3A_514 = vector.broadcast %slice3A_448 : vector<1x1xf32> to vector<48x128xf32>
          %max3A_515 = arith.maximumf %max3A_514, %get3A_513 : vector<48x128xf32>
          %sub3A_516 = arith.subf %min3A_510, %max3A_515 : vector<48x128xf32>
          %jit3A_517 = arith.constant 0.000000e+00 : f32
          %max3A_518 = vector.broadcast %jit3A_517 : f32 to vector<48x128xf32>
          %max3A_519 = arith.maximumf %max3A_518, %sub3A_516 : vector<48x128xf32>
          %mul3A_520 = arith.mulf %max3A_505, %max3A_519 : vector<48x128xf32>
          %add3A_521 = vector.broadcast %mul3A_453 : vector<1x1xf32> to vector<48x128xf32>
          %add3A_522 = arith.addf %add3A_521, %mul3A_19 : vector<48x128xf32>
          %sub3A_523 = arith.subf %add3A_522, %mul3A_520 : vector<48x128xf32>
          %add3A_524 = arith.constant 9.99999971E-10 : f32
          %add3A_525 = vector.broadcast %add3A_524 : f32 to vector<48x128xf32>
          %add3A_526 = arith.addf %sub3A_523, %add3A_525 : vector<48x128xf32>
          %div3A_527 = arith.divf %mul3A_520, %add3A_526 : vector<48x128xf32>
          %gt3A_528 = arith.constant 0.699999988 : f32
          %gt3A_529 = vector.broadcast %gt3A_528 : f32 to vector<48x128xf32>
          %gt3A_530 = arith.cmpf ogt, %div3A_527, %gt3A_529 : vector<48x128xf32>
          %gt3A_531 = vector.broadcast %add3A_434 : i32 to vector<48x128xi32>
          %gt3A_532 = arith.cmpi sgt, %add3A, %gt3A_531 : vector<48x128xi32>
          %and3A_533 = arith.andi %gt3A_530, %gt3A_532 : vector<48x128xi1>
          %convert_element_type3A_534 = arith.extui %and3A_533 : vector<48x128xi1> to vector<48x128xi32>
          %convert_element_type3A_535 = arith.sitofp %convert_element_type3A_534 : vector<48x128xi32> to vector<48x128xf32>
          %mul3A_536 = vector.broadcast %broadcast_in_dim3A_446 : vector<1x1xf32> to vector<48x128xf32>
          %mul3A_537 = arith.mulf %convert_element_type3A_535, %mul3A_536 : vector<48x128xf32>
          %max3A_538 = arith.maximumf %max3A_430, %mul3A_537 : vector<48x128xf32>
          %mul3A_539 = arith.constant 16 : i32
          %mul3A_540 = arith.muli %add3A_93, %mul3A_539 : i32
          %add3A_541 = arith.constant 4 : i32
          %add3A_542 = arith.addi %mul3A_540, %add3A_541 : i32
          %mul3A_543 = arith.constant 16 : i32
          %mul3A_544 = arith.muli %while3A_88, %mul3A_543 : i32
          %add3A_545 = arith.constant 4 : i32
          %add3A_546 = arith.addi %mul3A_544, %add3A_545 : i32
          %eq3A_547 = vector.broadcast %add3A_546 : i32 to vector<1x128xi32>
          %eq3A_548 = arith.cmpi eq, %iota3A, %eq3A_547 : vector<1x128xi32>
          %convert_element_type3A_549 = arith.extui %eq3A_548 : vector<1x128xi1> to vector<1x128xi32>
          %convert_element_type3A_550 = arith.sitofp %convert_element_type3A_549 : vector<1x128xi32> to vector<1x128xf32>
          %mul3A_551 = arith.mulf %mul3A_491, %convert_element_type3A_550 : vector<1x128xf32>
          %reduce_sum3A_552 = arith.constant dense<0.000000e+00> : vector<1xf32>
          %reduce_sum3A_553 = vector.multi_reduction <add>, %mul3A_551, %reduce_sum3A_552 [1] : vector<1x128xf32> to vector<1xf32>
          %broadcast_in_dim3A_554 = vector.shape_cast %reduce_sum3A_553 : vector<1xf32> to vector<1x1xf32>
          %slice3A_555 = vector.extract_strided_slice %reshape3A {offsets = [4, 0], sizes = [1, 1], strides = [1, 1]} : vector<16x1xf32> to vector<1x1xf32>
          %slice3A_556 = vector.extract_strided_slice %reshape3A_102 {offsets = [4, 0], sizes = [1, 1], strides = [1, 1]} : vector<16x1xf32> to vector<1x1xf32>
          %slice3A_557 = vector.extract_strided_slice %reshape3A_107 {offsets = [4, 0], sizes = [1, 1], strides = [1, 1]} : vector<16x1xf32> to vector<1x1xf32>
          %slice3A_558 = vector.extract_strided_slice %reshape3A_112 {offsets = [4, 0], sizes = [1, 1], strides = [1, 1]} : vector<16x1xf32> to vector<1x1xf32>
          %sub3A_559 = arith.subf %slice3A_557, %slice3A_555 : vector<1x1xf32>
          %sub3A_560 = arith.subf %slice3A_558, %slice3A_556 : vector<1x1xf32>
          %mul3A_561 = arith.mulf %sub3A_559, %sub3A_560 : vector<1x1xf32>
          %min3A_562 = vector.broadcast %slice3A_557 : vector<1x1xf32> to vector<1x128xf32>
          %min3A_563 = arith.minimumf %min3A_562, %get3A_39 : vector<1x128xf32>
          %max3A_564 = vector.broadcast %slice3A_555 : vector<1x1xf32> to vector<1x128xf32>
          %max3A_565 = arith.maximumf %max3A_564, %get3A_33 : vector<1x128xf32>
          %sub3A_566 = arith.subf %min3A_563, %max3A_565 : vector<1x128xf32>
          %jit3A_567 = arith.constant 0.000000e+00 : f32
          %max3A_568 = vector.broadcast %jit3A_567 : f32 to vector<1x128xf32>
          %max3A_569 = arith.maximumf %max3A_568, %sub3A_566 : vector<1x128xf32>
          %min3A_570 = vector.broadcast %slice3A_558 : vector<1x1xf32> to vector<1x128xf32>
          %min3A_571 = arith.minimumf %min3A_570, %get3A_42 : vector<1x128xf32>
          %max3A_572 = vector.broadcast %slice3A_556 : vector<1x1xf32> to vector<1x128xf32>
          %max3A_573 = arith.maximumf %max3A_572, %get3A_36 : vector<1x128xf32>
          %sub3A_574 = arith.subf %min3A_571, %max3A_573 : vector<1x128xf32>
          %jit3A_575 = arith.constant 0.000000e+00 : f32
          %max3A_576 = vector.broadcast %jit3A_575 : f32 to vector<1x128xf32>
          %max3A_577 = arith.maximumf %max3A_576, %sub3A_574 : vector<1x128xf32>
          %mul3A_578 = arith.mulf %max3A_569, %max3A_577 : vector<1x128xf32>
          %add3A_579 = vector.broadcast %mul3A_561 : vector<1x1xf32> to vector<1x128xf32>
          %add3A_580 = arith.addf %add3A_579, %mul3A_45 : vector<1x128xf32>
          %sub3A_581 = arith.subf %add3A_580, %mul3A_578 : vector<1x128xf32>
          %add3A_582 = arith.constant 9.99999971E-10 : f32
          %add3A_583 = vector.broadcast %add3A_582 : f32 to vector<1x128xf32>
          %add3A_584 = arith.addf %sub3A_581, %add3A_583 : vector<1x128xf32>
          %div3A_585 = arith.divf %mul3A_578, %add3A_584 : vector<1x128xf32>
          %gt3A_586 = arith.constant 0.699999988 : f32
          %gt3A_587 = vector.broadcast %gt3A_586 : f32 to vector<1x128xf32>
          %gt3A_588 = arith.cmpf ogt, %div3A_585, %gt3A_587 : vector<1x128xf32>
          %gt3A_589 = vector.broadcast %add3A_546 : i32 to vector<1x128xi32>
          %gt3A_590 = arith.cmpi sgt, %iota3A, %gt3A_589 : vector<1x128xi32>
          %and3A_591 = arith.andi %gt3A_588, %gt3A_590 : vector<1x128xi1>
          %convert_element_type3A_592 = arith.extui %and3A_591 : vector<1x128xi1> to vector<1x128xi32>
          %convert_element_type3A_593 = arith.sitofp %convert_element_type3A_592 : vector<1x128xi32> to vector<1x128xf32>
          %mul3A_594 = vector.broadcast %broadcast_in_dim3A_554 : vector<1x1xf32> to vector<1x128xf32>
          %mul3A_595 = arith.mulf %convert_element_type3A_593, %mul3A_594 : vector<1x128xf32>
          %sub3A_596 = arith.constant 1.000000e+00 : f32
          %sub3A_597 = vector.broadcast %sub3A_596 : f32 to vector<1x128xf32>
          %sub3A_598 = arith.subf %sub3A_597, %mul3A_595 : vector<1x128xf32>
          %mul3A_599 = arith.mulf %mul3A_491, %sub3A_598 : vector<1x128xf32>
          %get3A_600 = arith.constant 0 : index
          %get3A_601 = arith.constant 0 : index
          %get3A_602 = vector.load %arg2[%get3A_600, %get3A_601] : memref<48x128xf32, #tpu.memory_space<vmem>>, vector<48x128xf32>
          %min3A_603 = vector.broadcast %slice3A_557 : vector<1x1xf32> to vector<48x128xf32>
          %min3A_604 = arith.minimumf %min3A_603, %get3A_602 : vector<48x128xf32>
          %get3A_605 = arith.constant 0 : index
          %get3A_606 = arith.constant 0 : index
          %get3A_607 = vector.load %arg0[%get3A_605, %get3A_606] : memref<48x128xf32, #tpu.memory_space<vmem>>, vector<48x128xf32>
          %max3A_608 = vector.broadcast %slice3A_555 : vector<1x1xf32> to vector<48x128xf32>
          %max3A_609 = arith.maximumf %max3A_608, %get3A_607 : vector<48x128xf32>
          %sub3A_610 = arith.subf %min3A_604, %max3A_609 : vector<48x128xf32>
          %jit3A_611 = arith.constant 0.000000e+00 : f32
          %max3A_612 = vector.broadcast %jit3A_611 : f32 to vector<48x128xf32>
          %max3A_613 = arith.maximumf %max3A_612, %sub3A_610 : vector<48x128xf32>
          %get3A_614 = arith.constant 0 : index
          %get3A_615 = arith.constant 0 : index
          %get3A_616 = vector.load %arg3[%get3A_614, %get3A_615] : memref<48x128xf32, #tpu.memory_space<vmem>>, vector<48x128xf32>
          %min3A_617 = vector.broadcast %slice3A_558 : vector<1x1xf32> to vector<48x128xf32>
          %min3A_618 = arith.minimumf %min3A_617, %get3A_616 : vector<48x128xf32>
          %get3A_619 = arith.constant 0 : index
          %get3A_620 = arith.constant 0 : index
          %get3A_621 = vector.load %arg1[%get3A_619, %get3A_620] : memref<48x128xf32, #tpu.memory_space<vmem>>, vector<48x128xf32>
          %max3A_622 = vector.broadcast %slice3A_556 : vector<1x1xf32> to vector<48x128xf32>
          %max3A_623 = arith.maximumf %max3A_622, %get3A_621 : vector<48x128xf32>
          %sub3A_624 = arith.subf %min3A_618, %max3A_623 : vector<48x128xf32>
          %jit3A_625 = arith.constant 0.000000e+00 : f32
          %max3A_626 = vector.broadcast %jit3A_625 : f32 to vector<48x128xf32>
          %max3A_627 = arith.maximumf %max3A_626, %sub3A_624 : vector<48x128xf32>
          %mul3A_628 = arith.mulf %max3A_613, %max3A_627 : vector<48x128xf32>
          %add3A_629 = vector.broadcast %mul3A_561 : vector<1x1xf32> to vector<48x128xf32>
          %add3A_630 = arith.addf %add3A_629, %mul3A_19 : vector<48x128xf32>
          %sub3A_631 = arith.subf %add3A_630, %mul3A_628 : vector<48x128xf32>
          %add3A_632 = arith.constant 9.99999971E-10 : f32
          %add3A_633 = vector.broadcast %add3A_632 : f32 to vector<48x128xf32>
          %add3A_634 = arith.addf %sub3A_631, %add3A_633 : vector<48x128xf32>
          %div3A_635 = arith.divf %mul3A_628, %add3A_634 : vector<48x128xf32>
          %gt3A_636 = arith.constant 0.699999988 : f32
          %gt3A_637 = vector.broadcast %gt3A_636 : f32 to vector<48x128xf32>
          %gt3A_638 = arith.cmpf ogt, %div3A_635, %gt3A_637 : vector<48x128xf32>
          %gt3A_639 = vector.broadcast %add3A_542 : i32 to vector<48x128xi32>
          %gt3A_640 = arith.cmpi sgt, %add3A, %gt3A_639 : vector<48x128xi32>
          %and3A_641 = arith.andi %gt3A_638, %gt3A_640 : vector<48x128xi1>
          %convert_element_type3A_642 = arith.extui %and3A_641 : vector<48x128xi1> to vector<48x128xi32>
          %convert_element_type3A_643 = arith.sitofp %convert_element_type3A_642 : vector<48x128xi32> to vector<48x128xf32>
          %mul3A_644 = vector.broadcast %broadcast_in_dim3A_554 : vector<1x1xf32> to vector<48x128xf32>
          %mul3A_645 = arith.mulf %convert_element_type3A_643, %mul3A_644 : vector<48x128xf32>
          %max3A_646 = arith.maximumf %max3A_538, %mul3A_645 : vector<48x128xf32>
          %mul3A_647 = arith.constant 16 : i32
          %mul3A_648 = arith.muli %add3A_93, %mul3A_647 : i32
          %add3A_649 = arith.constant 5 : i32
          %add3A_650 = arith.addi %mul3A_648, %add3A_649 : i32
          %mul3A_651 = arith.constant 16 : i32
          %mul3A_652 = arith.muli %while3A_88, %mul3A_651 : i32
          %add3A_653 = arith.constant 5 : i32
          %add3A_654 = arith.addi %mul3A_652, %add3A_653 : i32
          %eq3A_655 = vector.broadcast %add3A_654 : i32 to vector<1x128xi32>
          %eq3A_656 = arith.cmpi eq, %iota3A, %eq3A_655 : vector<1x128xi32>
          %convert_element_type3A_657 = arith.extui %eq3A_656 : vector<1x128xi1> to vector<1x128xi32>
          %convert_element_type3A_658 = arith.sitofp %convert_element_type3A_657 : vector<1x128xi32> to vector<1x128xf32>
          %mul3A_659 = arith.mulf %mul3A_599, %convert_element_type3A_658 : vector<1x128xf32>
          %reduce_sum3A_660 = arith.constant dense<0.000000e+00> : vector<1xf32>
          %reduce_sum3A_661 = vector.multi_reduction <add>, %mul3A_659, %reduce_sum3A_660 [1] : vector<1x128xf32> to vector<1xf32>
          %broadcast_in_dim3A_662 = vector.shape_cast %reduce_sum3A_661 : vector<1xf32> to vector<1x1xf32>
          %slice3A_663 = vector.extract_strided_slice %reshape3A {offsets = [5, 0], sizes = [1, 1], strides = [1, 1]} : vector<16x1xf32> to vector<1x1xf32>
          %slice3A_664 = vector.extract_strided_slice %reshape3A_102 {offsets = [5, 0], sizes = [1, 1], strides = [1, 1]} : vector<16x1xf32> to vector<1x1xf32>
          %slice3A_665 = vector.extract_strided_slice %reshape3A_107 {offsets = [5, 0], sizes = [1, 1], strides = [1, 1]} : vector<16x1xf32> to vector<1x1xf32>
          %slice3A_666 = vector.extract_strided_slice %reshape3A_112 {offsets = [5, 0], sizes = [1, 1], strides = [1, 1]} : vector<16x1xf32> to vector<1x1xf32>
          %sub3A_667 = arith.subf %slice3A_665, %slice3A_663 : vector<1x1xf32>
          %sub3A_668 = arith.subf %slice3A_666, %slice3A_664 : vector<1x1xf32>
          %mul3A_669 = arith.mulf %sub3A_667, %sub3A_668 : vector<1x1xf32>
          %min3A_670 = vector.broadcast %slice3A_665 : vector<1x1xf32> to vector<1x128xf32>
          %min3A_671 = arith.minimumf %min3A_670, %get3A_39 : vector<1x128xf32>
          %max3A_672 = vector.broadcast %slice3A_663 : vector<1x1xf32> to vector<1x128xf32>
          %max3A_673 = arith.maximumf %max3A_672, %get3A_33 : vector<1x128xf32>
          %sub3A_674 = arith.subf %min3A_671, %max3A_673 : vector<1x128xf32>
          %jit3A_675 = arith.constant 0.000000e+00 : f32
          %max3A_676 = vector.broadcast %jit3A_675 : f32 to vector<1x128xf32>
          %max3A_677 = arith.maximumf %max3A_676, %sub3A_674 : vector<1x128xf32>
          %min3A_678 = vector.broadcast %slice3A_666 : vector<1x1xf32> to vector<1x128xf32>
          %min3A_679 = arith.minimumf %min3A_678, %get3A_42 : vector<1x128xf32>
          %max3A_680 = vector.broadcast %slice3A_664 : vector<1x1xf32> to vector<1x128xf32>
          %max3A_681 = arith.maximumf %max3A_680, %get3A_36 : vector<1x128xf32>
          %sub3A_682 = arith.subf %min3A_679, %max3A_681 : vector<1x128xf32>
          %jit3A_683 = arith.constant 0.000000e+00 : f32
          %max3A_684 = vector.broadcast %jit3A_683 : f32 to vector<1x128xf32>
          %max3A_685 = arith.maximumf %max3A_684, %sub3A_682 : vector<1x128xf32>
          %mul3A_686 = arith.mulf %max3A_677, %max3A_685 : vector<1x128xf32>
          %add3A_687 = vector.broadcast %mul3A_669 : vector<1x1xf32> to vector<1x128xf32>
          %add3A_688 = arith.addf %add3A_687, %mul3A_45 : vector<1x128xf32>
          %sub3A_689 = arith.subf %add3A_688, %mul3A_686 : vector<1x128xf32>
          %add3A_690 = arith.constant 9.99999971E-10 : f32
          %add3A_691 = vector.broadcast %add3A_690 : f32 to vector<1x128xf32>
          %add3A_692 = arith.addf %sub3A_689, %add3A_691 : vector<1x128xf32>
          %div3A_693 = arith.divf %mul3A_686, %add3A_692 : vector<1x128xf32>
          %gt3A_694 = arith.constant 0.699999988 : f32
          %gt3A_695 = vector.broadcast %gt3A_694 : f32 to vector<1x128xf32>
          %gt3A_696 = arith.cmpf ogt, %div3A_693, %gt3A_695 : vector<1x128xf32>
          %gt3A_697 = vector.broadcast %add3A_654 : i32 to vector<1x128xi32>
          %gt3A_698 = arith.cmpi sgt, %iota3A, %gt3A_697 : vector<1x128xi32>
          %and3A_699 = arith.andi %gt3A_696, %gt3A_698 : vector<1x128xi1>
          %convert_element_type3A_700 = arith.extui %and3A_699 : vector<1x128xi1> to vector<1x128xi32>
          %convert_element_type3A_701 = arith.sitofp %convert_element_type3A_700 : vector<1x128xi32> to vector<1x128xf32>
          %mul3A_702 = vector.broadcast %broadcast_in_dim3A_662 : vector<1x1xf32> to vector<1x128xf32>
          %mul3A_703 = arith.mulf %convert_element_type3A_701, %mul3A_702 : vector<1x128xf32>
          %sub3A_704 = arith.constant 1.000000e+00 : f32
          %sub3A_705 = vector.broadcast %sub3A_704 : f32 to vector<1x128xf32>
          %sub3A_706 = arith.subf %sub3A_705, %mul3A_703 : vector<1x128xf32>
          %mul3A_707 = arith.mulf %mul3A_599, %sub3A_706 : vector<1x128xf32>
          %get3A_708 = arith.constant 0 : index
          %get3A_709 = arith.constant 0 : index
          %get3A_710 = vector.load %arg2[%get3A_708, %get3A_709] : memref<48x128xf32, #tpu.memory_space<vmem>>, vector<48x128xf32>
          %min3A_711 = vector.broadcast %slice3A_665 : vector<1x1xf32> to vector<48x128xf32>
          %min3A_712 = arith.minimumf %min3A_711, %get3A_710 : vector<48x128xf32>
          %get3A_713 = arith.constant 0 : index
          %get3A_714 = arith.constant 0 : index
          %get3A_715 = vector.load %arg0[%get3A_713, %get3A_714] : memref<48x128xf32, #tpu.memory_space<vmem>>, vector<48x128xf32>
          %max3A_716 = vector.broadcast %slice3A_663 : vector<1x1xf32> to vector<48x128xf32>
          %max3A_717 = arith.maximumf %max3A_716, %get3A_715 : vector<48x128xf32>
          %sub3A_718 = arith.subf %min3A_712, %max3A_717 : vector<48x128xf32>
          %jit3A_719 = arith.constant 0.000000e+00 : f32
          %max3A_720 = vector.broadcast %jit3A_719 : f32 to vector<48x128xf32>
          %max3A_721 = arith.maximumf %max3A_720, %sub3A_718 : vector<48x128xf32>
          %get3A_722 = arith.constant 0 : index
          %get3A_723 = arith.constant 0 : index
          %get3A_724 = vector.load %arg3[%get3A_722, %get3A_723] : memref<48x128xf32, #tpu.memory_space<vmem>>, vector<48x128xf32>
          %min3A_725 = vector.broadcast %slice3A_666 : vector<1x1xf32> to vector<48x128xf32>
          %min3A_726 = arith.minimumf %min3A_725, %get3A_724 : vector<48x128xf32>
          %get3A_727 = arith.constant 0 : index
          %get3A_728 = arith.constant 0 : index
          %get3A_729 = vector.load %arg1[%get3A_727, %get3A_728] : memref<48x128xf32, #tpu.memory_space<vmem>>, vector<48x128xf32>
          %max3A_730 = vector.broadcast %slice3A_664 : vector<1x1xf32> to vector<48x128xf32>
          %max3A_731 = arith.maximumf %max3A_730, %get3A_729 : vector<48x128xf32>
          %sub3A_732 = arith.subf %min3A_726, %max3A_731 : vector<48x128xf32>
          %jit3A_733 = arith.constant 0.000000e+00 : f32
          %max3A_734 = vector.broadcast %jit3A_733 : f32 to vector<48x128xf32>
          %max3A_735 = arith.maximumf %max3A_734, %sub3A_732 : vector<48x128xf32>
          %mul3A_736 = arith.mulf %max3A_721, %max3A_735 : vector<48x128xf32>
          %add3A_737 = vector.broadcast %mul3A_669 : vector<1x1xf32> to vector<48x128xf32>
          %add3A_738 = arith.addf %add3A_737, %mul3A_19 : vector<48x128xf32>
          %sub3A_739 = arith.subf %add3A_738, %mul3A_736 : vector<48x128xf32>
          %add3A_740 = arith.constant 9.99999971E-10 : f32
          %add3A_741 = vector.broadcast %add3A_740 : f32 to vector<48x128xf32>
          %add3A_742 = arith.addf %sub3A_739, %add3A_741 : vector<48x128xf32>
          %div3A_743 = arith.divf %mul3A_736, %add3A_742 : vector<48x128xf32>
          %gt3A_744 = arith.constant 0.699999988 : f32
          %gt3A_745 = vector.broadcast %gt3A_744 : f32 to vector<48x128xf32>
          %gt3A_746 = arith.cmpf ogt, %div3A_743, %gt3A_745 : vector<48x128xf32>
          %gt3A_747 = vector.broadcast %add3A_650 : i32 to vector<48x128xi32>
          %gt3A_748 = arith.cmpi sgt, %add3A, %gt3A_747 : vector<48x128xi32>
          %and3A_749 = arith.andi %gt3A_746, %gt3A_748 : vector<48x128xi1>
          %convert_element_type3A_750 = arith.extui %and3A_749 : vector<48x128xi1> to vector<48x128xi32>
          %convert_element_type3A_751 = arith.sitofp %convert_element_type3A_750 : vector<48x128xi32> to vector<48x128xf32>
          %mul3A_752 = vector.broadcast %broadcast_in_dim3A_662 : vector<1x1xf32> to vector<48x128xf32>
          %mul3A_753 = arith.mulf %convert_element_type3A_751, %mul3A_752 : vector<48x128xf32>
          %max3A_754 = arith.maximumf %max3A_646, %mul3A_753 : vector<48x128xf32>
          %mul3A_755 = arith.constant 16 : i32
          %mul3A_756 = arith.muli %add3A_93, %mul3A_755 : i32
          %add3A_757 = arith.constant 6 : i32
          %add3A_758 = arith.addi %mul3A_756, %add3A_757 : i32
          %mul3A_759 = arith.constant 16 : i32
          %mul3A_760 = arith.muli %while3A_88, %mul3A_759 : i32
          %add3A_761 = arith.constant 6 : i32
          %add3A_762 = arith.addi %mul3A_760, %add3A_761 : i32
          %eq3A_763 = vector.broadcast %add3A_762 : i32 to vector<1x128xi32>
          %eq3A_764 = arith.cmpi eq, %iota3A, %eq3A_763 : vector<1x128xi32>
          %convert_element_type3A_765 = arith.extui %eq3A_764 : vector<1x128xi1> to vector<1x128xi32>
          %convert_element_type3A_766 = arith.sitofp %convert_element_type3A_765 : vector<1x128xi32> to vector<1x128xf32>
          %mul3A_767 = arith.mulf %mul3A_707, %convert_element_type3A_766 : vector<1x128xf32>
          %reduce_sum3A_768 = arith.constant dense<0.000000e+00> : vector<1xf32>
          %reduce_sum3A_769 = vector.multi_reduction <add>, %mul3A_767, %reduce_sum3A_768 [1] : vector<1x128xf32> to vector<1xf32>
          %broadcast_in_dim3A_770 = vector.shape_cast %reduce_sum3A_769 : vector<1xf32> to vector<1x1xf32>
          %slice3A_771 = vector.extract_strided_slice %reshape3A {offsets = [6, 0], sizes = [1, 1], strides = [1, 1]} : vector<16x1xf32> to vector<1x1xf32>
          %slice3A_772 = vector.extract_strided_slice %reshape3A_102 {offsets = [6, 0], sizes = [1, 1], strides = [1, 1]} : vector<16x1xf32> to vector<1x1xf32>
          %slice3A_773 = vector.extract_strided_slice %reshape3A_107 {offsets = [6, 0], sizes = [1, 1], strides = [1, 1]} : vector<16x1xf32> to vector<1x1xf32>
          %slice3A_774 = vector.extract_strided_slice %reshape3A_112 {offsets = [6, 0], sizes = [1, 1], strides = [1, 1]} : vector<16x1xf32> to vector<1x1xf32>
          %sub3A_775 = arith.subf %slice3A_773, %slice3A_771 : vector<1x1xf32>
          %sub3A_776 = arith.subf %slice3A_774, %slice3A_772 : vector<1x1xf32>
          %mul3A_777 = arith.mulf %sub3A_775, %sub3A_776 : vector<1x1xf32>
          %min3A_778 = vector.broadcast %slice3A_773 : vector<1x1xf32> to vector<1x128xf32>
          %min3A_779 = arith.minimumf %min3A_778, %get3A_39 : vector<1x128xf32>
          %max3A_780 = vector.broadcast %slice3A_771 : vector<1x1xf32> to vector<1x128xf32>
          %max3A_781 = arith.maximumf %max3A_780, %get3A_33 : vector<1x128xf32>
          %sub3A_782 = arith.subf %min3A_779, %max3A_781 : vector<1x128xf32>
          %jit3A_783 = arith.constant 0.000000e+00 : f32
          %max3A_784 = vector.broadcast %jit3A_783 : f32 to vector<1x128xf32>
          %max3A_785 = arith.maximumf %max3A_784, %sub3A_782 : vector<1x128xf32>
          %min3A_786 = vector.broadcast %slice3A_774 : vector<1x1xf32> to vector<1x128xf32>
          %min3A_787 = arith.minimumf %min3A_786, %get3A_42 : vector<1x128xf32>
          %max3A_788 = vector.broadcast %slice3A_772 : vector<1x1xf32> to vector<1x128xf32>
          %max3A_789 = arith.maximumf %max3A_788, %get3A_36 : vector<1x128xf32>
          %sub3A_790 = arith.subf %min3A_787, %max3A_789 : vector<1x128xf32>
          %jit3A_791 = arith.constant 0.000000e+00 : f32
          %max3A_792 = vector.broadcast %jit3A_791 : f32 to vector<1x128xf32>
          %max3A_793 = arith.maximumf %max3A_792, %sub3A_790 : vector<1x128xf32>
          %mul3A_794 = arith.mulf %max3A_785, %max3A_793 : vector<1x128xf32>
          %add3A_795 = vector.broadcast %mul3A_777 : vector<1x1xf32> to vector<1x128xf32>
          %add3A_796 = arith.addf %add3A_795, %mul3A_45 : vector<1x128xf32>
          %sub3A_797 = arith.subf %add3A_796, %mul3A_794 : vector<1x128xf32>
          %add3A_798 = arith.constant 9.99999971E-10 : f32
          %add3A_799 = vector.broadcast %add3A_798 : f32 to vector<1x128xf32>
          %add3A_800 = arith.addf %sub3A_797, %add3A_799 : vector<1x128xf32>
          %div3A_801 = arith.divf %mul3A_794, %add3A_800 : vector<1x128xf32>
          %gt3A_802 = arith.constant 0.699999988 : f32
          %gt3A_803 = vector.broadcast %gt3A_802 : f32 to vector<1x128xf32>
          %gt3A_804 = arith.cmpf ogt, %div3A_801, %gt3A_803 : vector<1x128xf32>
          %gt3A_805 = vector.broadcast %add3A_762 : i32 to vector<1x128xi32>
          %gt3A_806 = arith.cmpi sgt, %iota3A, %gt3A_805 : vector<1x128xi32>
          %and3A_807 = arith.andi %gt3A_804, %gt3A_806 : vector<1x128xi1>
          %convert_element_type3A_808 = arith.extui %and3A_807 : vector<1x128xi1> to vector<1x128xi32>
          %convert_element_type3A_809 = arith.sitofp %convert_element_type3A_808 : vector<1x128xi32> to vector<1x128xf32>
          %mul3A_810 = vector.broadcast %broadcast_in_dim3A_770 : vector<1x1xf32> to vector<1x128xf32>
          %mul3A_811 = arith.mulf %convert_element_type3A_809, %mul3A_810 : vector<1x128xf32>
          %sub3A_812 = arith.constant 1.000000e+00 : f32
          %sub3A_813 = vector.broadcast %sub3A_812 : f32 to vector<1x128xf32>
          %sub3A_814 = arith.subf %sub3A_813, %mul3A_811 : vector<1x128xf32>
          %mul3A_815 = arith.mulf %mul3A_707, %sub3A_814 : vector<1x128xf32>
          %get3A_816 = arith.constant 0 : index
          %get3A_817 = arith.constant 0 : index
          %get3A_818 = vector.load %arg2[%get3A_816, %get3A_817] : memref<48x128xf32, #tpu.memory_space<vmem>>, vector<48x128xf32>
          %min3A_819 = vector.broadcast %slice3A_773 : vector<1x1xf32> to vector<48x128xf32>
          %min3A_820 = arith.minimumf %min3A_819, %get3A_818 : vector<48x128xf32>
          %get3A_821 = arith.constant 0 : index
          %get3A_822 = arith.constant 0 : index
          %get3A_823 = vector.load %arg0[%get3A_821, %get3A_822] : memref<48x128xf32, #tpu.memory_space<vmem>>, vector<48x128xf32>
          %max3A_824 = vector.broadcast %slice3A_771 : vector<1x1xf32> to vector<48x128xf32>
          %max3A_825 = arith.maximumf %max3A_824, %get3A_823 : vector<48x128xf32>
          %sub3A_826 = arith.subf %min3A_820, %max3A_825 : vector<48x128xf32>
          %jit3A_827 = arith.constant 0.000000e+00 : f32
          %max3A_828 = vector.broadcast %jit3A_827 : f32 to vector<48x128xf32>
          %max3A_829 = arith.maximumf %max3A_828, %sub3A_826 : vector<48x128xf32>
          %get3A_830 = arith.constant 0 : index
          %get3A_831 = arith.constant 0 : index
          %get3A_832 = vector.load %arg3[%get3A_830, %get3A_831] : memref<48x128xf32, #tpu.memory_space<vmem>>, vector<48x128xf32>
          %min3A_833 = vector.broadcast %slice3A_774 : vector<1x1xf32> to vector<48x128xf32>
          %min3A_834 = arith.minimumf %min3A_833, %get3A_832 : vector<48x128xf32>
          %get3A_835 = arith.constant 0 : index
          %get3A_836 = arith.constant 0 : index
          %get3A_837 = vector.load %arg1[%get3A_835, %get3A_836] : memref<48x128xf32, #tpu.memory_space<vmem>>, vector<48x128xf32>
          %max3A_838 = vector.broadcast %slice3A_772 : vector<1x1xf32> to vector<48x128xf32>
          %max3A_839 = arith.maximumf %max3A_838, %get3A_837 : vector<48x128xf32>
          %sub3A_840 = arith.subf %min3A_834, %max3A_839 : vector<48x128xf32>
          %jit3A_841 = arith.constant 0.000000e+00 : f32
          %max3A_842 = vector.broadcast %jit3A_841 : f32 to vector<48x128xf32>
          %max3A_843 = arith.maximumf %max3A_842, %sub3A_840 : vector<48x128xf32>
          %mul3A_844 = arith.mulf %max3A_829, %max3A_843 : vector<48x128xf32>
          %add3A_845 = vector.broadcast %mul3A_777 : vector<1x1xf32> to vector<48x128xf32>
          %add3A_846 = arith.addf %add3A_845, %mul3A_19 : vector<48x128xf32>
          %sub3A_847 = arith.subf %add3A_846, %mul3A_844 : vector<48x128xf32>
          %add3A_848 = arith.constant 9.99999971E-10 : f32
          %add3A_849 = vector.broadcast %add3A_848 : f32 to vector<48x128xf32>
          %add3A_850 = arith.addf %sub3A_847, %add3A_849 : vector<48x128xf32>
          %div3A_851 = arith.divf %mul3A_844, %add3A_850 : vector<48x128xf32>
          %gt3A_852 = arith.constant 0.699999988 : f32
          %gt3A_853 = vector.broadcast %gt3A_852 : f32 to vector<48x128xf32>
          %gt3A_854 = arith.cmpf ogt, %div3A_851, %gt3A_853 : vector<48x128xf32>
          %gt3A_855 = vector.broadcast %add3A_758 : i32 to vector<48x128xi32>
          %gt3A_856 = arith.cmpi sgt, %add3A, %gt3A_855 : vector<48x128xi32>
          %and3A_857 = arith.andi %gt3A_854, %gt3A_856 : vector<48x128xi1>
          %convert_element_type3A_858 = arith.extui %and3A_857 : vector<48x128xi1> to vector<48x128xi32>
          %convert_element_type3A_859 = arith.sitofp %convert_element_type3A_858 : vector<48x128xi32> to vector<48x128xf32>
          %mul3A_860 = vector.broadcast %broadcast_in_dim3A_770 : vector<1x1xf32> to vector<48x128xf32>
          %mul3A_861 = arith.mulf %convert_element_type3A_859, %mul3A_860 : vector<48x128xf32>
          %max3A_862 = arith.maximumf %max3A_754, %mul3A_861 : vector<48x128xf32>
          %mul3A_863 = arith.constant 16 : i32
          %mul3A_864 = arith.muli %add3A_93, %mul3A_863 : i32
          %add3A_865 = arith.constant 7 : i32
          %add3A_866 = arith.addi %mul3A_864, %add3A_865 : i32
          %mul3A_867 = arith.constant 16 : i32
          %mul3A_868 = arith.muli %while3A_88, %mul3A_867 : i32
          %add3A_869 = arith.constant 7 : i32
          %add3A_870 = arith.addi %mul3A_868, %add3A_869 : i32
          %eq3A_871 = vector.broadcast %add3A_870 : i32 to vector<1x128xi32>
          %eq3A_872 = arith.cmpi eq, %iota3A, %eq3A_871 : vector<1x128xi32>
          %convert_element_type3A_873 = arith.extui %eq3A_872 : vector<1x128xi1> to vector<1x128xi32>
          %convert_element_type3A_874 = arith.sitofp %convert_element_type3A_873 : vector<1x128xi32> to vector<1x128xf32>
          %mul3A_875 = arith.mulf %mul3A_815, %convert_element_type3A_874 : vector<1x128xf32>
          %reduce_sum3A_876 = arith.constant dense<0.000000e+00> : vector<1xf32>
          %reduce_sum3A_877 = vector.multi_reduction <add>, %mul3A_875, %reduce_sum3A_876 [1] : vector<1x128xf32> to vector<1xf32>
          %broadcast_in_dim3A_878 = vector.shape_cast %reduce_sum3A_877 : vector<1xf32> to vector<1x1xf32>
          %slice3A_879 = vector.extract_strided_slice %reshape3A {offsets = [7, 0], sizes = [1, 1], strides = [1, 1]} : vector<16x1xf32> to vector<1x1xf32>
          %slice3A_880 = vector.extract_strided_slice %reshape3A_102 {offsets = [7, 0], sizes = [1, 1], strides = [1, 1]} : vector<16x1xf32> to vector<1x1xf32>
          %slice3A_881 = vector.extract_strided_slice %reshape3A_107 {offsets = [7, 0], sizes = [1, 1], strides = [1, 1]} : vector<16x1xf32> to vector<1x1xf32>
          %slice3A_882 = vector.extract_strided_slice %reshape3A_112 {offsets = [7, 0], sizes = [1, 1], strides = [1, 1]} : vector<16x1xf32> to vector<1x1xf32>
          %sub3A_883 = arith.subf %slice3A_881, %slice3A_879 : vector<1x1xf32>
          %sub3A_884 = arith.subf %slice3A_882, %slice3A_880 : vector<1x1xf32>
          %mul3A_885 = arith.mulf %sub3A_883, %sub3A_884 : vector<1x1xf32>
          %min3A_886 = vector.broadcast %slice3A_881 : vector<1x1xf32> to vector<1x128xf32>
          %min3A_887 = arith.minimumf %min3A_886, %get3A_39 : vector<1x128xf32>
          %max3A_888 = vector.broadcast %slice3A_879 : vector<1x1xf32> to vector<1x128xf32>
          %max3A_889 = arith.maximumf %max3A_888, %get3A_33 : vector<1x128xf32>
          %sub3A_890 = arith.subf %min3A_887, %max3A_889 : vector<1x128xf32>
          %jit3A_891 = arith.constant 0.000000e+00 : f32
          %max3A_892 = vector.broadcast %jit3A_891 : f32 to vector<1x128xf32>
          %max3A_893 = arith.maximumf %max3A_892, %sub3A_890 : vector<1x128xf32>
          %min3A_894 = vector.broadcast %slice3A_882 : vector<1x1xf32> to vector<1x128xf32>
          %min3A_895 = arith.minimumf %min3A_894, %get3A_42 : vector<1x128xf32>
          %max3A_896 = vector.broadcast %slice3A_880 : vector<1x1xf32> to vector<1x128xf32>
          %max3A_897 = arith.maximumf %max3A_896, %get3A_36 : vector<1x128xf32>
          %sub3A_898 = arith.subf %min3A_895, %max3A_897 : vector<1x128xf32>
          %jit3A_899 = arith.constant 0.000000e+00 : f32
          %max3A_900 = vector.broadcast %jit3A_899 : f32 to vector<1x128xf32>
          %max3A_901 = arith.maximumf %max3A_900, %sub3A_898 : vector<1x128xf32>
          %mul3A_902 = arith.mulf %max3A_893, %max3A_901 : vector<1x128xf32>
          %add3A_903 = vector.broadcast %mul3A_885 : vector<1x1xf32> to vector<1x128xf32>
          %add3A_904 = arith.addf %add3A_903, %mul3A_45 : vector<1x128xf32>
          %sub3A_905 = arith.subf %add3A_904, %mul3A_902 : vector<1x128xf32>
          %add3A_906 = arith.constant 9.99999971E-10 : f32
          %add3A_907 = vector.broadcast %add3A_906 : f32 to vector<1x128xf32>
          %add3A_908 = arith.addf %sub3A_905, %add3A_907 : vector<1x128xf32>
          %div3A_909 = arith.divf %mul3A_902, %add3A_908 : vector<1x128xf32>
          %gt3A_910 = arith.constant 0.699999988 : f32
          %gt3A_911 = vector.broadcast %gt3A_910 : f32 to vector<1x128xf32>
          %gt3A_912 = arith.cmpf ogt, %div3A_909, %gt3A_911 : vector<1x128xf32>
          %gt3A_913 = vector.broadcast %add3A_870 : i32 to vector<1x128xi32>
          %gt3A_914 = arith.cmpi sgt, %iota3A, %gt3A_913 : vector<1x128xi32>
          %and3A_915 = arith.andi %gt3A_912, %gt3A_914 : vector<1x128xi1>
          %convert_element_type3A_916 = arith.extui %and3A_915 : vector<1x128xi1> to vector<1x128xi32>
          %convert_element_type3A_917 = arith.sitofp %convert_element_type3A_916 : vector<1x128xi32> to vector<1x128xf32>
          %mul3A_918 = vector.broadcast %broadcast_in_dim3A_878 : vector<1x1xf32> to vector<1x128xf32>
          %mul3A_919 = arith.mulf %convert_element_type3A_917, %mul3A_918 : vector<1x128xf32>
          %sub3A_920 = arith.constant 1.000000e+00 : f32
          %sub3A_921 = vector.broadcast %sub3A_920 : f32 to vector<1x128xf32>
          %sub3A_922 = arith.subf %sub3A_921, %mul3A_919 : vector<1x128xf32>
          %mul3A_923 = arith.mulf %mul3A_815, %sub3A_922 : vector<1x128xf32>
          %get3A_924 = arith.constant 0 : index
          %get3A_925 = arith.constant 0 : index
          %get3A_926 = vector.load %arg2[%get3A_924, %get3A_925] : memref<48x128xf32, #tpu.memory_space<vmem>>, vector<48x128xf32>
          %min3A_927 = vector.broadcast %slice3A_881 : vector<1x1xf32> to vector<48x128xf32>
          %min3A_928 = arith.minimumf %min3A_927, %get3A_926 : vector<48x128xf32>
          %get3A_929 = arith.constant 0 : index
          %get3A_930 = arith.constant 0 : index
          %get3A_931 = vector.load %arg0[%get3A_929, %get3A_930] : memref<48x128xf32, #tpu.memory_space<vmem>>, vector<48x128xf32>
          %max3A_932 = vector.broadcast %slice3A_879 : vector<1x1xf32> to vector<48x128xf32>
          %max3A_933 = arith.maximumf %max3A_932, %get3A_931 : vector<48x128xf32>
          %sub3A_934 = arith.subf %min3A_928, %max3A_933 : vector<48x128xf32>
          %jit3A_935 = arith.constant 0.000000e+00 : f32
          %max3A_936 = vector.broadcast %jit3A_935 : f32 to vector<48x128xf32>
          %max3A_937 = arith.maximumf %max3A_936, %sub3A_934 : vector<48x128xf32>
          %get3A_938 = arith.constant 0 : index
          %get3A_939 = arith.constant 0 : index
          %get3A_940 = vector.load %arg3[%get3A_938, %get3A_939] : memref<48x128xf32, #tpu.memory_space<vmem>>, vector<48x128xf32>
          %min3A_941 = vector.broadcast %slice3A_882 : vector<1x1xf32> to vector<48x128xf32>
          %min3A_942 = arith.minimumf %min3A_941, %get3A_940 : vector<48x128xf32>
          %get3A_943 = arith.constant 0 : index
          %get3A_944 = arith.constant 0 : index
          %get3A_945 = vector.load %arg1[%get3A_943, %get3A_944] : memref<48x128xf32, #tpu.memory_space<vmem>>, vector<48x128xf32>
          %max3A_946 = vector.broadcast %slice3A_880 : vector<1x1xf32> to vector<48x128xf32>
          %max3A_947 = arith.maximumf %max3A_946, %get3A_945 : vector<48x128xf32>
          %sub3A_948 = arith.subf %min3A_942, %max3A_947 : vector<48x128xf32>
          %jit3A_949 = arith.constant 0.000000e+00 : f32
          %max3A_950 = vector.broadcast %jit3A_949 : f32 to vector<48x128xf32>
          %max3A_951 = arith.maximumf %max3A_950, %sub3A_948 : vector<48x128xf32>
          %mul3A_952 = arith.mulf %max3A_937, %max3A_951 : vector<48x128xf32>
          %add3A_953 = vector.broadcast %mul3A_885 : vector<1x1xf32> to vector<48x128xf32>
          %add3A_954 = arith.addf %add3A_953, %mul3A_19 : vector<48x128xf32>
          %sub3A_955 = arith.subf %add3A_954, %mul3A_952 : vector<48x128xf32>
          %add3A_956 = arith.constant 9.99999971E-10 : f32
          %add3A_957 = vector.broadcast %add3A_956 : f32 to vector<48x128xf32>
          %add3A_958 = arith.addf %sub3A_955, %add3A_957 : vector<48x128xf32>
          %div3A_959 = arith.divf %mul3A_952, %add3A_958 : vector<48x128xf32>
          %gt3A_960 = arith.constant 0.699999988 : f32
          %gt3A_961 = vector.broadcast %gt3A_960 : f32 to vector<48x128xf32>
          %gt3A_962 = arith.cmpf ogt, %div3A_959, %gt3A_961 : vector<48x128xf32>
          %gt3A_963 = vector.broadcast %add3A_866 : i32 to vector<48x128xi32>
          %gt3A_964 = arith.cmpi sgt, %add3A, %gt3A_963 : vector<48x128xi32>
          %and3A_965 = arith.andi %gt3A_962, %gt3A_964 : vector<48x128xi1>
          %convert_element_type3A_966 = arith.extui %and3A_965 : vector<48x128xi1> to vector<48x128xi32>
          %convert_element_type3A_967 = arith.sitofp %convert_element_type3A_966 : vector<48x128xi32> to vector<48x128xf32>
          %mul3A_968 = vector.broadcast %broadcast_in_dim3A_878 : vector<1x1xf32> to vector<48x128xf32>
          %mul3A_969 = arith.mulf %convert_element_type3A_967, %mul3A_968 : vector<48x128xf32>
          %max3A_970 = arith.maximumf %max3A_862, %mul3A_969 : vector<48x128xf32>
          %mul3A_971 = arith.constant 16 : i32
          %mul3A_972 = arith.muli %add3A_93, %mul3A_971 : i32
          %add3A_973 = arith.constant 8 : i32
          %add3A_974 = arith.addi %mul3A_972, %add3A_973 : i32
          %mul3A_975 = arith.constant 16 : i32
          %mul3A_976 = arith.muli %while3A_88, %mul3A_975 : i32
          %add3A_977 = arith.constant 8 : i32
          %add3A_978 = arith.addi %mul3A_976, %add3A_977 : i32
          %eq3A_979 = vector.broadcast %add3A_978 : i32 to vector<1x128xi32>
          %eq3A_980 = arith.cmpi eq, %iota3A, %eq3A_979 : vector<1x128xi32>
          %convert_element_type3A_981 = arith.extui %eq3A_980 : vector<1x128xi1> to vector<1x128xi32>
          %convert_element_type3A_982 = arith.sitofp %convert_element_type3A_981 : vector<1x128xi32> to vector<1x128xf32>
          %mul3A_983 = arith.mulf %mul3A_923, %convert_element_type3A_982 : vector<1x128xf32>
          %reduce_sum3A_984 = arith.constant dense<0.000000e+00> : vector<1xf32>
          %reduce_sum3A_985 = vector.multi_reduction <add>, %mul3A_983, %reduce_sum3A_984 [1] : vector<1x128xf32> to vector<1xf32>
          %broadcast_in_dim3A_986 = vector.shape_cast %reduce_sum3A_985 : vector<1xf32> to vector<1x1xf32>
          %slice3A_987 = vector.extract_strided_slice %reshape3A {offsets = [8, 0], sizes = [1, 1], strides = [1, 1]} : vector<16x1xf32> to vector<1x1xf32>
          %slice3A_988 = vector.extract_strided_slice %reshape3A_102 {offsets = [8, 0], sizes = [1, 1], strides = [1, 1]} : vector<16x1xf32> to vector<1x1xf32>
          %slice3A_989 = vector.extract_strided_slice %reshape3A_107 {offsets = [8, 0], sizes = [1, 1], strides = [1, 1]} : vector<16x1xf32> to vector<1x1xf32>
          %slice3A_990 = vector.extract_strided_slice %reshape3A_112 {offsets = [8, 0], sizes = [1, 1], strides = [1, 1]} : vector<16x1xf32> to vector<1x1xf32>
          %sub3A_991 = arith.subf %slice3A_989, %slice3A_987 : vector<1x1xf32>
          %sub3A_992 = arith.subf %slice3A_990, %slice3A_988 : vector<1x1xf32>
          %mul3A_993 = arith.mulf %sub3A_991, %sub3A_992 : vector<1x1xf32>
          %min3A_994 = vector.broadcast %slice3A_989 : vector<1x1xf32> to vector<1x128xf32>
          %min3A_995 = arith.minimumf %min3A_994, %get3A_39 : vector<1x128xf32>
          %max3A_996 = vector.broadcast %slice3A_987 : vector<1x1xf32> to vector<1x128xf32>
          %max3A_997 = arith.maximumf %max3A_996, %get3A_33 : vector<1x128xf32>
          %sub3A_998 = arith.subf %min3A_995, %max3A_997 : vector<1x128xf32>
          %jit3A_999 = arith.constant 0.000000e+00 : f32
          %max3A_1000 = vector.broadcast %jit3A_999 : f32 to vector<1x128xf32>
          %max3A_1001 = arith.maximumf %max3A_1000, %sub3A_998 : vector<1x128xf32>
          %min3A_1002 = vector.broadcast %slice3A_990 : vector<1x1xf32> to vector<1x128xf32>
          %min3A_1003 = arith.minimumf %min3A_1002, %get3A_42 : vector<1x128xf32>
          %max3A_1004 = vector.broadcast %slice3A_988 : vector<1x1xf32> to vector<1x128xf32>
          %max3A_1005 = arith.maximumf %max3A_1004, %get3A_36 : vector<1x128xf32>
          %sub3A_1006 = arith.subf %min3A_1003, %max3A_1005 : vector<1x128xf32>
          %jit3A_1007 = arith.constant 0.000000e+00 : f32
          %max3A_1008 = vector.broadcast %jit3A_1007 : f32 to vector<1x128xf32>
          %max3A_1009 = arith.maximumf %max3A_1008, %sub3A_1006 : vector<1x128xf32>
          %mul3A_1010 = arith.mulf %max3A_1001, %max3A_1009 : vector<1x128xf32>
          %add3A_1011 = vector.broadcast %mul3A_993 : vector<1x1xf32> to vector<1x128xf32>
          %add3A_1012 = arith.addf %add3A_1011, %mul3A_45 : vector<1x128xf32>
          %sub3A_1013 = arith.subf %add3A_1012, %mul3A_1010 : vector<1x128xf32>
          %add3A_1014 = arith.constant 9.99999971E-10 : f32
          %add3A_1015 = vector.broadcast %add3A_1014 : f32 to vector<1x128xf32>
          %add3A_1016 = arith.addf %sub3A_1013, %add3A_1015 : vector<1x128xf32>
          %div3A_1017 = arith.divf %mul3A_1010, %add3A_1016 : vector<1x128xf32>
          %gt3A_1018 = arith.constant 0.699999988 : f32
          %gt3A_1019 = vector.broadcast %gt3A_1018 : f32 to vector<1x128xf32>
          %gt3A_1020 = arith.cmpf ogt, %div3A_1017, %gt3A_1019 : vector<1x128xf32>
          %gt3A_1021 = vector.broadcast %add3A_978 : i32 to vector<1x128xi32>
          %gt3A_1022 = arith.cmpi sgt, %iota3A, %gt3A_1021 : vector<1x128xi32>
          %and3A_1023 = arith.andi %gt3A_1020, %gt3A_1022 : vector<1x128xi1>
          %convert_element_type3A_1024 = arith.extui %and3A_1023 : vector<1x128xi1> to vector<1x128xi32>
          %convert_element_type3A_1025 = arith.sitofp %convert_element_type3A_1024 : vector<1x128xi32> to vector<1x128xf32>
          %mul3A_1026 = vector.broadcast %broadcast_in_dim3A_986 : vector<1x1xf32> to vector<1x128xf32>
          %mul3A_1027 = arith.mulf %convert_element_type3A_1025, %mul3A_1026 : vector<1x128xf32>
          %sub3A_1028 = arith.constant 1.000000e+00 : f32
          %sub3A_1029 = vector.broadcast %sub3A_1028 : f32 to vector<1x128xf32>
          %sub3A_1030 = arith.subf %sub3A_1029, %mul3A_1027 : vector<1x128xf32>
          %mul3A_1031 = arith.mulf %mul3A_923, %sub3A_1030 : vector<1x128xf32>
          %get3A_1032 = arith.constant 0 : index
          %get3A_1033 = arith.constant 0 : index
          %get3A_1034 = vector.load %arg2[%get3A_1032, %get3A_1033] : memref<48x128xf32, #tpu.memory_space<vmem>>, vector<48x128xf32>
          %min3A_1035 = vector.broadcast %slice3A_989 : vector<1x1xf32> to vector<48x128xf32>
          %min3A_1036 = arith.minimumf %min3A_1035, %get3A_1034 : vector<48x128xf32>
          %get3A_1037 = arith.constant 0 : index
          %get3A_1038 = arith.constant 0 : index
          %get3A_1039 = vector.load %arg0[%get3A_1037, %get3A_1038] : memref<48x128xf32, #tpu.memory_space<vmem>>, vector<48x128xf32>
          %max3A_1040 = vector.broadcast %slice3A_987 : vector<1x1xf32> to vector<48x128xf32>
          %max3A_1041 = arith.maximumf %max3A_1040, %get3A_1039 : vector<48x128xf32>
          %sub3A_1042 = arith.subf %min3A_1036, %max3A_1041 : vector<48x128xf32>
          %jit3A_1043 = arith.constant 0.000000e+00 : f32
          %max3A_1044 = vector.broadcast %jit3A_1043 : f32 to vector<48x128xf32>
          %max3A_1045 = arith.maximumf %max3A_1044, %sub3A_1042 : vector<48x128xf32>
          %get3A_1046 = arith.constant 0 : index
          %get3A_1047 = arith.constant 0 : index
          %get3A_1048 = vector.load %arg3[%get3A_1046, %get3A_1047] : memref<48x128xf32, #tpu.memory_space<vmem>>, vector<48x128xf32>
          %min3A_1049 = vector.broadcast %slice3A_990 : vector<1x1xf32> to vector<48x128xf32>
          %min3A_1050 = arith.minimumf %min3A_1049, %get3A_1048 : vector<48x128xf32>
          %get3A_1051 = arith.constant 0 : index
          %get3A_1052 = arith.constant 0 : index
          %get3A_1053 = vector.load %arg1[%get3A_1051, %get3A_1052] : memref<48x128xf32, #tpu.memory_space<vmem>>, vector<48x128xf32>
          %max3A_1054 = vector.broadcast %slice3A_988 : vector<1x1xf32> to vector<48x128xf32>
          %max3A_1055 = arith.maximumf %max3A_1054, %get3A_1053 : vector<48x128xf32>
          %sub3A_1056 = arith.subf %min3A_1050, %max3A_1055 : vector<48x128xf32>
          %jit3A_1057 = arith.constant 0.000000e+00 : f32
          %max3A_1058 = vector.broadcast %jit3A_1057 : f32 to vector<48x128xf32>
          %max3A_1059 = arith.maximumf %max3A_1058, %sub3A_1056 : vector<48x128xf32>
          %mul3A_1060 = arith.mulf %max3A_1045, %max3A_1059 : vector<48x128xf32>
          %add3A_1061 = vector.broadcast %mul3A_993 : vector<1x1xf32> to vector<48x128xf32>
          %add3A_1062 = arith.addf %add3A_1061, %mul3A_19 : vector<48x128xf32>
          %sub3A_1063 = arith.subf %add3A_1062, %mul3A_1060 : vector<48x128xf32>
          %add3A_1064 = arith.constant 9.99999971E-10 : f32
          %add3A_1065 = vector.broadcast %add3A_1064 : f32 to vector<48x128xf32>
          %add3A_1066 = arith.addf %sub3A_1063, %add3A_1065 : vector<48x128xf32>
          %div3A_1067 = arith.divf %mul3A_1060, %add3A_1066 : vector<48x128xf32>
          %gt3A_1068 = arith.constant 0.699999988 : f32
          %gt3A_1069 = vector.broadcast %gt3A_1068 : f32 to vector<48x128xf32>
          %gt3A_1070 = arith.cmpf ogt, %div3A_1067, %gt3A_1069 : vector<48x128xf32>
          %gt3A_1071 = vector.broadcast %add3A_974 : i32 to vector<48x128xi32>
          %gt3A_1072 = arith.cmpi sgt, %add3A, %gt3A_1071 : vector<48x128xi32>
          %and3A_1073 = arith.andi %gt3A_1070, %gt3A_1072 : vector<48x128xi1>
          %convert_element_type3A_1074 = arith.extui %and3A_1073 : vector<48x128xi1> to vector<48x128xi32>
          %convert_element_type3A_1075 = arith.sitofp %convert_element_type3A_1074 : vector<48x128xi32> to vector<48x128xf32>
          %mul3A_1076 = vector.broadcast %broadcast_in_dim3A_986 : vector<1x1xf32> to vector<48x128xf32>
          %mul3A_1077 = arith.mulf %convert_element_type3A_1075, %mul3A_1076 : vector<48x128xf32>
          %max3A_1078 = arith.maximumf %max3A_970, %mul3A_1077 : vector<48x128xf32>
          %mul3A_1079 = arith.constant 16 : i32
          %mul3A_1080 = arith.muli %add3A_93, %mul3A_1079 : i32
          %add3A_1081 = arith.constant 9 : i32
          %add3A_1082 = arith.addi %mul3A_1080, %add3A_1081 : i32
          %mul3A_1083 = arith.constant 16 : i32
          %mul3A_1084 = arith.muli %while3A_88, %mul3A_1083 : i32
          %add3A_1085 = arith.constant 9 : i32
          %add3A_1086 = arith.addi %mul3A_1084, %add3A_1085 : i32
          %eq3A_1087 = vector.broadcast %add3A_1086 : i32 to vector<1x128xi32>
          %eq3A_1088 = arith.cmpi eq, %iota3A, %eq3A_1087 : vector<1x128xi32>
          %convert_element_type3A_1089 = arith.extui %eq3A_1088 : vector<1x128xi1> to vector<1x128xi32>
          %convert_element_type3A_1090 = arith.sitofp %convert_element_type3A_1089 : vector<1x128xi32> to vector<1x128xf32>
          %mul3A_1091 = arith.mulf %mul3A_1031, %convert_element_type3A_1090 : vector<1x128xf32>
          %reduce_sum3A_1092 = arith.constant dense<0.000000e+00> : vector<1xf32>
          %reduce_sum3A_1093 = vector.multi_reduction <add>, %mul3A_1091, %reduce_sum3A_1092 [1] : vector<1x128xf32> to vector<1xf32>
          %broadcast_in_dim3A_1094 = vector.shape_cast %reduce_sum3A_1093 : vector<1xf32> to vector<1x1xf32>
          %slice3A_1095 = vector.extract_strided_slice %reshape3A {offsets = [9, 0], sizes = [1, 1], strides = [1, 1]} : vector<16x1xf32> to vector<1x1xf32>
          %slice3A_1096 = vector.extract_strided_slice %reshape3A_102 {offsets = [9, 0], sizes = [1, 1], strides = [1, 1]} : vector<16x1xf32> to vector<1x1xf32>
          %slice3A_1097 = vector.extract_strided_slice %reshape3A_107 {offsets = [9, 0], sizes = [1, 1], strides = [1, 1]} : vector<16x1xf32> to vector<1x1xf32>
          %slice3A_1098 = vector.extract_strided_slice %reshape3A_112 {offsets = [9, 0], sizes = [1, 1], strides = [1, 1]} : vector<16x1xf32> to vector<1x1xf32>
          %sub3A_1099 = arith.subf %slice3A_1097, %slice3A_1095 : vector<1x1xf32>
          %sub3A_1100 = arith.subf %slice3A_1098, %slice3A_1096 : vector<1x1xf32>
          %mul3A_1101 = arith.mulf %sub3A_1099, %sub3A_1100 : vector<1x1xf32>
          %min3A_1102 = vector.broadcast %slice3A_1097 : vector<1x1xf32> to vector<1x128xf32>
          %min3A_1103 = arith.minimumf %min3A_1102, %get3A_39 : vector<1x128xf32>
          %max3A_1104 = vector.broadcast %slice3A_1095 : vector<1x1xf32> to vector<1x128xf32>
          %max3A_1105 = arith.maximumf %max3A_1104, %get3A_33 : vector<1x128xf32>
          %sub3A_1106 = arith.subf %min3A_1103, %max3A_1105 : vector<1x128xf32>
          %jit3A_1107 = arith.constant 0.000000e+00 : f32
          %max3A_1108 = vector.broadcast %jit3A_1107 : f32 to vector<1x128xf32>
          %max3A_1109 = arith.maximumf %max3A_1108, %sub3A_1106 : vector<1x128xf32>
          %min3A_1110 = vector.broadcast %slice3A_1098 : vector<1x1xf32> to vector<1x128xf32>
          %min3A_1111 = arith.minimumf %min3A_1110, %get3A_42 : vector<1x128xf32>
          %max3A_1112 = vector.broadcast %slice3A_1096 : vector<1x1xf32> to vector<1x128xf32>
          %max3A_1113 = arith.maximumf %max3A_1112, %get3A_36 : vector<1x128xf32>
          %sub3A_1114 = arith.subf %min3A_1111, %max3A_1113 : vector<1x128xf32>
          %jit3A_1115 = arith.constant 0.000000e+00 : f32
          %max3A_1116 = vector.broadcast %jit3A_1115 : f32 to vector<1x128xf32>
          %max3A_1117 = arith.maximumf %max3A_1116, %sub3A_1114 : vector<1x128xf32>
          %mul3A_1118 = arith.mulf %max3A_1109, %max3A_1117 : vector<1x128xf32>
          %add3A_1119 = vector.broadcast %mul3A_1101 : vector<1x1xf32> to vector<1x128xf32>
          %add3A_1120 = arith.addf %add3A_1119, %mul3A_45 : vector<1x128xf32>
          %sub3A_1121 = arith.subf %add3A_1120, %mul3A_1118 : vector<1x128xf32>
          %add3A_1122 = arith.constant 9.99999971E-10 : f32
          %add3A_1123 = vector.broadcast %add3A_1122 : f32 to vector<1x128xf32>
          %add3A_1124 = arith.addf %sub3A_1121, %add3A_1123 : vector<1x128xf32>
          %div3A_1125 = arith.divf %mul3A_1118, %add3A_1124 : vector<1x128xf32>
          %gt3A_1126 = arith.constant 0.699999988 : f32
          %gt3A_1127 = vector.broadcast %gt3A_1126 : f32 to vector<1x128xf32>
          %gt3A_1128 = arith.cmpf ogt, %div3A_1125, %gt3A_1127 : vector<1x128xf32>
          %gt3A_1129 = vector.broadcast %add3A_1086 : i32 to vector<1x128xi32>
          %gt3A_1130 = arith.cmpi sgt, %iota3A, %gt3A_1129 : vector<1x128xi32>
          %and3A_1131 = arith.andi %gt3A_1128, %gt3A_1130 : vector<1x128xi1>
          %convert_element_type3A_1132 = arith.extui %and3A_1131 : vector<1x128xi1> to vector<1x128xi32>
          %convert_element_type3A_1133 = arith.sitofp %convert_element_type3A_1132 : vector<1x128xi32> to vector<1x128xf32>
          %mul3A_1134 = vector.broadcast %broadcast_in_dim3A_1094 : vector<1x1xf32> to vector<1x128xf32>
          %mul3A_1135 = arith.mulf %convert_element_type3A_1133, %mul3A_1134 : vector<1x128xf32>
          %sub3A_1136 = arith.constant 1.000000e+00 : f32
          %sub3A_1137 = vector.broadcast %sub3A_1136 : f32 to vector<1x128xf32>
          %sub3A_1138 = arith.subf %sub3A_1137, %mul3A_1135 : vector<1x128xf32>
          %mul3A_1139 = arith.mulf %mul3A_1031, %sub3A_1138 : vector<1x128xf32>
          %get3A_1140 = arith.constant 0 : index
          %get3A_1141 = arith.constant 0 : index
          %get3A_1142 = vector.load %arg2[%get3A_1140, %get3A_1141] : memref<48x128xf32, #tpu.memory_space<vmem>>, vector<48x128xf32>
          %min3A_1143 = vector.broadcast %slice3A_1097 : vector<1x1xf32> to vector<48x128xf32>
          %min3A_1144 = arith.minimumf %min3A_1143, %get3A_1142 : vector<48x128xf32>
          %get3A_1145 = arith.constant 0 : index
          %get3A_1146 = arith.constant 0 : index
          %get3A_1147 = vector.load %arg0[%get3A_1145, %get3A_1146] : memref<48x128xf32, #tpu.memory_space<vmem>>, vector<48x128xf32>
          %max3A_1148 = vector.broadcast %slice3A_1095 : vector<1x1xf32> to vector<48x128xf32>
          %max3A_1149 = arith.maximumf %max3A_1148, %get3A_1147 : vector<48x128xf32>
          %sub3A_1150 = arith.subf %min3A_1144, %max3A_1149 : vector<48x128xf32>
          %jit3A_1151 = arith.constant 0.000000e+00 : f32
          %max3A_1152 = vector.broadcast %jit3A_1151 : f32 to vector<48x128xf32>
          %max3A_1153 = arith.maximumf %max3A_1152, %sub3A_1150 : vector<48x128xf32>
          %get3A_1154 = arith.constant 0 : index
          %get3A_1155 = arith.constant 0 : index
          %get3A_1156 = vector.load %arg3[%get3A_1154, %get3A_1155] : memref<48x128xf32, #tpu.memory_space<vmem>>, vector<48x128xf32>
          %min3A_1157 = vector.broadcast %slice3A_1098 : vector<1x1xf32> to vector<48x128xf32>
          %min3A_1158 = arith.minimumf %min3A_1157, %get3A_1156 : vector<48x128xf32>
          %get3A_1159 = arith.constant 0 : index
          %get3A_1160 = arith.constant 0 : index
          %get3A_1161 = vector.load %arg1[%get3A_1159, %get3A_1160] : memref<48x128xf32, #tpu.memory_space<vmem>>, vector<48x128xf32>
          %max3A_1162 = vector.broadcast %slice3A_1096 : vector<1x1xf32> to vector<48x128xf32>
          %max3A_1163 = arith.maximumf %max3A_1162, %get3A_1161 : vector<48x128xf32>
          %sub3A_1164 = arith.subf %min3A_1158, %max3A_1163 : vector<48x128xf32>
          %jit3A_1165 = arith.constant 0.000000e+00 : f32
          %max3A_1166 = vector.broadcast %jit3A_1165 : f32 to vector<48x128xf32>
          %max3A_1167 = arith.maximumf %max3A_1166, %sub3A_1164 : vector<48x128xf32>
          %mul3A_1168 = arith.mulf %max3A_1153, %max3A_1167 : vector<48x128xf32>
          %add3A_1169 = vector.broadcast %mul3A_1101 : vector<1x1xf32> to vector<48x128xf32>
          %add3A_1170 = arith.addf %add3A_1169, %mul3A_19 : vector<48x128xf32>
          %sub3A_1171 = arith.subf %add3A_1170, %mul3A_1168 : vector<48x128xf32>
          %add3A_1172 = arith.constant 9.99999971E-10 : f32
          %add3A_1173 = vector.broadcast %add3A_1172 : f32 to vector<48x128xf32>
          %add3A_1174 = arith.addf %sub3A_1171, %add3A_1173 : vector<48x128xf32>
          %div3A_1175 = arith.divf %mul3A_1168, %add3A_1174 : vector<48x128xf32>
          %gt3A_1176 = arith.constant 0.699999988 : f32
          %gt3A_1177 = vector.broadcast %gt3A_1176 : f32 to vector<48x128xf32>
          %gt3A_1178 = arith.cmpf ogt, %div3A_1175, %gt3A_1177 : vector<48x128xf32>
          %gt3A_1179 = vector.broadcast %add3A_1082 : i32 to vector<48x128xi32>
          %gt3A_1180 = arith.cmpi sgt, %add3A, %gt3A_1179 : vector<48x128xi32>
          %and3A_1181 = arith.andi %gt3A_1178, %gt3A_1180 : vector<48x128xi1>
          %convert_element_type3A_1182 = arith.extui %and3A_1181 : vector<48x128xi1> to vector<48x128xi32>
          %convert_element_type3A_1183 = arith.sitofp %convert_element_type3A_1182 : vector<48x128xi32> to vector<48x128xf32>
          %mul3A_1184 = vector.broadcast %broadcast_in_dim3A_1094 : vector<1x1xf32> to vector<48x128xf32>
          %mul3A_1185 = arith.mulf %convert_element_type3A_1183, %mul3A_1184 : vector<48x128xf32>
          %max3A_1186 = arith.maximumf %max3A_1078, %mul3A_1185 : vector<48x128xf32>
          %mul3A_1187 = arith.constant 16 : i32
          %mul3A_1188 = arith.muli %add3A_93, %mul3A_1187 : i32
          %add3A_1189 = arith.constant 10 : i32
          %add3A_1190 = arith.addi %mul3A_1188, %add3A_1189 : i32
          %mul3A_1191 = arith.constant 16 : i32
          %mul3A_1192 = arith.muli %while3A_88, %mul3A_1191 : i32
          %add3A_1193 = arith.constant 10 : i32
          %add3A_1194 = arith.addi %mul3A_1192, %add3A_1193 : i32
          %eq3A_1195 = vector.broadcast %add3A_1194 : i32 to vector<1x128xi32>
          %eq3A_1196 = arith.cmpi eq, %iota3A, %eq3A_1195 : vector<1x128xi32>
          %convert_element_type3A_1197 = arith.extui %eq3A_1196 : vector<1x128xi1> to vector<1x128xi32>
          %convert_element_type3A_1198 = arith.sitofp %convert_element_type3A_1197 : vector<1x128xi32> to vector<1x128xf32>
          %mul3A_1199 = arith.mulf %mul3A_1139, %convert_element_type3A_1198 : vector<1x128xf32>
          %reduce_sum3A_1200 = arith.constant dense<0.000000e+00> : vector<1xf32>
          %reduce_sum3A_1201 = vector.multi_reduction <add>, %mul3A_1199, %reduce_sum3A_1200 [1] : vector<1x128xf32> to vector<1xf32>
          %broadcast_in_dim3A_1202 = vector.shape_cast %reduce_sum3A_1201 : vector<1xf32> to vector<1x1xf32>
          %slice3A_1203 = vector.extract_strided_slice %reshape3A {offsets = [10, 0], sizes = [1, 1], strides = [1, 1]} : vector<16x1xf32> to vector<1x1xf32>
          %slice3A_1204 = vector.extract_strided_slice %reshape3A_102 {offsets = [10, 0], sizes = [1, 1], strides = [1, 1]} : vector<16x1xf32> to vector<1x1xf32>
          %slice3A_1205 = vector.extract_strided_slice %reshape3A_107 {offsets = [10, 0], sizes = [1, 1], strides = [1, 1]} : vector<16x1xf32> to vector<1x1xf32>
          %slice3A_1206 = vector.extract_strided_slice %reshape3A_112 {offsets = [10, 0], sizes = [1, 1], strides = [1, 1]} : vector<16x1xf32> to vector<1x1xf32>
          %sub3A_1207 = arith.subf %slice3A_1205, %slice3A_1203 : vector<1x1xf32>
          %sub3A_1208 = arith.subf %slice3A_1206, %slice3A_1204 : vector<1x1xf32>
          %mul3A_1209 = arith.mulf %sub3A_1207, %sub3A_1208 : vector<1x1xf32>
          %min3A_1210 = vector.broadcast %slice3A_1205 : vector<1x1xf32> to vector<1x128xf32>
          %min3A_1211 = arith.minimumf %min3A_1210, %get3A_39 : vector<1x128xf32>
          %max3A_1212 = vector.broadcast %slice3A_1203 : vector<1x1xf32> to vector<1x128xf32>
          %max3A_1213 = arith.maximumf %max3A_1212, %get3A_33 : vector<1x128xf32>
          %sub3A_1214 = arith.subf %min3A_1211, %max3A_1213 : vector<1x128xf32>
          %jit3A_1215 = arith.constant 0.000000e+00 : f32
          %max3A_1216 = vector.broadcast %jit3A_1215 : f32 to vector<1x128xf32>
          %max3A_1217 = arith.maximumf %max3A_1216, %sub3A_1214 : vector<1x128xf32>
          %min3A_1218 = vector.broadcast %slice3A_1206 : vector<1x1xf32> to vector<1x128xf32>
          %min3A_1219 = arith.minimumf %min3A_1218, %get3A_42 : vector<1x128xf32>
          %max3A_1220 = vector.broadcast %slice3A_1204 : vector<1x1xf32> to vector<1x128xf32>
          %max3A_1221 = arith.maximumf %max3A_1220, %get3A_36 : vector<1x128xf32>
          %sub3A_1222 = arith.subf %min3A_1219, %max3A_1221 : vector<1x128xf32>
          %jit3A_1223 = arith.constant 0.000000e+00 : f32
          %max3A_1224 = vector.broadcast %jit3A_1223 : f32 to vector<1x128xf32>
          %max3A_1225 = arith.maximumf %max3A_1224, %sub3A_1222 : vector<1x128xf32>
          %mul3A_1226 = arith.mulf %max3A_1217, %max3A_1225 : vector<1x128xf32>
          %add3A_1227 = vector.broadcast %mul3A_1209 : vector<1x1xf32> to vector<1x128xf32>
          %add3A_1228 = arith.addf %add3A_1227, %mul3A_45 : vector<1x128xf32>
          %sub3A_1229 = arith.subf %add3A_1228, %mul3A_1226 : vector<1x128xf32>
          %add3A_1230 = arith.constant 9.99999971E-10 : f32
          %add3A_1231 = vector.broadcast %add3A_1230 : f32 to vector<1x128xf32>
          %add3A_1232 = arith.addf %sub3A_1229, %add3A_1231 : vector<1x128xf32>
          %div3A_1233 = arith.divf %mul3A_1226, %add3A_1232 : vector<1x128xf32>
          %gt3A_1234 = arith.constant 0.699999988 : f32
          %gt3A_1235 = vector.broadcast %gt3A_1234 : f32 to vector<1x128xf32>
          %gt3A_1236 = arith.cmpf ogt, %div3A_1233, %gt3A_1235 : vector<1x128xf32>
          %gt3A_1237 = vector.broadcast %add3A_1194 : i32 to vector<1x128xi32>
          %gt3A_1238 = arith.cmpi sgt, %iota3A, %gt3A_1237 : vector<1x128xi32>
          %and3A_1239 = arith.andi %gt3A_1236, %gt3A_1238 : vector<1x128xi1>
          %convert_element_type3A_1240 = arith.extui %and3A_1239 : vector<1x128xi1> to vector<1x128xi32>
          %convert_element_type3A_1241 = arith.sitofp %convert_element_type3A_1240 : vector<1x128xi32> to vector<1x128xf32>
          %mul3A_1242 = vector.broadcast %broadcast_in_dim3A_1202 : vector<1x1xf32> to vector<1x128xf32>
          %mul3A_1243 = arith.mulf %convert_element_type3A_1241, %mul3A_1242 : vector<1x128xf32>
          %sub3A_1244 = arith.constant 1.000000e+00 : f32
          %sub3A_1245 = vector.broadcast %sub3A_1244 : f32 to vector<1x128xf32>
          %sub3A_1246 = arith.subf %sub3A_1245, %mul3A_1243 : vector<1x128xf32>
          %mul3A_1247 = arith.mulf %mul3A_1139, %sub3A_1246 : vector<1x128xf32>
          %get3A_1248 = arith.constant 0 : index
          %get3A_1249 = arith.constant 0 : index
          %get3A_1250 = vector.load %arg2[%get3A_1248, %get3A_1249] : memref<48x128xf32, #tpu.memory_space<vmem>>, vector<48x128xf32>
          %min3A_1251 = vector.broadcast %slice3A_1205 : vector<1x1xf32> to vector<48x128xf32>
          %min3A_1252 = arith.minimumf %min3A_1251, %get3A_1250 : vector<48x128xf32>
          %get3A_1253 = arith.constant 0 : index
          %get3A_1254 = arith.constant 0 : index
          %get3A_1255 = vector.load %arg0[%get3A_1253, %get3A_1254] : memref<48x128xf32, #tpu.memory_space<vmem>>, vector<48x128xf32>
          %max3A_1256 = vector.broadcast %slice3A_1203 : vector<1x1xf32> to vector<48x128xf32>
          %max3A_1257 = arith.maximumf %max3A_1256, %get3A_1255 : vector<48x128xf32>
          %sub3A_1258 = arith.subf %min3A_1252, %max3A_1257 : vector<48x128xf32>
          %jit3A_1259 = arith.constant 0.000000e+00 : f32
          %max3A_1260 = vector.broadcast %jit3A_1259 : f32 to vector<48x128xf32>
          %max3A_1261 = arith.maximumf %max3A_1260, %sub3A_1258 : vector<48x128xf32>
          %get3A_1262 = arith.constant 0 : index
          %get3A_1263 = arith.constant 0 : index
          %get3A_1264 = vector.load %arg3[%get3A_1262, %get3A_1263] : memref<48x128xf32, #tpu.memory_space<vmem>>, vector<48x128xf32>
          %min3A_1265 = vector.broadcast %slice3A_1206 : vector<1x1xf32> to vector<48x128xf32>
          %min3A_1266 = arith.minimumf %min3A_1265, %get3A_1264 : vector<48x128xf32>
          %get3A_1267 = arith.constant 0 : index
          %get3A_1268 = arith.constant 0 : index
          %get3A_1269 = vector.load %arg1[%get3A_1267, %get3A_1268] : memref<48x128xf32, #tpu.memory_space<vmem>>, vector<48x128xf32>
          %max3A_1270 = vector.broadcast %slice3A_1204 : vector<1x1xf32> to vector<48x128xf32>
          %max3A_1271 = arith.maximumf %max3A_1270, %get3A_1269 : vector<48x128xf32>
          %sub3A_1272 = arith.subf %min3A_1266, %max3A_1271 : vector<48x128xf32>
          %jit3A_1273 = arith.constant 0.000000e+00 : f32
          %max3A_1274 = vector.broadcast %jit3A_1273 : f32 to vector<48x128xf32>
          %max3A_1275 = arith.maximumf %max3A_1274, %sub3A_1272 : vector<48x128xf32>
          %mul3A_1276 = arith.mulf %max3A_1261, %max3A_1275 : vector<48x128xf32>
          %add3A_1277 = vector.broadcast %mul3A_1209 : vector<1x1xf32> to vector<48x128xf32>
          %add3A_1278 = arith.addf %add3A_1277, %mul3A_19 : vector<48x128xf32>
          %sub3A_1279 = arith.subf %add3A_1278, %mul3A_1276 : vector<48x128xf32>
          %add3A_1280 = arith.constant 9.99999971E-10 : f32
          %add3A_1281 = vector.broadcast %add3A_1280 : f32 to vector<48x128xf32>
          %add3A_1282 = arith.addf %sub3A_1279, %add3A_1281 : vector<48x128xf32>
          %div3A_1283 = arith.divf %mul3A_1276, %add3A_1282 : vector<48x128xf32>
          %gt3A_1284 = arith.constant 0.699999988 : f32
          %gt3A_1285 = vector.broadcast %gt3A_1284 : f32 to vector<48x128xf32>
          %gt3A_1286 = arith.cmpf ogt, %div3A_1283, %gt3A_1285 : vector<48x128xf32>
          %gt3A_1287 = vector.broadcast %add3A_1190 : i32 to vector<48x128xi32>
          %gt3A_1288 = arith.cmpi sgt, %add3A, %gt3A_1287 : vector<48x128xi32>
          %and3A_1289 = arith.andi %gt3A_1286, %gt3A_1288 : vector<48x128xi1>
          %convert_element_type3A_1290 = arith.extui %and3A_1289 : vector<48x128xi1> to vector<48x128xi32>
          %convert_element_type3A_1291 = arith.sitofp %convert_element_type3A_1290 : vector<48x128xi32> to vector<48x128xf32>
          %mul3A_1292 = vector.broadcast %broadcast_in_dim3A_1202 : vector<1x1xf32> to vector<48x128xf32>
          %mul3A_1293 = arith.mulf %convert_element_type3A_1291, %mul3A_1292 : vector<48x128xf32>
          %max3A_1294 = arith.maximumf %max3A_1186, %mul3A_1293 : vector<48x128xf32>
          %mul3A_1295 = arith.constant 16 : i32
          %mul3A_1296 = arith.muli %add3A_93, %mul3A_1295 : i32
          %add3A_1297 = arith.constant 11 : i32
          %add3A_1298 = arith.addi %mul3A_1296, %add3A_1297 : i32
          %mul3A_1299 = arith.constant 16 : i32
          %mul3A_1300 = arith.muli %while3A_88, %mul3A_1299 : i32
          %add3A_1301 = arith.constant 11 : i32
          %add3A_1302 = arith.addi %mul3A_1300, %add3A_1301 : i32
          %eq3A_1303 = vector.broadcast %add3A_1302 : i32 to vector<1x128xi32>
          %eq3A_1304 = arith.cmpi eq, %iota3A, %eq3A_1303 : vector<1x128xi32>
          %convert_element_type3A_1305 = arith.extui %eq3A_1304 : vector<1x128xi1> to vector<1x128xi32>
          %convert_element_type3A_1306 = arith.sitofp %convert_element_type3A_1305 : vector<1x128xi32> to vector<1x128xf32>
          %mul3A_1307 = arith.mulf %mul3A_1247, %convert_element_type3A_1306 : vector<1x128xf32>
          %reduce_sum3A_1308 = arith.constant dense<0.000000e+00> : vector<1xf32>
          %reduce_sum3A_1309 = vector.multi_reduction <add>, %mul3A_1307, %reduce_sum3A_1308 [1] : vector<1x128xf32> to vector<1xf32>
          %broadcast_in_dim3A_1310 = vector.shape_cast %reduce_sum3A_1309 : vector<1xf32> to vector<1x1xf32>
          %slice3A_1311 = vector.extract_strided_slice %reshape3A {offsets = [11, 0], sizes = [1, 1], strides = [1, 1]} : vector<16x1xf32> to vector<1x1xf32>
          %slice3A_1312 = vector.extract_strided_slice %reshape3A_102 {offsets = [11, 0], sizes = [1, 1], strides = [1, 1]} : vector<16x1xf32> to vector<1x1xf32>
          %slice3A_1313 = vector.extract_strided_slice %reshape3A_107 {offsets = [11, 0], sizes = [1, 1], strides = [1, 1]} : vector<16x1xf32> to vector<1x1xf32>
          %slice3A_1314 = vector.extract_strided_slice %reshape3A_112 {offsets = [11, 0], sizes = [1, 1], strides = [1, 1]} : vector<16x1xf32> to vector<1x1xf32>
          %sub3A_1315 = arith.subf %slice3A_1313, %slice3A_1311 : vector<1x1xf32>
          %sub3A_1316 = arith.subf %slice3A_1314, %slice3A_1312 : vector<1x1xf32>
          %mul3A_1317 = arith.mulf %sub3A_1315, %sub3A_1316 : vector<1x1xf32>
          %min3A_1318 = vector.broadcast %slice3A_1313 : vector<1x1xf32> to vector<1x128xf32>
          %min3A_1319 = arith.minimumf %min3A_1318, %get3A_39 : vector<1x128xf32>
          %max3A_1320 = vector.broadcast %slice3A_1311 : vector<1x1xf32> to vector<1x128xf32>
          %max3A_1321 = arith.maximumf %max3A_1320, %get3A_33 : vector<1x128xf32>
          %sub3A_1322 = arith.subf %min3A_1319, %max3A_1321 : vector<1x128xf32>
          %jit3A_1323 = arith.constant 0.000000e+00 : f32
          %max3A_1324 = vector.broadcast %jit3A_1323 : f32 to vector<1x128xf32>
          %max3A_1325 = arith.maximumf %max3A_1324, %sub3A_1322 : vector<1x128xf32>
          %min3A_1326 = vector.broadcast %slice3A_1314 : vector<1x1xf32> to vector<1x128xf32>
          %min3A_1327 = arith.minimumf %min3A_1326, %get3A_42 : vector<1x128xf32>
          %max3A_1328 = vector.broadcast %slice3A_1312 : vector<1x1xf32> to vector<1x128xf32>
          %max3A_1329 = arith.maximumf %max3A_1328, %get3A_36 : vector<1x128xf32>
          %sub3A_1330 = arith.subf %min3A_1327, %max3A_1329 : vector<1x128xf32>
          %jit3A_1331 = arith.constant 0.000000e+00 : f32
          %max3A_1332 = vector.broadcast %jit3A_1331 : f32 to vector<1x128xf32>
          %max3A_1333 = arith.maximumf %max3A_1332, %sub3A_1330 : vector<1x128xf32>
          %mul3A_1334 = arith.mulf %max3A_1325, %max3A_1333 : vector<1x128xf32>
          %add3A_1335 = vector.broadcast %mul3A_1317 : vector<1x1xf32> to vector<1x128xf32>
          %add3A_1336 = arith.addf %add3A_1335, %mul3A_45 : vector<1x128xf32>
          %sub3A_1337 = arith.subf %add3A_1336, %mul3A_1334 : vector<1x128xf32>
          %add3A_1338 = arith.constant 9.99999971E-10 : f32
          %add3A_1339 = vector.broadcast %add3A_1338 : f32 to vector<1x128xf32>
          %add3A_1340 = arith.addf %sub3A_1337, %add3A_1339 : vector<1x128xf32>
          %div3A_1341 = arith.divf %mul3A_1334, %add3A_1340 : vector<1x128xf32>
          %gt3A_1342 = arith.constant 0.699999988 : f32
          %gt3A_1343 = vector.broadcast %gt3A_1342 : f32 to vector<1x128xf32>
          %gt3A_1344 = arith.cmpf ogt, %div3A_1341, %gt3A_1343 : vector<1x128xf32>
          %gt3A_1345 = vector.broadcast %add3A_1302 : i32 to vector<1x128xi32>
          %gt3A_1346 = arith.cmpi sgt, %iota3A, %gt3A_1345 : vector<1x128xi32>
          %and3A_1347 = arith.andi %gt3A_1344, %gt3A_1346 : vector<1x128xi1>
          %convert_element_type3A_1348 = arith.extui %and3A_1347 : vector<1x128xi1> to vector<1x128xi32>
          %convert_element_type3A_1349 = arith.sitofp %convert_element_type3A_1348 : vector<1x128xi32> to vector<1x128xf32>
          %mul3A_1350 = vector.broadcast %broadcast_in_dim3A_1310 : vector<1x1xf32> to vector<1x128xf32>
          %mul3A_1351 = arith.mulf %convert_element_type3A_1349, %mul3A_1350 : vector<1x128xf32>
          %sub3A_1352 = arith.constant 1.000000e+00 : f32
          %sub3A_1353 = vector.broadcast %sub3A_1352 : f32 to vector<1x128xf32>
          %sub3A_1354 = arith.subf %sub3A_1353, %mul3A_1351 : vector<1x128xf32>
          %mul3A_1355 = arith.mulf %mul3A_1247, %sub3A_1354 : vector<1x128xf32>
          %get3A_1356 = arith.constant 0 : index
          %get3A_1357 = arith.constant 0 : index
          %get3A_1358 = vector.load %arg2[%get3A_1356, %get3A_1357] : memref<48x128xf32, #tpu.memory_space<vmem>>, vector<48x128xf32>
          %min3A_1359 = vector.broadcast %slice3A_1313 : vector<1x1xf32> to vector<48x128xf32>
          %min3A_1360 = arith.minimumf %min3A_1359, %get3A_1358 : vector<48x128xf32>
          %get3A_1361 = arith.constant 0 : index
          %get3A_1362 = arith.constant 0 : index
          %get3A_1363 = vector.load %arg0[%get3A_1361, %get3A_1362] : memref<48x128xf32, #tpu.memory_space<vmem>>, vector<48x128xf32>
          %max3A_1364 = vector.broadcast %slice3A_1311 : vector<1x1xf32> to vector<48x128xf32>
          %max3A_1365 = arith.maximumf %max3A_1364, %get3A_1363 : vector<48x128xf32>
          %sub3A_1366 = arith.subf %min3A_1360, %max3A_1365 : vector<48x128xf32>
          %jit3A_1367 = arith.constant 0.000000e+00 : f32
          %max3A_1368 = vector.broadcast %jit3A_1367 : f32 to vector<48x128xf32>
          %max3A_1369 = arith.maximumf %max3A_1368, %sub3A_1366 : vector<48x128xf32>
          %get3A_1370 = arith.constant 0 : index
          %get3A_1371 = arith.constant 0 : index
          %get3A_1372 = vector.load %arg3[%get3A_1370, %get3A_1371] : memref<48x128xf32, #tpu.memory_space<vmem>>, vector<48x128xf32>
          %min3A_1373 = vector.broadcast %slice3A_1314 : vector<1x1xf32> to vector<48x128xf32>
          %min3A_1374 = arith.minimumf %min3A_1373, %get3A_1372 : vector<48x128xf32>
          %get3A_1375 = arith.constant 0 : index
          %get3A_1376 = arith.constant 0 : index
          %get3A_1377 = vector.load %arg1[%get3A_1375, %get3A_1376] : memref<48x128xf32, #tpu.memory_space<vmem>>, vector<48x128xf32>
          %max3A_1378 = vector.broadcast %slice3A_1312 : vector<1x1xf32> to vector<48x128xf32>
          %max3A_1379 = arith.maximumf %max3A_1378, %get3A_1377 : vector<48x128xf32>
          %sub3A_1380 = arith.subf %min3A_1374, %max3A_1379 : vector<48x128xf32>
          %jit3A_1381 = arith.constant 0.000000e+00 : f32
          %max3A_1382 = vector.broadcast %jit3A_1381 : f32 to vector<48x128xf32>
          %max3A_1383 = arith.maximumf %max3A_1382, %sub3A_1380 : vector<48x128xf32>
          %mul3A_1384 = arith.mulf %max3A_1369, %max3A_1383 : vector<48x128xf32>
          %add3A_1385 = vector.broadcast %mul3A_1317 : vector<1x1xf32> to vector<48x128xf32>
          %add3A_1386 = arith.addf %add3A_1385, %mul3A_19 : vector<48x128xf32>
          %sub3A_1387 = arith.subf %add3A_1386, %mul3A_1384 : vector<48x128xf32>
          %add3A_1388 = arith.constant 9.99999971E-10 : f32
          %add3A_1389 = vector.broadcast %add3A_1388 : f32 to vector<48x128xf32>
          %add3A_1390 = arith.addf %sub3A_1387, %add3A_1389 : vector<48x128xf32>
          %div3A_1391 = arith.divf %mul3A_1384, %add3A_1390 : vector<48x128xf32>
          %gt3A_1392 = arith.constant 0.699999988 : f32
          %gt3A_1393 = vector.broadcast %gt3A_1392 : f32 to vector<48x128xf32>
          %gt3A_1394 = arith.cmpf ogt, %div3A_1391, %gt3A_1393 : vector<48x128xf32>
          %gt3A_1395 = vector.broadcast %add3A_1298 : i32 to vector<48x128xi32>
          %gt3A_1396 = arith.cmpi sgt, %add3A, %gt3A_1395 : vector<48x128xi32>
          %and3A_1397 = arith.andi %gt3A_1394, %gt3A_1396 : vector<48x128xi1>
          %convert_element_type3A_1398 = arith.extui %and3A_1397 : vector<48x128xi1> to vector<48x128xi32>
          %convert_element_type3A_1399 = arith.sitofp %convert_element_type3A_1398 : vector<48x128xi32> to vector<48x128xf32>
          %mul3A_1400 = vector.broadcast %broadcast_in_dim3A_1310 : vector<1x1xf32> to vector<48x128xf32>
          %mul3A_1401 = arith.mulf %convert_element_type3A_1399, %mul3A_1400 : vector<48x128xf32>
          %max3A_1402 = arith.maximumf %max3A_1294, %mul3A_1401 : vector<48x128xf32>
          %mul3A_1403 = arith.constant 16 : i32
          %mul3A_1404 = arith.muli %add3A_93, %mul3A_1403 : i32
          %add3A_1405 = arith.constant 12 : i32
          %add3A_1406 = arith.addi %mul3A_1404, %add3A_1405 : i32
          %mul3A_1407 = arith.constant 16 : i32
          %mul3A_1408 = arith.muli %while3A_88, %mul3A_1407 : i32
          %add3A_1409 = arith.constant 12 : i32
          %add3A_1410 = arith.addi %mul3A_1408, %add3A_1409 : i32
          %eq3A_1411 = vector.broadcast %add3A_1410 : i32 to vector<1x128xi32>
          %eq3A_1412 = arith.cmpi eq, %iota3A, %eq3A_1411 : vector<1x128xi32>
          %convert_element_type3A_1413 = arith.extui %eq3A_1412 : vector<1x128xi1> to vector<1x128xi32>
          %convert_element_type3A_1414 = arith.sitofp %convert_element_type3A_1413 : vector<1x128xi32> to vector<1x128xf32>
          %mul3A_1415 = arith.mulf %mul3A_1355, %convert_element_type3A_1414 : vector<1x128xf32>
          %reduce_sum3A_1416 = arith.constant dense<0.000000e+00> : vector<1xf32>
          %reduce_sum3A_1417 = vector.multi_reduction <add>, %mul3A_1415, %reduce_sum3A_1416 [1] : vector<1x128xf32> to vector<1xf32>
          %broadcast_in_dim3A_1418 = vector.shape_cast %reduce_sum3A_1417 : vector<1xf32> to vector<1x1xf32>
          %slice3A_1419 = vector.extract_strided_slice %reshape3A {offsets = [12, 0], sizes = [1, 1], strides = [1, 1]} : vector<16x1xf32> to vector<1x1xf32>
          %slice3A_1420 = vector.extract_strided_slice %reshape3A_102 {offsets = [12, 0], sizes = [1, 1], strides = [1, 1]} : vector<16x1xf32> to vector<1x1xf32>
          %slice3A_1421 = vector.extract_strided_slice %reshape3A_107 {offsets = [12, 0], sizes = [1, 1], strides = [1, 1]} : vector<16x1xf32> to vector<1x1xf32>
          %slice3A_1422 = vector.extract_strided_slice %reshape3A_112 {offsets = [12, 0], sizes = [1, 1], strides = [1, 1]} : vector<16x1xf32> to vector<1x1xf32>
          %sub3A_1423 = arith.subf %slice3A_1421, %slice3A_1419 : vector<1x1xf32>
          %sub3A_1424 = arith.subf %slice3A_1422, %slice3A_1420 : vector<1x1xf32>
          %mul3A_1425 = arith.mulf %sub3A_1423, %sub3A_1424 : vector<1x1xf32>
          %min3A_1426 = vector.broadcast %slice3A_1421 : vector<1x1xf32> to vector<1x128xf32>
          %min3A_1427 = arith.minimumf %min3A_1426, %get3A_39 : vector<1x128xf32>
          %max3A_1428 = vector.broadcast %slice3A_1419 : vector<1x1xf32> to vector<1x128xf32>
          %max3A_1429 = arith.maximumf %max3A_1428, %get3A_33 : vector<1x128xf32>
          %sub3A_1430 = arith.subf %min3A_1427, %max3A_1429 : vector<1x128xf32>
          %jit3A_1431 = arith.constant 0.000000e+00 : f32
          %max3A_1432 = vector.broadcast %jit3A_1431 : f32 to vector<1x128xf32>
          %max3A_1433 = arith.maximumf %max3A_1432, %sub3A_1430 : vector<1x128xf32>
          %min3A_1434 = vector.broadcast %slice3A_1422 : vector<1x1xf32> to vector<1x128xf32>
          %min3A_1435 = arith.minimumf %min3A_1434, %get3A_42 : vector<1x128xf32>
          %max3A_1436 = vector.broadcast %slice3A_1420 : vector<1x1xf32> to vector<1x128xf32>
          %max3A_1437 = arith.maximumf %max3A_1436, %get3A_36 : vector<1x128xf32>
          %sub3A_1438 = arith.subf %min3A_1435, %max3A_1437 : vector<1x128xf32>
          %jit3A_1439 = arith.constant 0.000000e+00 : f32
          %max3A_1440 = vector.broadcast %jit3A_1439 : f32 to vector<1x128xf32>
          %max3A_1441 = arith.maximumf %max3A_1440, %sub3A_1438 : vector<1x128xf32>
          %mul3A_1442 = arith.mulf %max3A_1433, %max3A_1441 : vector<1x128xf32>
          %add3A_1443 = vector.broadcast %mul3A_1425 : vector<1x1xf32> to vector<1x128xf32>
          %add3A_1444 = arith.addf %add3A_1443, %mul3A_45 : vector<1x128xf32>
          %sub3A_1445 = arith.subf %add3A_1444, %mul3A_1442 : vector<1x128xf32>
          %add3A_1446 = arith.constant 9.99999971E-10 : f32
          %add3A_1447 = vector.broadcast %add3A_1446 : f32 to vector<1x128xf32>
          %add3A_1448 = arith.addf %sub3A_1445, %add3A_1447 : vector<1x128xf32>
          %div3A_1449 = arith.divf %mul3A_1442, %add3A_1448 : vector<1x128xf32>
          %gt3A_1450 = arith.constant 0.699999988 : f32
          %gt3A_1451 = vector.broadcast %gt3A_1450 : f32 to vector<1x128xf32>
          %gt3A_1452 = arith.cmpf ogt, %div3A_1449, %gt3A_1451 : vector<1x128xf32>
          %gt3A_1453 = vector.broadcast %add3A_1410 : i32 to vector<1x128xi32>
          %gt3A_1454 = arith.cmpi sgt, %iota3A, %gt3A_1453 : vector<1x128xi32>
          %and3A_1455 = arith.andi %gt3A_1452, %gt3A_1454 : vector<1x128xi1>
          %convert_element_type3A_1456 = arith.extui %and3A_1455 : vector<1x128xi1> to vector<1x128xi32>
          %convert_element_type3A_1457 = arith.sitofp %convert_element_type3A_1456 : vector<1x128xi32> to vector<1x128xf32>
          %mul3A_1458 = vector.broadcast %broadcast_in_dim3A_1418 : vector<1x1xf32> to vector<1x128xf32>
          %mul3A_1459 = arith.mulf %convert_element_type3A_1457, %mul3A_1458 : vector<1x128xf32>
          %sub3A_1460 = arith.constant 1.000000e+00 : f32
          %sub3A_1461 = vector.broadcast %sub3A_1460 : f32 to vector<1x128xf32>
          %sub3A_1462 = arith.subf %sub3A_1461, %mul3A_1459 : vector<1x128xf32>
          %mul3A_1463 = arith.mulf %mul3A_1355, %sub3A_1462 : vector<1x128xf32>
          %get3A_1464 = arith.constant 0 : index
          %get3A_1465 = arith.constant 0 : index
          %get3A_1466 = vector.load %arg2[%get3A_1464, %get3A_1465] : memref<48x128xf32, #tpu.memory_space<vmem>>, vector<48x128xf32>
          %min3A_1467 = vector.broadcast %slice3A_1421 : vector<1x1xf32> to vector<48x128xf32>
          %min3A_1468 = arith.minimumf %min3A_1467, %get3A_1466 : vector<48x128xf32>
          %get3A_1469 = arith.constant 0 : index
          %get3A_1470 = arith.constant 0 : index
          %get3A_1471 = vector.load %arg0[%get3A_1469, %get3A_1470] : memref<48x128xf32, #tpu.memory_space<vmem>>, vector<48x128xf32>
          %max3A_1472 = vector.broadcast %slice3A_1419 : vector<1x1xf32> to vector<48x128xf32>
          %max3A_1473 = arith.maximumf %max3A_1472, %get3A_1471 : vector<48x128xf32>
          %sub3A_1474 = arith.subf %min3A_1468, %max3A_1473 : vector<48x128xf32>
          %jit3A_1475 = arith.constant 0.000000e+00 : f32
          %max3A_1476 = vector.broadcast %jit3A_1475 : f32 to vector<48x128xf32>
          %max3A_1477 = arith.maximumf %max3A_1476, %sub3A_1474 : vector<48x128xf32>
          %get3A_1478 = arith.constant 0 : index
          %get3A_1479 = arith.constant 0 : index
          %get3A_1480 = vector.load %arg3[%get3A_1478, %get3A_1479] : memref<48x128xf32, #tpu.memory_space<vmem>>, vector<48x128xf32>
          %min3A_1481 = vector.broadcast %slice3A_1422 : vector<1x1xf32> to vector<48x128xf32>
          %min3A_1482 = arith.minimumf %min3A_1481, %get3A_1480 : vector<48x128xf32>
          %get3A_1483 = arith.constant 0 : index
          %get3A_1484 = arith.constant 0 : index
          %get3A_1485 = vector.load %arg1[%get3A_1483, %get3A_1484] : memref<48x128xf32, #tpu.memory_space<vmem>>, vector<48x128xf32>
          %max3A_1486 = vector.broadcast %slice3A_1420 : vector<1x1xf32> to vector<48x128xf32>
          %max3A_1487 = arith.maximumf %max3A_1486, %get3A_1485 : vector<48x128xf32>
          %sub3A_1488 = arith.subf %min3A_1482, %max3A_1487 : vector<48x128xf32>
          %jit3A_1489 = arith.constant 0.000000e+00 : f32
          %max3A_1490 = vector.broadcast %jit3A_1489 : f32 to vector<48x128xf32>
          %max3A_1491 = arith.maximumf %max3A_1490, %sub3A_1488 : vector<48x128xf32>
          %mul3A_1492 = arith.mulf %max3A_1477, %max3A_1491 : vector<48x128xf32>
          %add3A_1493 = vector.broadcast %mul3A_1425 : vector<1x1xf32> to vector<48x128xf32>
          %add3A_1494 = arith.addf %add3A_1493, %mul3A_19 : vector<48x128xf32>
          %sub3A_1495 = arith.subf %add3A_1494, %mul3A_1492 : vector<48x128xf32>
          %add3A_1496 = arith.constant 9.99999971E-10 : f32
          %add3A_1497 = vector.broadcast %add3A_1496 : f32 to vector<48x128xf32>
          %add3A_1498 = arith.addf %sub3A_1495, %add3A_1497 : vector<48x128xf32>
          %div3A_1499 = arith.divf %mul3A_1492, %add3A_1498 : vector<48x128xf32>
          %gt3A_1500 = arith.constant 0.699999988 : f32
          %gt3A_1501 = vector.broadcast %gt3A_1500 : f32 to vector<48x128xf32>
          %gt3A_1502 = arith.cmpf ogt, %div3A_1499, %gt3A_1501 : vector<48x128xf32>
          %gt3A_1503 = vector.broadcast %add3A_1406 : i32 to vector<48x128xi32>
          %gt3A_1504 = arith.cmpi sgt, %add3A, %gt3A_1503 : vector<48x128xi32>
          %and3A_1505 = arith.andi %gt3A_1502, %gt3A_1504 : vector<48x128xi1>
          %convert_element_type3A_1506 = arith.extui %and3A_1505 : vector<48x128xi1> to vector<48x128xi32>
          %convert_element_type3A_1507 = arith.sitofp %convert_element_type3A_1506 : vector<48x128xi32> to vector<48x128xf32>
          %mul3A_1508 = vector.broadcast %broadcast_in_dim3A_1418 : vector<1x1xf32> to vector<48x128xf32>
          %mul3A_1509 = arith.mulf %convert_element_type3A_1507, %mul3A_1508 : vector<48x128xf32>
          %max3A_1510 = arith.maximumf %max3A_1402, %mul3A_1509 : vector<48x128xf32>
          %mul3A_1511 = arith.constant 16 : i32
          %mul3A_1512 = arith.muli %add3A_93, %mul3A_1511 : i32
          %add3A_1513 = arith.constant 13 : i32
          %add3A_1514 = arith.addi %mul3A_1512, %add3A_1513 : i32
          %mul3A_1515 = arith.constant 16 : i32
          %mul3A_1516 = arith.muli %while3A_88, %mul3A_1515 : i32
          %add3A_1517 = arith.constant 13 : i32
          %add3A_1518 = arith.addi %mul3A_1516, %add3A_1517 : i32
          %eq3A_1519 = vector.broadcast %add3A_1518 : i32 to vector<1x128xi32>
          %eq3A_1520 = arith.cmpi eq, %iota3A, %eq3A_1519 : vector<1x128xi32>
          %convert_element_type3A_1521 = arith.extui %eq3A_1520 : vector<1x128xi1> to vector<1x128xi32>
          %convert_element_type3A_1522 = arith.sitofp %convert_element_type3A_1521 : vector<1x128xi32> to vector<1x128xf32>
          %mul3A_1523 = arith.mulf %mul3A_1463, %convert_element_type3A_1522 : vector<1x128xf32>
          %reduce_sum3A_1524 = arith.constant dense<0.000000e+00> : vector<1xf32>
          %reduce_sum3A_1525 = vector.multi_reduction <add>, %mul3A_1523, %reduce_sum3A_1524 [1] : vector<1x128xf32> to vector<1xf32>
          %broadcast_in_dim3A_1526 = vector.shape_cast %reduce_sum3A_1525 : vector<1xf32> to vector<1x1xf32>
          %slice3A_1527 = vector.extract_strided_slice %reshape3A {offsets = [13, 0], sizes = [1, 1], strides = [1, 1]} : vector<16x1xf32> to vector<1x1xf32>
          %slice3A_1528 = vector.extract_strided_slice %reshape3A_102 {offsets = [13, 0], sizes = [1, 1], strides = [1, 1]} : vector<16x1xf32> to vector<1x1xf32>
          %slice3A_1529 = vector.extract_strided_slice %reshape3A_107 {offsets = [13, 0], sizes = [1, 1], strides = [1, 1]} : vector<16x1xf32> to vector<1x1xf32>
          %slice3A_1530 = vector.extract_strided_slice %reshape3A_112 {offsets = [13, 0], sizes = [1, 1], strides = [1, 1]} : vector<16x1xf32> to vector<1x1xf32>
          %sub3A_1531 = arith.subf %slice3A_1529, %slice3A_1527 : vector<1x1xf32>
          %sub3A_1532 = arith.subf %slice3A_1530, %slice3A_1528 : vector<1x1xf32>
          %mul3A_1533 = arith.mulf %sub3A_1531, %sub3A_1532 : vector<1x1xf32>
          %min3A_1534 = vector.broadcast %slice3A_1529 : vector<1x1xf32> to vector<1x128xf32>
          %min3A_1535 = arith.minimumf %min3A_1534, %get3A_39 : vector<1x128xf32>
          %max3A_1536 = vector.broadcast %slice3A_1527 : vector<1x1xf32> to vector<1x128xf32>
          %max3A_1537 = arith.maximumf %max3A_1536, %get3A_33 : vector<1x128xf32>
          %sub3A_1538 = arith.subf %min3A_1535, %max3A_1537 : vector<1x128xf32>
          %jit3A_1539 = arith.constant 0.000000e+00 : f32
          %max3A_1540 = vector.broadcast %jit3A_1539 : f32 to vector<1x128xf32>
          %max3A_1541 = arith.maximumf %max3A_1540, %sub3A_1538 : vector<1x128xf32>
          %min3A_1542 = vector.broadcast %slice3A_1530 : vector<1x1xf32> to vector<1x128xf32>
          %min3A_1543 = arith.minimumf %min3A_1542, %get3A_42 : vector<1x128xf32>
          %max3A_1544 = vector.broadcast %slice3A_1528 : vector<1x1xf32> to vector<1x128xf32>
          %max3A_1545 = arith.maximumf %max3A_1544, %get3A_36 : vector<1x128xf32>
          %sub3A_1546 = arith.subf %min3A_1543, %max3A_1545 : vector<1x128xf32>
          %jit3A_1547 = arith.constant 0.000000e+00 : f32
          %max3A_1548 = vector.broadcast %jit3A_1547 : f32 to vector<1x128xf32>
          %max3A_1549 = arith.maximumf %max3A_1548, %sub3A_1546 : vector<1x128xf32>
          %mul3A_1550 = arith.mulf %max3A_1541, %max3A_1549 : vector<1x128xf32>
          %add3A_1551 = vector.broadcast %mul3A_1533 : vector<1x1xf32> to vector<1x128xf32>
          %add3A_1552 = arith.addf %add3A_1551, %mul3A_45 : vector<1x128xf32>
          %sub3A_1553 = arith.subf %add3A_1552, %mul3A_1550 : vector<1x128xf32>
          %add3A_1554 = arith.constant 9.99999971E-10 : f32
          %add3A_1555 = vector.broadcast %add3A_1554 : f32 to vector<1x128xf32>
          %add3A_1556 = arith.addf %sub3A_1553, %add3A_1555 : vector<1x128xf32>
          %div3A_1557 = arith.divf %mul3A_1550, %add3A_1556 : vector<1x128xf32>
          %gt3A_1558 = arith.constant 0.699999988 : f32
          %gt3A_1559 = vector.broadcast %gt3A_1558 : f32 to vector<1x128xf32>
          %gt3A_1560 = arith.cmpf ogt, %div3A_1557, %gt3A_1559 : vector<1x128xf32>
          %gt3A_1561 = vector.broadcast %add3A_1518 : i32 to vector<1x128xi32>
          %gt3A_1562 = arith.cmpi sgt, %iota3A, %gt3A_1561 : vector<1x128xi32>
          %and3A_1563 = arith.andi %gt3A_1560, %gt3A_1562 : vector<1x128xi1>
          %convert_element_type3A_1564 = arith.extui %and3A_1563 : vector<1x128xi1> to vector<1x128xi32>
          %convert_element_type3A_1565 = arith.sitofp %convert_element_type3A_1564 : vector<1x128xi32> to vector<1x128xf32>
          %mul3A_1566 = vector.broadcast %broadcast_in_dim3A_1526 : vector<1x1xf32> to vector<1x128xf32>
          %mul3A_1567 = arith.mulf %convert_element_type3A_1565, %mul3A_1566 : vector<1x128xf32>
          %sub3A_1568 = arith.constant 1.000000e+00 : f32
          %sub3A_1569 = vector.broadcast %sub3A_1568 : f32 to vector<1x128xf32>
          %sub3A_1570 = arith.subf %sub3A_1569, %mul3A_1567 : vector<1x128xf32>
          %mul3A_1571 = arith.mulf %mul3A_1463, %sub3A_1570 : vector<1x128xf32>
          %get3A_1572 = arith.constant 0 : index
          %get3A_1573 = arith.constant 0 : index
          %get3A_1574 = vector.load %arg2[%get3A_1572, %get3A_1573] : memref<48x128xf32, #tpu.memory_space<vmem>>, vector<48x128xf32>
          %min3A_1575 = vector.broadcast %slice3A_1529 : vector<1x1xf32> to vector<48x128xf32>
          %min3A_1576 = arith.minimumf %min3A_1575, %get3A_1574 : vector<48x128xf32>
          %get3A_1577 = arith.constant 0 : index
          %get3A_1578 = arith.constant 0 : index
          %get3A_1579 = vector.load %arg0[%get3A_1577, %get3A_1578] : memref<48x128xf32, #tpu.memory_space<vmem>>, vector<48x128xf32>
          %max3A_1580 = vector.broadcast %slice3A_1527 : vector<1x1xf32> to vector<48x128xf32>
          %max3A_1581 = arith.maximumf %max3A_1580, %get3A_1579 : vector<48x128xf32>
          %sub3A_1582 = arith.subf %min3A_1576, %max3A_1581 : vector<48x128xf32>
          %jit3A_1583 = arith.constant 0.000000e+00 : f32
          %max3A_1584 = vector.broadcast %jit3A_1583 : f32 to vector<48x128xf32>
          %max3A_1585 = arith.maximumf %max3A_1584, %sub3A_1582 : vector<48x128xf32>
          %get3A_1586 = arith.constant 0 : index
          %get3A_1587 = arith.constant 0 : index
          %get3A_1588 = vector.load %arg3[%get3A_1586, %get3A_1587] : memref<48x128xf32, #tpu.memory_space<vmem>>, vector<48x128xf32>
          %min3A_1589 = vector.broadcast %slice3A_1530 : vector<1x1xf32> to vector<48x128xf32>
          %min3A_1590 = arith.minimumf %min3A_1589, %get3A_1588 : vector<48x128xf32>
          %get3A_1591 = arith.constant 0 : index
          %get3A_1592 = arith.constant 0 : index
          %get3A_1593 = vector.load %arg1[%get3A_1591, %get3A_1592] : memref<48x128xf32, #tpu.memory_space<vmem>>, vector<48x128xf32>
          %max3A_1594 = vector.broadcast %slice3A_1528 : vector<1x1xf32> to vector<48x128xf32>
          %max3A_1595 = arith.maximumf %max3A_1594, %get3A_1593 : vector<48x128xf32>
          %sub3A_1596 = arith.subf %min3A_1590, %max3A_1595 : vector<48x128xf32>
          %jit3A_1597 = arith.constant 0.000000e+00 : f32
          %max3A_1598 = vector.broadcast %jit3A_1597 : f32 to vector<48x128xf32>
          %max3A_1599 = arith.maximumf %max3A_1598, %sub3A_1596 : vector<48x128xf32>
          %mul3A_1600 = arith.mulf %max3A_1585, %max3A_1599 : vector<48x128xf32>
          %add3A_1601 = vector.broadcast %mul3A_1533 : vector<1x1xf32> to vector<48x128xf32>
          %add3A_1602 = arith.addf %add3A_1601, %mul3A_19 : vector<48x128xf32>
          %sub3A_1603 = arith.subf %add3A_1602, %mul3A_1600 : vector<48x128xf32>
          %add3A_1604 = arith.constant 9.99999971E-10 : f32
          %add3A_1605 = vector.broadcast %add3A_1604 : f32 to vector<48x128xf32>
          %add3A_1606 = arith.addf %sub3A_1603, %add3A_1605 : vector<48x128xf32>
          %div3A_1607 = arith.divf %mul3A_1600, %add3A_1606 : vector<48x128xf32>
          %gt3A_1608 = arith.constant 0.699999988 : f32
          %gt3A_1609 = vector.broadcast %gt3A_1608 : f32 to vector<48x128xf32>
          %gt3A_1610 = arith.cmpf ogt, %div3A_1607, %gt3A_1609 : vector<48x128xf32>
          %gt3A_1611 = vector.broadcast %add3A_1514 : i32 to vector<48x128xi32>
          %gt3A_1612 = arith.cmpi sgt, %add3A, %gt3A_1611 : vector<48x128xi32>
          %and3A_1613 = arith.andi %gt3A_1610, %gt3A_1612 : vector<48x128xi1>
          %convert_element_type3A_1614 = arith.extui %and3A_1613 : vector<48x128xi1> to vector<48x128xi32>
          %convert_element_type3A_1615 = arith.sitofp %convert_element_type3A_1614 : vector<48x128xi32> to vector<48x128xf32>
          %mul3A_1616 = vector.broadcast %broadcast_in_dim3A_1526 : vector<1x1xf32> to vector<48x128xf32>
          %mul3A_1617 = arith.mulf %convert_element_type3A_1615, %mul3A_1616 : vector<48x128xf32>
          %max3A_1618 = arith.maximumf %max3A_1510, %mul3A_1617 : vector<48x128xf32>
          %mul3A_1619 = arith.constant 16 : i32
          %mul3A_1620 = arith.muli %add3A_93, %mul3A_1619 : i32
          %add3A_1621 = arith.constant 14 : i32
          %add3A_1622 = arith.addi %mul3A_1620, %add3A_1621 : i32
          %mul3A_1623 = arith.constant 16 : i32
          %mul3A_1624 = arith.muli %while3A_88, %mul3A_1623 : i32
          %add3A_1625 = arith.constant 14 : i32
          %add3A_1626 = arith.addi %mul3A_1624, %add3A_1625 : i32
          %eq3A_1627 = vector.broadcast %add3A_1626 : i32 to vector<1x128xi32>
          %eq3A_1628 = arith.cmpi eq, %iota3A, %eq3A_1627 : vector<1x128xi32>
          %convert_element_type3A_1629 = arith.extui %eq3A_1628 : vector<1x128xi1> to vector<1x128xi32>
          %convert_element_type3A_1630 = arith.sitofp %convert_element_type3A_1629 : vector<1x128xi32> to vector<1x128xf32>
          %mul3A_1631 = arith.mulf %mul3A_1571, %convert_element_type3A_1630 : vector<1x128xf32>
          %reduce_sum3A_1632 = arith.constant dense<0.000000e+00> : vector<1xf32>
          %reduce_sum3A_1633 = vector.multi_reduction <add>, %mul3A_1631, %reduce_sum3A_1632 [1] : vector<1x128xf32> to vector<1xf32>
          %broadcast_in_dim3A_1634 = vector.shape_cast %reduce_sum3A_1633 : vector<1xf32> to vector<1x1xf32>
          %slice3A_1635 = vector.extract_strided_slice %reshape3A {offsets = [14, 0], sizes = [1, 1], strides = [1, 1]} : vector<16x1xf32> to vector<1x1xf32>
          %slice3A_1636 = vector.extract_strided_slice %reshape3A_102 {offsets = [14, 0], sizes = [1, 1], strides = [1, 1]} : vector<16x1xf32> to vector<1x1xf32>
          %slice3A_1637 = vector.extract_strided_slice %reshape3A_107 {offsets = [14, 0], sizes = [1, 1], strides = [1, 1]} : vector<16x1xf32> to vector<1x1xf32>
          %slice3A_1638 = vector.extract_strided_slice %reshape3A_112 {offsets = [14, 0], sizes = [1, 1], strides = [1, 1]} : vector<16x1xf32> to vector<1x1xf32>
          %sub3A_1639 = arith.subf %slice3A_1637, %slice3A_1635 : vector<1x1xf32>
          %sub3A_1640 = arith.subf %slice3A_1638, %slice3A_1636 : vector<1x1xf32>
          %mul3A_1641 = arith.mulf %sub3A_1639, %sub3A_1640 : vector<1x1xf32>
          %min3A_1642 = vector.broadcast %slice3A_1637 : vector<1x1xf32> to vector<1x128xf32>
          %min3A_1643 = arith.minimumf %min3A_1642, %get3A_39 : vector<1x128xf32>
          %max3A_1644 = vector.broadcast %slice3A_1635 : vector<1x1xf32> to vector<1x128xf32>
          %max3A_1645 = arith.maximumf %max3A_1644, %get3A_33 : vector<1x128xf32>
          %sub3A_1646 = arith.subf %min3A_1643, %max3A_1645 : vector<1x128xf32>
          %jit3A_1647 = arith.constant 0.000000e+00 : f32
          %max3A_1648 = vector.broadcast %jit3A_1647 : f32 to vector<1x128xf32>
          %max3A_1649 = arith.maximumf %max3A_1648, %sub3A_1646 : vector<1x128xf32>
          %min3A_1650 = vector.broadcast %slice3A_1638 : vector<1x1xf32> to vector<1x128xf32>
          %min3A_1651 = arith.minimumf %min3A_1650, %get3A_42 : vector<1x128xf32>
          %max3A_1652 = vector.broadcast %slice3A_1636 : vector<1x1xf32> to vector<1x128xf32>
          %max3A_1653 = arith.maximumf %max3A_1652, %get3A_36 : vector<1x128xf32>
          %sub3A_1654 = arith.subf %min3A_1651, %max3A_1653 : vector<1x128xf32>
          %jit3A_1655 = arith.constant 0.000000e+00 : f32
          %max3A_1656 = vector.broadcast %jit3A_1655 : f32 to vector<1x128xf32>
          %max3A_1657 = arith.maximumf %max3A_1656, %sub3A_1654 : vector<1x128xf32>
          %mul3A_1658 = arith.mulf %max3A_1649, %max3A_1657 : vector<1x128xf32>
          %add3A_1659 = vector.broadcast %mul3A_1641 : vector<1x1xf32> to vector<1x128xf32>
          %add3A_1660 = arith.addf %add3A_1659, %mul3A_45 : vector<1x128xf32>
          %sub3A_1661 = arith.subf %add3A_1660, %mul3A_1658 : vector<1x128xf32>
          %add3A_1662 = arith.constant 9.99999971E-10 : f32
          %add3A_1663 = vector.broadcast %add3A_1662 : f32 to vector<1x128xf32>
          %add3A_1664 = arith.addf %sub3A_1661, %add3A_1663 : vector<1x128xf32>
          %div3A_1665 = arith.divf %mul3A_1658, %add3A_1664 : vector<1x128xf32>
          %gt3A_1666 = arith.constant 0.699999988 : f32
          %gt3A_1667 = vector.broadcast %gt3A_1666 : f32 to vector<1x128xf32>
          %gt3A_1668 = arith.cmpf ogt, %div3A_1665, %gt3A_1667 : vector<1x128xf32>
          %gt3A_1669 = vector.broadcast %add3A_1626 : i32 to vector<1x128xi32>
          %gt3A_1670 = arith.cmpi sgt, %iota3A, %gt3A_1669 : vector<1x128xi32>
          %and3A_1671 = arith.andi %gt3A_1668, %gt3A_1670 : vector<1x128xi1>
          %convert_element_type3A_1672 = arith.extui %and3A_1671 : vector<1x128xi1> to vector<1x128xi32>
          %convert_element_type3A_1673 = arith.sitofp %convert_element_type3A_1672 : vector<1x128xi32> to vector<1x128xf32>
          %mul3A_1674 = vector.broadcast %broadcast_in_dim3A_1634 : vector<1x1xf32> to vector<1x128xf32>
          %mul3A_1675 = arith.mulf %convert_element_type3A_1673, %mul3A_1674 : vector<1x128xf32>
          %sub3A_1676 = arith.constant 1.000000e+00 : f32
          %sub3A_1677 = vector.broadcast %sub3A_1676 : f32 to vector<1x128xf32>
          %sub3A_1678 = arith.subf %sub3A_1677, %mul3A_1675 : vector<1x128xf32>
          %mul3A_1679 = arith.mulf %mul3A_1571, %sub3A_1678 : vector<1x128xf32>
          %get3A_1680 = arith.constant 0 : index
          %get3A_1681 = arith.constant 0 : index
          %get3A_1682 = vector.load %arg2[%get3A_1680, %get3A_1681] : memref<48x128xf32, #tpu.memory_space<vmem>>, vector<48x128xf32>
          %min3A_1683 = vector.broadcast %slice3A_1637 : vector<1x1xf32> to vector<48x128xf32>
          %min3A_1684 = arith.minimumf %min3A_1683, %get3A_1682 : vector<48x128xf32>
          %get3A_1685 = arith.constant 0 : index
          %get3A_1686 = arith.constant 0 : index
          %get3A_1687 = vector.load %arg0[%get3A_1685, %get3A_1686] : memref<48x128xf32, #tpu.memory_space<vmem>>, vector<48x128xf32>
          %max3A_1688 = vector.broadcast %slice3A_1635 : vector<1x1xf32> to vector<48x128xf32>
          %max3A_1689 = arith.maximumf %max3A_1688, %get3A_1687 : vector<48x128xf32>
          %sub3A_1690 = arith.subf %min3A_1684, %max3A_1689 : vector<48x128xf32>
          %jit3A_1691 = arith.constant 0.000000e+00 : f32
          %max3A_1692 = vector.broadcast %jit3A_1691 : f32 to vector<48x128xf32>
          %max3A_1693 = arith.maximumf %max3A_1692, %sub3A_1690 : vector<48x128xf32>
          %get3A_1694 = arith.constant 0 : index
          %get3A_1695 = arith.constant 0 : index
          %get3A_1696 = vector.load %arg3[%get3A_1694, %get3A_1695] : memref<48x128xf32, #tpu.memory_space<vmem>>, vector<48x128xf32>
          %min3A_1697 = vector.broadcast %slice3A_1638 : vector<1x1xf32> to vector<48x128xf32>
          %min3A_1698 = arith.minimumf %min3A_1697, %get3A_1696 : vector<48x128xf32>
          %get3A_1699 = arith.constant 0 : index
          %get3A_1700 = arith.constant 0 : index
          %get3A_1701 = vector.load %arg1[%get3A_1699, %get3A_1700] : memref<48x128xf32, #tpu.memory_space<vmem>>, vector<48x128xf32>
          %max3A_1702 = vector.broadcast %slice3A_1636 : vector<1x1xf32> to vector<48x128xf32>
          %max3A_1703 = arith.maximumf %max3A_1702, %get3A_1701 : vector<48x128xf32>
          %sub3A_1704 = arith.subf %min3A_1698, %max3A_1703 : vector<48x128xf32>
          %jit3A_1705 = arith.constant 0.000000e+00 : f32
          %max3A_1706 = vector.broadcast %jit3A_1705 : f32 to vector<48x128xf32>
          %max3A_1707 = arith.maximumf %max3A_1706, %sub3A_1704 : vector<48x128xf32>
          %mul3A_1708 = arith.mulf %max3A_1693, %max3A_1707 : vector<48x128xf32>
          %add3A_1709 = vector.broadcast %mul3A_1641 : vector<1x1xf32> to vector<48x128xf32>
          %add3A_1710 = arith.addf %add3A_1709, %mul3A_19 : vector<48x128xf32>
          %sub3A_1711 = arith.subf %add3A_1710, %mul3A_1708 : vector<48x128xf32>
          %add3A_1712 = arith.constant 9.99999971E-10 : f32
          %add3A_1713 = vector.broadcast %add3A_1712 : f32 to vector<48x128xf32>
          %add3A_1714 = arith.addf %sub3A_1711, %add3A_1713 : vector<48x128xf32>
          %div3A_1715 = arith.divf %mul3A_1708, %add3A_1714 : vector<48x128xf32>
          %gt3A_1716 = arith.constant 0.699999988 : f32
          %gt3A_1717 = vector.broadcast %gt3A_1716 : f32 to vector<48x128xf32>
          %gt3A_1718 = arith.cmpf ogt, %div3A_1715, %gt3A_1717 : vector<48x128xf32>
          %gt3A_1719 = vector.broadcast %add3A_1622 : i32 to vector<48x128xi32>
          %gt3A_1720 = arith.cmpi sgt, %add3A, %gt3A_1719 : vector<48x128xi32>
          %and3A_1721 = arith.andi %gt3A_1718, %gt3A_1720 : vector<48x128xi1>
          %convert_element_type3A_1722 = arith.extui %and3A_1721 : vector<48x128xi1> to vector<48x128xi32>
          %convert_element_type3A_1723 = arith.sitofp %convert_element_type3A_1722 : vector<48x128xi32> to vector<48x128xf32>
          %mul3A_1724 = vector.broadcast %broadcast_in_dim3A_1634 : vector<1x1xf32> to vector<48x128xf32>
          %mul3A_1725 = arith.mulf %convert_element_type3A_1723, %mul3A_1724 : vector<48x128xf32>
          %max3A_1726 = arith.maximumf %max3A_1618, %mul3A_1725 : vector<48x128xf32>
          %mul3A_1727 = arith.constant 16 : i32
          %mul3A_1728 = arith.muli %add3A_93, %mul3A_1727 : i32
          %add3A_1729 = arith.constant 15 : i32
          %add3A_1730 = arith.addi %mul3A_1728, %add3A_1729 : i32
          %mul3A_1731 = arith.constant 16 : i32
          %mul3A_1732 = arith.muli %while3A_88, %mul3A_1731 : i32
          %add3A_1733 = arith.constant 15 : i32
          %add3A_1734 = arith.addi %mul3A_1732, %add3A_1733 : i32
          %eq3A_1735 = vector.broadcast %add3A_1734 : i32 to vector<1x128xi32>
          %eq3A_1736 = arith.cmpi eq, %iota3A, %eq3A_1735 : vector<1x128xi32>
          %convert_element_type3A_1737 = arith.extui %eq3A_1736 : vector<1x128xi1> to vector<1x128xi32>
          %convert_element_type3A_1738 = arith.sitofp %convert_element_type3A_1737 : vector<1x128xi32> to vector<1x128xf32>
          %mul3A_1739 = arith.mulf %mul3A_1679, %convert_element_type3A_1738 : vector<1x128xf32>
          %reduce_sum3A_1740 = arith.constant dense<0.000000e+00> : vector<1xf32>
          %reduce_sum3A_1741 = vector.multi_reduction <add>, %mul3A_1739, %reduce_sum3A_1740 [1] : vector<1x128xf32> to vector<1xf32>
          %broadcast_in_dim3A_1742 = vector.shape_cast %reduce_sum3A_1741 : vector<1xf32> to vector<1x1xf32>
          %slice3A_1743 = vector.extract_strided_slice %reshape3A {offsets = [15, 0], sizes = [1, 1], strides = [1, 1]} : vector<16x1xf32> to vector<1x1xf32>
          %slice3A_1744 = vector.extract_strided_slice %reshape3A_102 {offsets = [15, 0], sizes = [1, 1], strides = [1, 1]} : vector<16x1xf32> to vector<1x1xf32>
          %slice3A_1745 = vector.extract_strided_slice %reshape3A_107 {offsets = [15, 0], sizes = [1, 1], strides = [1, 1]} : vector<16x1xf32> to vector<1x1xf32>
          %slice3A_1746 = vector.extract_strided_slice %reshape3A_112 {offsets = [15, 0], sizes = [1, 1], strides = [1, 1]} : vector<16x1xf32> to vector<1x1xf32>
          %sub3A_1747 = arith.subf %slice3A_1745, %slice3A_1743 : vector<1x1xf32>
          %sub3A_1748 = arith.subf %slice3A_1746, %slice3A_1744 : vector<1x1xf32>
          %mul3A_1749 = arith.mulf %sub3A_1747, %sub3A_1748 : vector<1x1xf32>
          %min3A_1750 = vector.broadcast %slice3A_1745 : vector<1x1xf32> to vector<1x128xf32>
          %min3A_1751 = arith.minimumf %min3A_1750, %get3A_39 : vector<1x128xf32>
          %max3A_1752 = vector.broadcast %slice3A_1743 : vector<1x1xf32> to vector<1x128xf32>
          %max3A_1753 = arith.maximumf %max3A_1752, %get3A_33 : vector<1x128xf32>
          %sub3A_1754 = arith.subf %min3A_1751, %max3A_1753 : vector<1x128xf32>
          %jit3A_1755 = arith.constant 0.000000e+00 : f32
          %max3A_1756 = vector.broadcast %jit3A_1755 : f32 to vector<1x128xf32>
          %max3A_1757 = arith.maximumf %max3A_1756, %sub3A_1754 : vector<1x128xf32>
          %min3A_1758 = vector.broadcast %slice3A_1746 : vector<1x1xf32> to vector<1x128xf32>
          %min3A_1759 = arith.minimumf %min3A_1758, %get3A_42 : vector<1x128xf32>
          %max3A_1760 = vector.broadcast %slice3A_1744 : vector<1x1xf32> to vector<1x128xf32>
          %max3A_1761 = arith.maximumf %max3A_1760, %get3A_36 : vector<1x128xf32>
          %sub3A_1762 = arith.subf %min3A_1759, %max3A_1761 : vector<1x128xf32>
          %jit3A_1763 = arith.constant 0.000000e+00 : f32
          %max3A_1764 = vector.broadcast %jit3A_1763 : f32 to vector<1x128xf32>
          %max3A_1765 = arith.maximumf %max3A_1764, %sub3A_1762 : vector<1x128xf32>
          %mul3A_1766 = arith.mulf %max3A_1757, %max3A_1765 : vector<1x128xf32>
          %add3A_1767 = vector.broadcast %mul3A_1749 : vector<1x1xf32> to vector<1x128xf32>
          %add3A_1768 = arith.addf %add3A_1767, %mul3A_45 : vector<1x128xf32>
          %sub3A_1769 = arith.subf %add3A_1768, %mul3A_1766 : vector<1x128xf32>
          %add3A_1770 = arith.constant 9.99999971E-10 : f32
          %add3A_1771 = vector.broadcast %add3A_1770 : f32 to vector<1x128xf32>
          %add3A_1772 = arith.addf %sub3A_1769, %add3A_1771 : vector<1x128xf32>
          %div3A_1773 = arith.divf %mul3A_1766, %add3A_1772 : vector<1x128xf32>
          %gt3A_1774 = arith.constant 0.699999988 : f32
          %gt3A_1775 = vector.broadcast %gt3A_1774 : f32 to vector<1x128xf32>
          %gt3A_1776 = arith.cmpf ogt, %div3A_1773, %gt3A_1775 : vector<1x128xf32>
          %gt3A_1777 = vector.broadcast %add3A_1734 : i32 to vector<1x128xi32>
          %gt3A_1778 = arith.cmpi sgt, %iota3A, %gt3A_1777 : vector<1x128xi32>
          %and3A_1779 = arith.andi %gt3A_1776, %gt3A_1778 : vector<1x128xi1>
          %convert_element_type3A_1780 = arith.extui %and3A_1779 : vector<1x128xi1> to vector<1x128xi32>
          %convert_element_type3A_1781 = arith.sitofp %convert_element_type3A_1780 : vector<1x128xi32> to vector<1x128xf32>
          %mul3A_1782 = vector.broadcast %broadcast_in_dim3A_1742 : vector<1x1xf32> to vector<1x128xf32>
          %mul3A_1783 = arith.mulf %convert_element_type3A_1781, %mul3A_1782 : vector<1x128xf32>
          %sub3A_1784 = arith.constant 1.000000e+00 : f32
          %sub3A_1785 = vector.broadcast %sub3A_1784 : f32 to vector<1x128xf32>
          %sub3A_1786 = arith.subf %sub3A_1785, %mul3A_1783 : vector<1x128xf32>
          %mul3A_1787 = arith.mulf %mul3A_1679, %sub3A_1786 : vector<1x128xf32>
          %get3A_1788 = arith.constant 0 : index
          %get3A_1789 = arith.constant 0 : index
          %get3A_1790 = vector.load %arg2[%get3A_1788, %get3A_1789] : memref<48x128xf32, #tpu.memory_space<vmem>>, vector<48x128xf32>
          %min3A_1791 = vector.broadcast %slice3A_1745 : vector<1x1xf32> to vector<48x128xf32>
          %min3A_1792 = arith.minimumf %min3A_1791, %get3A_1790 : vector<48x128xf32>
          %get3A_1793 = arith.constant 0 : index
          %get3A_1794 = arith.constant 0 : index
          %get3A_1795 = vector.load %arg0[%get3A_1793, %get3A_1794] : memref<48x128xf32, #tpu.memory_space<vmem>>, vector<48x128xf32>
          %max3A_1796 = vector.broadcast %slice3A_1743 : vector<1x1xf32> to vector<48x128xf32>
          %max3A_1797 = arith.maximumf %max3A_1796, %get3A_1795 : vector<48x128xf32>
          %sub3A_1798 = arith.subf %min3A_1792, %max3A_1797 : vector<48x128xf32>
          %jit3A_1799 = arith.constant 0.000000e+00 : f32
          %max3A_1800 = vector.broadcast %jit3A_1799 : f32 to vector<48x128xf32>
          %max3A_1801 = arith.maximumf %max3A_1800, %sub3A_1798 : vector<48x128xf32>
          %get3A_1802 = arith.constant 0 : index
          %get3A_1803 = arith.constant 0 : index
          %get3A_1804 = vector.load %arg3[%get3A_1802, %get3A_1803] : memref<48x128xf32, #tpu.memory_space<vmem>>, vector<48x128xf32>
          %min3A_1805 = vector.broadcast %slice3A_1746 : vector<1x1xf32> to vector<48x128xf32>
          %min3A_1806 = arith.minimumf %min3A_1805, %get3A_1804 : vector<48x128xf32>
          %get3A_1807 = arith.constant 0 : index
          %get3A_1808 = arith.constant 0 : index
          %get3A_1809 = vector.load %arg1[%get3A_1807, %get3A_1808] : memref<48x128xf32, #tpu.memory_space<vmem>>, vector<48x128xf32>
          %max3A_1810 = vector.broadcast %slice3A_1744 : vector<1x1xf32> to vector<48x128xf32>
          %max3A_1811 = arith.maximumf %max3A_1810, %get3A_1809 : vector<48x128xf32>
          %sub3A_1812 = arith.subf %min3A_1806, %max3A_1811 : vector<48x128xf32>
          %jit3A_1813 = arith.constant 0.000000e+00 : f32
          %max3A_1814 = vector.broadcast %jit3A_1813 : f32 to vector<48x128xf32>
          %max3A_1815 = arith.maximumf %max3A_1814, %sub3A_1812 : vector<48x128xf32>
          %mul3A_1816 = arith.mulf %max3A_1801, %max3A_1815 : vector<48x128xf32>
          %add3A_1817 = vector.broadcast %mul3A_1749 : vector<1x1xf32> to vector<48x128xf32>
          %add3A_1818 = arith.addf %add3A_1817, %mul3A_19 : vector<48x128xf32>
          %sub3A_1819 = arith.subf %add3A_1818, %mul3A_1816 : vector<48x128xf32>
          %add3A_1820 = arith.constant 9.99999971E-10 : f32
          %add3A_1821 = vector.broadcast %add3A_1820 : f32 to vector<48x128xf32>
          %add3A_1822 = arith.addf %sub3A_1819, %add3A_1821 : vector<48x128xf32>
          %div3A_1823 = arith.divf %mul3A_1816, %add3A_1822 : vector<48x128xf32>
          %gt3A_1824 = arith.constant 0.699999988 : f32
          %gt3A_1825 = vector.broadcast %gt3A_1824 : f32 to vector<48x128xf32>
          %gt3A_1826 = arith.cmpf ogt, %div3A_1823, %gt3A_1825 : vector<48x128xf32>
          %gt3A_1827 = vector.broadcast %add3A_1730 : i32 to vector<48x128xi32>
          %gt3A_1828 = arith.cmpi sgt, %add3A, %gt3A_1827 : vector<48x128xi32>
          %and3A_1829 = arith.andi %gt3A_1826, %gt3A_1828 : vector<48x128xi1>
          %convert_element_type3A_1830 = arith.extui %and3A_1829 : vector<48x128xi1> to vector<48x128xi32>
          %convert_element_type3A_1831 = arith.sitofp %convert_element_type3A_1830 : vector<48x128xi32> to vector<48x128xf32>
          %mul3A_1832 = vector.broadcast %broadcast_in_dim3A_1742 : vector<1x1xf32> to vector<48x128xf32>
          %mul3A_1833 = arith.mulf %convert_element_type3A_1831, %mul3A_1832 : vector<48x128xf32>
          %max3A_1834 = arith.maximumf %max3A_1726, %mul3A_1833 : vector<48x128xf32>
          scf.yield %mul3A_1787, %max3A_1834 : vector<1x128xf32>, vector<48x128xf32>
        }
        %get3A_63 = arith.constant 0 : index
        %get3A_64 = arith.constant 0 : index
        %get3A_65 = vector.load %arg8[%get3A_63, %get3A_64] : memref<48x128xf32, #tpu.memory_space<vmem>>, vector<48x128xf32>
        %sub3A_66 = arith.constant 1.000000e+00 : f32
        %sub3A_67 = vector.broadcast %sub3A_66 : f32 to vector<48x128xf32>
        %sub3A_68 = arith.subf %sub3A_67, %while3A_62#1 : vector<48x128xf32>
        %mul3A_69 = arith.mulf %get3A_65, %sub3A_68 : vector<48x128xf32>
        %swap3A_70 = arith.constant 0 : index
        %swap3A_71 = arith.constant 0 : index
        %swap3A_72 = vector.load %arg8[%swap3A_70, %swap3A_71] : memref<48x128xf32, #tpu.memory_space<vmem>>, vector<48x128xf32>
        tpu.vector_store %arg8[%swap3A_70, %swap3A_71], %mul3A_69 {strides = array<i32>} : memref<48x128xf32, #tpu.memory_space<vmem>>, vector<48x128xf32>,
        %mul3A_73 = arith.constant 128 : i32
        %mul3A_74 = arith.muli %scan3A_26, %mul3A_73 : i32
        %add3A_75 = vector.broadcast %mul3A_74 : i32 to vector<1x128xi32>
        %add3A_76 = arith.addi %add3A_75, %iota3A : vector<1x128xi32>
        %lt3A_77 = arith.constant 6000 : i32
        %lt3A_78 = vector.broadcast %lt3A_77 : i32 to vector<1x128xi32>
        %lt3A_79 = arith.cmpi slt, %add3A_76, %lt3A_78 : vector<1x128xi32>
        %convert_element_type3A_80 = arith.extui %lt3A_79 : vector<1x128xi1> to vector<1x128xi32>
        %convert_element_type3A_81 = arith.sitofp %convert_element_type3A_80 : vector<1x128xi32> to vector<1x128xf32>
        %mul3A_82 = arith.mulf %while3A_62#0, %convert_element_type3A_81 : vector<1x128xf32>
        %reduce_sum3A = vector.shape_cast %mul3A_82 : vector<1x128xf32> to vector<1x1x128xf32>
        %reduce_sum3A_83 = arith.constant dense<0.000000e+00> : vector<1xf32>
        %reduce_sum3A_84 = vector.multi_reduction <add>, %reduce_sum3A, %reduce_sum3A_83 [1, 2] : vector<1x1x128xf32> to vector<1xf32>
        %reduce_sum3A_85 = vector.shape_cast %reduce_sum3A_84 : vector<1xf32> to vector<1x1x1xf32>
        %reduce_sum3A_86 = vector.extract %reduce_sum3A_85[0, 0, 0] : f32 from vector<1x1x1xf32>
        %add3A_87 = arith.addf %scan3A_27, %reduce_sum3A_86 : f32
        scf.yield %add3A_87 : f32
      } else {
        scf.yield %scan3A_27 : f32
      }
      scf.yield %cond3A_30 : f32
    }
    %scan3A_25 = arith.constant 47 : i32
    return
  }
}

</mosaic_0001>

<sc_bundles>
// kernel: gather_offload_async_start
scs
__scs_entry_jumppad:
0x0: {  	(pc) =	sbr.rel $0x88, $3  }
0x1: {  	(tag) =	ssettag $0x0;
	lr =	simm.s32 $0x1  }
0x2: {  	[smem:$0x3F9F] =	sst lr;
	_ =	strace $0xD0000000  }
0x3: {  	_ = 	snop  }
0x4: {  	_ = 	snop  }
0x5: {  	_ = 	snop  }
0x6: {  	_ = 	snop  }
0x7: {  	_ = 	snop  }
__scs_overlays_trampoline_lowered:
0x8: {  	[smem:$0x3FAE] =	sst s0  }
0x9: {  	[smem:$0x3FAF] =	sst s1  }
0xa: {  	[smem:$0x3FB0] =	sst s2  }
0xb: {  	[smem:$0x3FB1] =	sst s3  }
0xc: {  	[smem:$0x3FB2] =	sst s4  }
0xd: {  	[smem:$0x3FB3] =	sst s5  }
0xe: {  	[smem:$0x3FB4] =	sst s6  }
0xf: {  	[smem:$0x3FB5] =	sst s7  }
0x10: {  	[smem:$0x3FB6] =	sst s8  }
0x11: {  	[smem:$0x3FB7] =	sst s9;
	s0 =	simm.s32 @!p0 $0x0  }
0x12: {  	s1 =	sld [smem:$0x3F9D];
	s0 =	simm.s32 @p0 $0x1  }
0x13: {  	[smem:$0x3FB8] =	sst s0;
	s0 =	simm.s32 @!p1 $0x0  }
0x14: {  	s2 =	sld [smem:$0x3F9C];
	s0 =	simm.s32 @p1 $0x1  }
0x15: {  	[smem:$0x3FB9] =	sst s0;
	s0 =	simm.s32 @!p2 $0x0  }
0x16: {  	s3 =	sld [smem:$0x3FDB];
	s0 =	simm.s32 @p2 $0x1  }
0x17: {  	s4 =	simm.s32 $0x1BF5;
	[smem:$0x3FBB] =	sst s0  }
0x18: {  	s0 =	sld [smem:$0x3F9E];
	_ =	swait.ge [sflag:s4], $0x0  }
0x19: {  	s7 =	sld [smem:$0x3F9F]  }
0x1a: {  	s8 =	sadd.s32 $0xFFFFE003, lr  }
0x1b: {  	s9 =	sadd.s32 $0xFFFFFEF7, lr;
	s5 =	simm.s32 $0xFFFFFFFF;
	p2 =	slt.u32 s8, $0xFFFFF086  }
0x1c: {  	p1 =	slt.u32 s9, $0xF7A;
	s5 =	simm.s32 @!p2 $0x0  }
0x1d: {  	s5 =	simm.s32 @p1 $0x1;
	p0 =	seq.s32 s7, s2  }
0x1e: {  	s7 =	smul.u32 @!p0 $0xF7A, s2;
	p2 =	seq.s32 @!p0 s5, $0x0  }
0x1f: {  	s9 =	smul.u32 $0xF7A, s1;
	s8 =	simm.s32 @!p0 $0x1BF5;
	p2 =	por !p2, p0  }
0x20: {  	[sflag:s8] =	ssyncset.s32 @!p0 $0xFFFFF086;
	s6 =	sadd.s32 @!p0 s3, s7;
	s7 =	simm.s32 @!p0 $0x108  }
0x21: {  	s3 =	sadd.s32 s3, s9;
	s6 =	sadd.s32 @!p0 $0x88, s6;
	s7 =	simm.s32 @p2 $0x1082  }
0x22: {  	[simem:s7], [sflag:s8] =	dma.local @!p0 [hbm:s6], $0xF7A  }
0x23: {  	s9 =	sor.u32 $0xD0000000, s2;
	s6 =	simm.s32 $0x108;
	_ =	swait.ge @!p0 [sflag:s8], $0x0  }
0x24: {  	s3 =	sadd.s32 $0x88, s3;
	s6 =	simm.s32 @!p1 $0x1082;
	[sflag:s4] =	ssyncset.s32 $0xFFFFF086  }
0x25: {  	[simem:s6], [sflag:s4] =	dma.local [hbm:s3], $0xF7A  }
0x26: {  	[smem:$0x3F9F] =	sst s1;
	(tag) =	ssettag s2;
	_ =	strace s9  }
0x27: {  	s1 =	sld [smem:$0x3FAF]  }
0x28: {  	s2 =	sld [smem:$0x3FB0]  }
0x29: {  	s4 =	sld [smem:$0x3FB2]  }
0x2a: {  	p0 =	seq.s32 s5, $0x0;
	s5 =	sld [smem:$0x3FB3]  }
0x2b: {  	s6 =	sld [smem:$0x3FB4]  }
0x2c: {  	s7 =	sld [smem:$0x3FB5]  }
0x2d: {  	s3 =	simm.s32 $0x108;
	s8 =	sld [smem:$0x3FB6]  }
0x2e: {  	s3 =	simm.s32 @!p0 $0x1082;
	s9 =	sld [smem:$0x3FB7]  }
0x2f: {  	lr =	sadd.s32 s0, s3;
	s0 =	sld [smem:$0x3FAE]  }
0x30: {  	s3 =	sld [smem:$0x3FB1]  }
0x31: {  	[smem:$0x3FBA] =	sst s10  }
0x32: {  	s10 =	sld [smem:$0x3FB8];
	_ =	sdelay $0x3  }
0x33: {  	p0 =	seq.s32 s10, $0x1;
	s10 =	sld [smem:$0x3FBA];
	_ =	sdelay $0x3  }
0x34: {  	[smem:$0x3FBA] =	sst s10  }
0x35: {  	s10 =	sld [smem:$0x3FB9];
	_ =	sdelay $0x3  }
0x36: {  	p1 =	seq.s32 s10, $0x1;
	s10 =	sld [smem:$0x3FBA];
	_ =	sdelay $0x3  }
0x37: {  	[smem:$0x3FBA] =	sst s10  }
0x38: {  	s10 =	sld [smem:$0x3FBB]  }
0x39: {  	_ = 	snop;
	(pc) =	sbr.ind lr, $3  }
0x3a: {  	_ = 	snop  }
0x3b: {  	_ = 	snop  }
0x3c: {  	p2 =	seq.s32 s10, $0x1;
	s10 =	sld [smem:$0x3FBA]  }
0x3d: {  	_ =	shalt  }
0x3e: {  	_ =	shalt  }
0x3f: {  	_ =	shalt  }
0x40: {  	_ =	shalt  }
0x41: {  	_ =	shalt  }
0x42: {  	_ =	shalt  }
0x43: {  	_ =	shalt  }
0x44: {  	_ =	shalt  }
0x45: {  	_ =	shalt  }
0x46: {  	_ =	shalt  }
0x47: {  	_ =	shalt  }
0x48: {  	_ =	shalt  }
0x49: {  	_ =	shalt  }
0x4a: {  	_ =	shalt  }
0x4b: {  	_ =	shalt  }
0x4c: {  	_ =	shalt  }
0x4d: {  	_ =	shalt  }
0x4e: {  	_ =	shalt  }
0x4f: {  	_ =	shalt  }
0x50: {  	_ =	shalt  }
0x51: {  	_ =	shalt  }
0x52: {  	_ =	shalt  }
0x53: {  	_ =	shalt  }
0x54: {  	_ =	shalt  }
0x55: {  	_ =	shalt  }
0x56: {  	_ =	shalt  }
0x57: {  	_ =	shalt  }
0x58: {  	_ =	shalt  }
0x59: {  	_ =	shalt  }
0x5a: {  	_ =	shalt  }
0x5b: {  	_ =	shalt  }
0x5c: {  	_ =	shalt  }
0x5d: {  	_ =	shalt  }
0x5e: {  	_ =	shalt  }
0x5f: {  	_ =	shalt  }
0x60: {  	_ =	shalt  }
0x61: {  	_ =	shalt  }
0x62: {  	_ =	shalt  }
0x63: {  	_ =	shalt  }
0x64: {  	_ =	shalt  }
0x65: {  	_ =	shalt  }
0x66: {  	_ =	shalt  }
0x67: {  	_ =	shalt  }
0x68: {  	_ =	shalt  }
0x69: {  	_ =	shalt  }
0x6a: {  	_ =	shalt  }
0x6b: {  	_ =	shalt  }
0x6c: {  	_ =	shalt  }
0x6d: {  	_ =	shalt  }
0x6e: {  	_ =	shalt  }
0x6f: {  	_ =	shalt  }
0x70: {  	_ =	shalt  }
0x71: {  	_ =	shalt  }
0x72: {  	_ =	shalt  }
0x73: {  	_ =	shalt  }
0x74: {  	_ =	shalt  }
0x75: {  	_ =	shalt  }
0x76: {  	_ =	shalt  }
0x77: {  	_ =	shalt  }
0x78: {  	_ =	shalt  }
0x79: {  	_ =	shalt  }
0x7a: {  	_ =	shalt  }
0x7b: {  	_ =	shalt  }
0x7c: {  	_ =	shalt  }
0x7d: {  	_ =	shalt  }
0x7e: {  	_ =	shalt  }
0x7f: {  	_ =	shalt  }
0x80: {  	_ =	shalt  }
0x81: {  	_ =	shalt  }
0x82: {  	_ =	shalt  }
0x83: {  	_ =	shalt  }
0x84: {  	_ =	shalt  }
0x85: {  	_ =	shalt  }
0x86: {  	_ =	shalt  }
0x87: {  	_ =	shalt  }
.Lfunc_end0:
.L_simem_size_0:
called_computation_lowered:
.L_overlay_start_0:
0x88: {  	s0 =	sld [smem:$0x3FD9]  }
0x89: {  	s1 =	sld [smem:$0x3FFE];
	_ =	sdelay $0x3  }
0x8a: {  	s0 =	sadd.s32 s1, s0  }
0x8b: {  	[smem:$0x3FC6] =	sst s0  }
0x8c: {  	_ = 	snop  }
0x8d: {  	s0 =	sld [smem:$0x3FD0];
	(tm) =	ssettm $0x1  }
0x8e: {  	s16 =	sld [smem:$0x3FFB];
	_ =	sdelay $0x3  }
0x8f: {  	_ =	strace s16  }
0x90: {  	s1 =	sld [smem:$0x3FFC];
	_ =	sdelay $0x3  }
0x91: {  	_ =	strace s1  }
0x92: {  	s1 =	sld [smem:$0x3FFD];
	_ =	sdelay $0x3  }
0x93: {  	_ =	strace s1  }
0x94: {  	_ =	strace $0x8FFFFFFF  }
0x95: {  	s17 =	sld [smem:$0x3FDB];
	_ =	sdelay $0x1  }
0x96: {  	s2 =	simm.s32 $_scs_section_size  }
0x97: {  	s3 =	simm.s32 $_size__tile_overlayer_lowered;
	s4 =	simm.s32 $_tile_overlayer_lowered  }
0x98: {  	s20 =	simm.s32 $0x1BFF;
	s19 =	sshll.u32 s4, $0x1;
	s1 =	sadd.s32 s2, s17  }
0x99: {  	s5 =	simm.s32 $0x0;
	s18 =	sshll.u32 s3, $0x1;
	s3 =	sadd.s32 s19, s1  }
0x9a: {  	[timem:s5], [sflag:s20] =	dma.local [hbm:s3], s18  }
0x9b: {  	_ =	swait.ge [sflag:s20], s18  }
0x9c: {  	s2 =	ssub.s32 $0x0, s18;
	[sflag:s20] =	ssyncset.done $0x0  }
0x9d: {  	[sflag:s20] =	ssyncadd.s32 s2;
	_ =	sdelay $0x1  }
0x9e: {  	s21 =	simm.s32 $0x1B8B  }
0x9f: {  	_ =	swait.ge [sflag:s21], $0x1  }
0xa0: {  	[sflag:s21] =	ssyncset.done $0x0  }
0xa1: {  	s23 =	simm.s32 $0x1B8E;
	s22 =	sld [smem:$0x3FFE];
	[sflag:s21] =	ssyncadd.s32 $0xFFFFFFFF  }
0xa2: {  	s24 =	simm.s32 $execute0_lowered;
	[smem:$0x3FD2] =	sst s23  }
0xa3: {  	s3 =	sshll.u32 s24, $0x1;
	_ =	strace $0x80000046;
	[dreg:$0x1] =	wrdreg $0xFFFFFFFF  }
0xa4: {  	s25 =	simm.s32 $_size_execute0_lowered;
	s1 =	sadd.s32 s1, s3;
	[dreg:$0x0] =	wrdreg $0x0  }
0xa5: {  	s3 =	sshll.u32 s25, $0x1;
	[dreg:$0x2] =	wrdreg s1  }
0xa6: {  	[dreg:$0x3] =	wrdreg s3  }
0xa7: {  	[dreg:$0x4] =	wrdreg $0xC0  }
0xa8: {  	_ =	task [dreg:s5], $0x5FFFF  }
0xa9: {  	[dreg:$0x1] =	wrdreg $0xFFFFFFFF  }
0xaa: {  	[dreg:$0x0] =	wrdreg $0x60  }
0xab: {  	[dreg:$0x2] =	wrdreg s22  }
0xac: {  	[dreg:$0x3] =	wrdreg s0  }
0xad: {  	[dreg:$0x4] =	wrdreg $0x9  }
0xae: {  	_ =	task.clear_ibuf [dreg:s5], $0x5FFFF;
	_ =	strace $0x90000046  }
0xaf: {  	s26 =	simm.s32 $0x9;
	_ =	strace $0x80000048  }
0xb0: {  	_ =	swait.ge [sflag:s26], $0x1  }
0xb1: {  	[sflag:s26] =	ssyncadd.s32 $0xFFFFFFFF  }
0xb2: {  	_ =	strace $0x90000048  }
0xb3: {  	_ =	sfence  }
0xb4: {  	s28 =	sld [smem:$0x0];
	_ =	sdelay $0x1  }
0xb5: {  	s29 =	srdreg.scid  }
0xb6: {  	s30 =	sshll.u32 s29, $0xD;
	s31 =	sshrl.u32 s29, $0x2  }
0xb7: {  	s2 =	sand.u32 $0x4000, s30;
	s1 =	sand.u32 $0x1, s29;
	s0 =	sadd.s32 s31, s28  }
0xb8: {  	s1 =	sor.u32 s2, s1;
	s0 =	sshll.u32 s0, $0x11  }
0xb9: {  	s0 =	sor.u32 s0, s1  }
0xba: {  	s0 =	sadd.s32 $0x8F2B, s0  }
0xbb: {  	[sflag:s0] =	ssyncadd.remote.s32 $0x1  }
0xbc: {  	_ =	sfence.sel $0xFFFF  }
0xbd: {  	[dreg:$0x0] =	wrdreg $0xFFFFFFFF;
	(pc) =	sbr.abs _section_cstart, $3  }
0xbe: {  	[dreg:$0x1] =	wrdreg $0xFFFFFFFF  }
0xbf: {  	_ =	task.clear_ibuf [dreg:s5], $0x2FFFF;
	_ =	strace $0x9FFFFFFF  }
0xc0: {  	(tm) =	ssettm $0x7FFFFFFF  }
0xc1: {  	_ =	shalt  }
tec
execute0_lowered:
.L_overlay_start_1:
0x0: {  	(tag) =	ssettag $0x1  }
0x1: {  	s0 =	stileid.u32  }
0x2: {  	s1 =	smin.u32 s0, $0xE  }
0x3: {  	s1 =	sadd.s32 s0, s1  }
0x4: {  	s2 =	simm.s32 $0x190;
	p0 =	slt.u32 s0, $0xE;
	s1 =	smul.u32 $0xC8, s1  }
0x5: {  	s2 =	simm.s32 @!p0 $0xC8  }
0x6: {  	s2 =	sadd.s32 s2, s1  }
0x7: {  	s3 =	smin.u32 s2, $0x1770  }
0x8: {  	s7 =	ssub.s32 s3, s1  }
0x9: {  	p0 =	sgt.s32 s7, $0x0  }
0xa: {  	s7 =	simm.s32 @!p0 $0x0  }
0xb: {  	s31 =	sand.u32 $0xFFF8, s7  }
0xc: {  	s2 =	sshrl.u32 s31, $0x3  }
0xd: {  	s4 =	rddreg [dreg:$0x0];
	s2 =	smul.u32 $0x147B, s2  }
0xe: {  	s5 =	rddreg [dreg:$0x1]  }
0xf: {  	s6 =	simm.s32 $0x1;
	s10 =	simm.s32 $0x3;
	s8 =	sshrl.u32 s2, $0x11  }
0x10: {  	s13 =	simm.s32 $0x0;
	s12 =	simm.s32 $0x0;
	s9 =	smul.u32 $0xC8, s8  }
.Ltmp0:
0x11: {  	s11 =	smov.u32 s1;
	s2 =	rddreg [dreg:$0x2];
	(pc) =	sbr.rel .LBB2_1-.Ltmp0, $4  }
0x12: {  	_ =	strace $0x80000047;
	p0 =	sne.s32 s7, s9;
	s9 =	simm.s32 $0x1  }
0x13: {  	[sflag:s6] =	ssyncpa.u1 $0x0;
	s7 =	simm.s32 $0x2;
	s9 =	simm.s32 @!p0 $0x0  }
0x14: {  	[sflag:s7] =	ssyncpa.u1 $0x0;
	p0 =	por $0x0, $0x0;
	s8 =	sadd.s32 s8, s9  }
0x15: {  	vm0 =	vmmov $0xff;
	vm1 =	vcmask $0x3F20;
	s9 =	sadd.s32 $0x4E200, s4;
	[sflag:s10] =	ssyncpa.u1 $0x0;
	s10 =	sadd.s32 $0x1, s8  }
.LBB2_6:
0x16: {  	[hbm:s17] =	stream.linear.scatter [tilespmem:s14], [sflag:$0x3], $0x400, $0x38;
	[tilespmem:$0xC990] =	vst v63  }
.LBB2_7:
0x17: {  	s13 =	sadd.s32 $0xC8, s11  }
0x18: {  	s15 =	smov.u32 s1;
	p2 =	slt.s32 s13, s3  }
0x19: {  	s15 =	smov.u32 @p2 s13;
	p2 =	sne.s32 s12, s10  }
.Ltmp1:
0x1a: {  	p1 =	slt.u32 s12, $0x2;
	(pc) =	sbr.rel @!p2 .LBB2_8-.Ltmp1, $4  }
0x1b: {  	s14 =	simm.s32 @!p1 $0x3  }
0x1c: {  	s16 =	sadd.s32 $0x1, s12;
	_ =	swait.ge @!p1 [sflag:s14], $0x6400  }
0x1d: {  	p0 =	por !p0, !p0;
	s13 =	smov.u32 s11;
	[sflag:s14] =	ssyncset.done @!p1 $0x0  }
0x1e: {  	s12 =	smov.u32 s16;
	s11 =	smov.u32 s15;
	[sflag:s14] =	ssyncadd.s32 @!p1 $0xFFFF9C00  }
.LBB2_1:
0x1f: {  	p1 =	sge.u32 s12, s8  }
0x20: {  	s14 =	sxor.u32 @!p1 $0xFFFFFFFF, s12  }
0x21: {  	s14 =	sand.u32 @!p1 $0x1, s14  }
0x22: {  	s14 =	smul.u32 @!p1 $0x320, s14  }
0x23: {  	s31 =	sadd.s32 $0xFFFFFFFF, s12;
	s15 =	sshrl.u32 @!p1 s11, $0x3  }
0x24: {  	s16 =	sand.u32 @!p1 $0x7, s11;
	s15 =	sadd.s32 @!p1 s5, s15;
	s14 =	sshrl.u32 @!p1 s14, $0x2  }
0x25: {  	[tilespmem:s14], [sflag:$0x2] =	stream.linear.gather @!p1 [hbm4b:s15+s16], $0xC8, $0x38;
	[tilespmem:$0xC990] =	vst v63  }
0x26: {  	p1 =	sge.u32 s31, s8  }
.Ltmp2:
0x27: {  	_ = 	snop;
	(pc) =	sbr.rel @p1 .LBB2_7-.Ltmp2, $1  }
0x28: {  	_ =	sdelay $0x3  }
0x29: {  	s14 =	simm.s32 $0x1  }
0x2a: {  	s14 =	simm.s32 @!p0 $0x0  }
0x2b: {  	s15 =	smul.u32 $0x320, s14  }
0x2c: {  	_ =	swait.ge [sflag:s7], $0xC8  }
0x2d: {  	[sflag:s7] =	ssyncset.done $0x0;
	s16 =	sshrl.u32 s15, $0x2  }
0x2e: {  	[sflag:s7] =	ssyncadd.s32 $0xFFFFFF38;
	s15 =	sadd.s32 $0x0, s16  }
0x2f: {  	v0 =	vld.msk [tilespmem:s15+$0x0 ss:$0x1], $0xffff;
	_ =	sdelay $0x4  }
0x30: {  	vm2 =	vgt.s32 v0, $0x0  }
0x31: {  	v0 =	vnsel vm2, $0x0, v0  }
0x32: {  	v0 =	vmin.u32 v0, $0x4E1F  }
0x33: {  	v0 =	vshll.u32 v0, $0x4  }
0x34: {  	s14 =	smul.u32 $0x19000, s14  }
0x35: {  	s31 =	sand.u32 $0x1, s12  }
0x36: {  	s17 =	smul.u32 $0x320, s31;
	s14 =	sshrl.u32 s14, $0x2  }
0x37: {  	s19 =	smul.u32 $0x19000, s31;
	s14 =	sor.u32 $0x190, s14  }
0x38: {  	[tilespmem:s14], [sflag:$0x1] =	stream.indirect_vreg.gather [hbm:s4], $0x80, v0, vm0, $0x38;
	[tilespmem:$0xC990] =	vst v63  }
0x39: {  	s18 =	sshrl.u32 s17, $0x2;
	s20 =	sadd.s32 $0x10, s16;
	s15 =	sadd.s32 $0x400, s14  }
0x3a: {  	[tilespmem:s15], [sflag:$0x1] =	stream.indirect_vreg.gather [hbm:s4], $0x80, v0, vm1, $0x38;
	[tilespmem:$0xC990] =	vst v63  }
0x3b: {  	s17 =	sshrl.u32 s19, $0x2;
	s19 =	smov.u32 s14;
	v0 =	vld.msk [tilespmem:s20+$0x0 ss:$0x1], $0xffff;
	s20 =	simm.s32 $0x80  }
.LBB2_3:
0x3c: {  	p1 =	sne.s32 s20, $0x2C0;
	_ =	sdelay $0x4  }
0x3d: {  	vm2 =	vgt.s32 v0, $0x0  }
0x3e: {  	v0 =	vnsel vm2, $0x0, v0  }
0x3f: {  	v0 =	vmin.u32 v0, $0x4E1F  }
0x40: {  	v0 =	vshll.u32 v0, $0x4;
	_ =	sdelay $0x3  }
.Ltmp3:
0x41: {  	s21 =	sshra.s32 s20, $0x2;
	s19 =	sadd.s32 $0x800, s19;
	(pc) =	sbr.rel @p1 .LBB2_3-.Ltmp3, $4  }
0x42: {  	[tilespmem:s19], [sflag:$0x1] =	stream.indirect_vreg.gather [hbm:s4], $0x80, v0, vm0, $0x38;
	[tilespmem:$0xC990] =	vst v63  }
0x43: {  	s21 =	sadd.s32 s21, s16;
	s22 =	sadd.s32 $0x400, s19  }
0x44: {  	[tilespmem:s22], [sflag:$0x1] =	stream.indirect_vreg.gather [hbm:s4], $0x80, v0, vm1, $0x38;
	[tilespmem:$0xC990] =	vst v63  }
0x45: {  	s20 =	sadd.s32 $0x40, s20;
	v0 =	vld.msk [tilespmem:s21+$0x0 ss:$0x1], $0xffff  }
0x46: {  	_ =	sdelay $0x3  }
0x47: {  	vm2 =	vgt.s32 v0, $0x0  }
0x48: {  	v0 =	vnsel vm2, $0x0, v0  }
0x49: {  	v0 =	vmin.u32 v0, $0x4E1F  }
0x4a: {  	v0 =	vshll.u32 v0, $0x4;
	_ =	sdelay $0x3  }
0x4b: {  	s16 =	sadd.s32 $0x800, s19  }
0x4c: {  	[tilespmem:s16], [sflag:$0x1] =	stream.indirect_vreg.gather [hbm:s4], $0x80, v0, vm0, $0x38;
	[tilespmem:$0xC990] =	vst v63  }
0x4d: {  	s16 =	sadd.s32 $0x400, s16  }
0x4e: {  	[tilespmem:s16], [sflag:$0x1] =	stream.indirect_vreg.gather [hbm:s4], $0x80, v0, vm1, $0x38;
	[tilespmem:$0xC990] =	vst v63  }
0x4f: {  	v0 =	vld.msk [tilespmem:s18+$0xC0 ss:$0x1], $0xff;
	_ =	sdelay $0x4  }
0x50: {  	vm2 =	vgt.s32 v0, $0x0  }
0x51: {  	v0 =	vnsel vm2, $0x0, v0  }
0x52: {  	v0 =	vmin.u32 v0, $0x4E1F  }
0x53: {  	v0 =	vshll.u32 v0, $0x4;
	_ =	sdelay $0x3  }
0x54: {  	s31 =	sadd.s32 $0x6190, s17  }
0x55: {  	[tilespmem:s31], [sflag:$0x1] =	stream.indirect_vreg.gather [hbm:s4], $0x80, v0, vm0, $0x38;
	[tilespmem:$0xC990] =	vst v63  }
0x56: {  	s13 =	sshll.u32 s13, $0x4;
	_ =	swait.ge [sflag:s6], $0x6400  }
0x57: {  	s13 =	sadd.s32 s13, s9;
	[sflag:s6] =	ssyncset.done $0x0  }
0x58: {  	s17 =	sadd.s32 $0x0, s13;
	s16 =	simm.s32 $0x80;
	[sflag:s6] =	ssyncadd.s32 $0xFFFF9C00  }
.LBB2_5:
0x59: {  	[hbm:s17] =	stream.linear.scatter [tilespmem:s14], [sflag:$0x3], $0x400, $0x38;
	[tilespmem:$0xC990] =	vst v63  }
0x5a: {  	s17 =	smov.u32 s16;
	s14 =	smov.u32 s15;
	p1 =	sne.s32 s16, $0xC00  }
.Ltmp4:
0x5b: {  	s16 =	sadd.s32 $0x80, s16;
	(pc) =	sbr.rel @p1 .LBB2_5-.Ltmp4, $2  }
0x5c: {  	_ =	sdelay $0x2  }
0x5d: {  	s15 =	sadd.s32 $0x400, s15;
	s17 =	sadd.s32 s17, s13  }
.Ltmp5:
0x5e: {  	_ = 	snop;
	(pc) =	sbr.rel .LBB2_6-.Ltmp5, $1  }
0x5f: {  	_ =	sdelay $0x3  }
.LBB2_8:
0x60: {  	_ =	sfence.sel $0x180000  }
0x61: {  	s1 =	simm.s32 $0x2;
	[bflag:$0x0] =	sbarrier.arrive $0xFFFF  }
0x62: {  	s30 =	simm.s32 $0x3;
	[sflag:s1] =	ssyncpa.u1 $0x1  }
0x63: {  	s31 =	simm.s32 $0x1;
	[sflag:s30] =	ssyncpa.u1 $0x1  }
0x64: {  	[sflag:s31] =	ssyncpa.u1 $0x1  }
0x65: {  	p0 =	sne.s32 s0, $0x0;
	_ =	strace $0x90000047  }
0x66: {  	s0 =	sadd.s32 @!p0 $0x100000, s2;
	[bflag:$0x2] =	sbarrier.arrive $0xFFFF  }
0x67: {  	[sflag:s0] =	ssyncadd.tile.s32 @!p0 $0x1;
	_ =	shalt  }
.Lfunc_end2:
_tile_overlayer_lowered:
.L_overlay_start_2:
0x68: {  	(tag) =	ssettag $0x2  }
0x69: {  	s0 =	rddreg [dreg:$0x0];
	s2 =	stileid.u32  }
0x6a: {  	s1 =	rddreg [dreg:$0x1];
	p0 =	sne.s32 s2, $0x0  }
0x6b: {  	s3 =	rddreg [dreg:$0x2];
	[bflag:$0x3] =	sbarrier.arrive $0xFFFF;
	s2 =	simm.s32 @!p0 $0x1C01  }
0x6c: {  	[timem:s3], [sflag:s2] =	dma.local @!p0 [hbm:s0], s1  }
0x6d: {  	s0 =	simm.s32 @!p0 $0x1  }
0x6e: {  	_ =	swait.ge @!p0 [sflag:s0], s1  }
0x6f: {  	s1 =	ssub.s32 @!p0 $0x0, s1;
	[sflag:s0] =	ssyncset.done @!p0 $0x0  }
0x70: {  	[sflag:s0] =	ssyncadd.s32 @!p0 s1  }
0x71: {  	[bflag:$0x3] =	sbarrier.arrive $0xFFFF  }
0x72: {  	_ =	shalt  }

</sc_bundles>
